<compile_context>
chip_gen: v7x
topology: tpu7x:2x2x1
jax: 0.10.2.dev20260603
libtpu: 0.0.44.dev20260713+nightly
codegen_flags: <defaults>
</compile_context>

<pallas_src>
import functools

import jax
import jax.numpy as jnp
from jax import lax
from jax.experimental import pallas as pl
from jax.experimental.pallas import tpu as pltpu
from jax.experimental.pallas import tpu_sc as plsc

N_NODES = 10000
N_EDGES = 320000
DIM = 128
HID = 128
ACT = 8
GRP = 64

NC = 2
NS = 16
NW = NC * NS
CH = 128
EPT = N_EDGES // NW
NFC = EPT // CH
TAIL = EPT - NFC * CH
NPAD = 10112
RPT = NPAD // NS
JUNK = N_NODES

_MESH = plsc.VectorSubcoreMesh(core_axis_name="c", subcore_axis_name="s")



def _deg_body(dst_hbm, out_hbm, dv, cnt, sem):
    ci = lax.axis_index("c")
    si = lax.axis_index("s")
    wid = ci * NS + si

    def z(i, carry):
        cnt[pl.ds(i * 16, 16)] = jnp.zeros((16,), jnp.float32)
        return carry

    lax.fori_loop(0, NPAD // 16, z, 0)
    pltpu.sync_copy(dst_hbm.at[pl.ds(wid * EPT, EPT)], dv)

    ones = jnp.ones((16,), jnp.float32)

    def body(i, carry):
        plsc.addupdate_scatter(cnt, [dv[pl.ds(i * 16, 16)]], ones)
        return carry

    lax.fori_loop(0, EPT // 16, body, 0)
    pltpu.sync_copy(cnt, out_hbm.at[wid])


_deg_call = functools.partial(
    pl.kernel,
    out_type=jax.ShapeDtypeStruct((NW, NPAD), jnp.float32),
    mesh=_MESH,
    compiler_params=pltpu.CompilerParams(needs_layout_passes=False),
    scratch_types=[
        pltpu.VMEM((EPT,), jnp.int32),
        pltpu.VMEM((NPAD,), jnp.float32),
        pltpu.SemaphoreType.DMA,
    ],
)(_deg_body)


def _edge_body(h_hbm, src_hbm, dst_hbm, zeros_hbm, out_hbm,
               sidx, dstv, rows, acc, gsem, ssem, dsem, isem):
    ci = lax.axis_index("c")
    si = lax.axis_index("s")
    wid = ci * NS + si
    base = wid * EPT
    row0 = si * RPT
    pltpu.sync_copy(zeros_hbm.at[pl.ds(row0, RPT)], acc.at[pl.ds(row0, RPT)])
    pltpu.sync_copy(dst_hbm.at[pl.ds(base, CH)], dstv.at[0])
    pltpu.sync_copy(src_hbm.at[pl.ds(base, CH)], sidx.at[0])
    pltpu.async_copy(src_hbm.at[pl.ds(base + CH, CH)], sidx.at[1], isem)
    pltpu.async_copy(h_hbm.at[sidx.at[0]], rows.at[0], gsem.at[0])
    plsc.subcore_barrier()

    def body(c, carry):
        nxt = c + 1

        @pl.when(nxt < NFC)
        def _():
            pltpu.make_async_copy(
                src_hbm.at[pl.ds(base + nxt * CH, CH)], sidx.at[nxt % 2],
                isem).wait()

            @pl.when(c >= 1)
            def _():
                pltpu.make_async_copy(
                    rows.at[nxt % 2], acc.at[dstv.at[nxt % 2]],
                    ssem.at[nxt % 2]).wait()

            pltpu.async_copy(
                h_hbm.at[sidx.at[nxt % 2]], rows.at[nxt % 2],
                gsem.at[nxt % 2])
            pltpu.async_copy(
                dst_hbm.at[pl.ds(base + nxt * CH, CH)], dstv.at[nxt % 2],
                dsem.at[nxt % 2])

        pltpu.make_async_copy(
            h_hbm.at[sidx.at[c % 2]], rows.at[c % 2], gsem.at[c % 2]).wait()

        @pl.when(c + 2 < NFC)
        def _():
            pltpu.async_copy(
                src_hbm.at[pl.ds(base + (c + 2) * CH, CH)], sidx.at[c % 2],
                isem)

        @pl.when(c >= 1)
        def _():
            pltpu.make_async_copy(
                dst_hbm.at[pl.ds(base + c * CH, CH)], dstv.at[c % 2],
                dsem.at[c % 2]).wait()

        pltpu.async_copy(rows.at[c % 2], acc.at[dstv.at[c % 2]],
                         ssem.at[c % 2], add=True)
        return carry

    lax.fori_loop(0, NFC, body, 0)
    pltpu.make_async_copy(
        rows.at[(NFC - 1) % 2], acc.at[dstv.at[(NFC - 1) % 2]],
        ssem.at[(NFC - 1) % 2]).wait()
    pltpu.make_async_copy(
        rows.at[(NFC - 2) % 2], acc.at[dstv.at[(NFC - 2) % 2]],
        ssem.at[(NFC - 2) % 2]).wait()
    tb = base + NFC * CH
    pltpu.sync_copy(src_hbm.at[pl.ds(tb, TAIL)], sidx.at[0, pl.ds(0, TAIL)])
    pltpu.sync_copy(dst_hbm.at[pl.ds(tb, TAIL)], dstv.at[0, pl.ds(0, TAIL)])
    for k in range(TAIL // 16, CH // 16):
        dstv[0, pl.ds(k * 16, 16)] = jnp.full((16,), JUNK + k, jnp.int32)
    pltpu.async_copy(h_hbm.at[sidx.at[0, pl.ds(0, TAIL)]],
                     rows.at[0, pl.ds(0, TAIL)], gsem.at[0])
    pltpu.make_async_copy(h_hbm.at[sidx.at[0, pl.ds(0, TAIL)]],
                          rows.at[0, pl.ds(0, TAIL)], gsem.at[0]).wait()
    pltpu.sync_copy(rows.at[0], acc.at[dstv.at[0]], add=True)
    plsc.subcore_barrier()
    pltpu.sync_copy(acc.at[pl.ds(row0, RPT)], out_hbm.at[ci, pl.ds(row0, RPT)])


_edge_call = functools.partial(
    pl.kernel,
    out_type=jax.ShapeDtypeStruct((NC, NPAD, HID), jnp.float32),
    mesh=_MESH,
    scratch_types=[
        pltpu.VMEM((2, CH), jnp.int32),
        pltpu.VMEM((2, CH), jnp.int32),
        pltpu.VMEM((2, CH, HID), jnp.float32),
        pltpu.VMEM_SHARED((NPAD, HID), jnp.float32),
        pltpu.SemaphoreType.DMA((2,)),
        pltpu.SemaphoreType.DMA((2,)),
        pltpu.SemaphoreType.DMA((2,)),
        pltpu.SemaphoreType.DMA,
    ],
)(_edge_body)



def _split_body(ei_ref, src_ref, dst_ref, zeros_ref):
    src_ref[...] = ei_ref[0, :]
    dst_ref[...] = ei_ref[1, :]
    zeros_ref[...] = jnp.zeros((NPAD, HID), jnp.float32)


def _split_call(edge_index):
    return pl.pallas_call(
        _split_body,
        out_shape=[
            jax.ShapeDtypeStruct((N_EDGES,), jnp.int32),
            jax.ShapeDtypeStruct((N_EDGES,), jnp.int32),
            jax.ShapeDtypeStruct((NPAD, HID), jnp.float32),
        ],
    )(edge_index)


def _mm_body(x_ref, w_ref, h_ref):
    h_ref[...] = jnp.dot(x_ref[...], w_ref[...],
                         preferred_element_type=jnp.float32)


def _mm_call(x, w):
    return pl.pallas_call(
        _mm_body,
        out_shape=jax.ShapeDtypeStruct((N_NODES, HID), jnp.float32),
    )(x, w)


def _prep_body(h_ref, degp_ref, dinv_ref, hs_ref):
    deg = 1.0 + jnp.sum(degp_ref[...][:, : N_NODES], axis=0)
    dinv = 1.0 / jnp.sqrt(deg)
    dinv_b = jnp.broadcast_to(dinv[:, None], (N_NODES, HID))
    dinv_ref[...] = dinv_b[:, :16]
    hs_ref[...] = h_ref[...] * dinv_b


def _prep_call(h, degp):
    return pl.pallas_call(
        _prep_body,
        out_shape=[
            jax.ShapeDtypeStruct((N_NODES, 16), jnp.float32),
            jax.ShapeDtypeStruct((N_NODES, HID), jnp.float32),
        ],
    )(h, degp)


def _mid_body(scat_ref, hs_ref, dinv_ref, b_ref, w_ref, out_ref):
    s = scat_ref[0, : N_NODES, :] + scat_ref[1, : N_NODES, :] + hs_ref[...]
    dinv_b = jnp.broadcast_to(dinv_ref[...][:, :1], (N_NODES, HID))
    h = jnp.maximum(dinv_b * s + b_ref[...], 0.0)
    out_ref[...] = jnp.dot(h, w_ref[...],
                           preferred_element_type=jnp.float32) * dinv_b


def _mid_call(scat, hs, dinv, b, w):
    return pl.pallas_call(
        _mid_body,
        out_shape=jax.ShapeDtypeStruct((N_NODES, HID), jnp.float32),
    )(scat, hs, dinv, b, w)


def _post_body(scat_ref, hs_ref, dinv_ref, b_ref, wa_ref, ba_ref, ls_ref,
               wc1_ref, bc1_ref, wc2_ref, bc2_ref, batch_ref,
               mean_ref, std_ref, value_ref):
    s = scat_ref[0, : N_NODES, :] + scat_ref[1, : N_NODES, :] + hs_ref[...]
    dinv_b = jnp.broadcast_to(dinv_ref[...][:, :1], (N_NODES, HID))
    h2 = jnp.maximum(dinv_b * s + b_ref[...], 0.0)
    mean_ref[...] = jnp.tanh(
        jnp.dot(h2, wa_ref[...], preferred_element_type=jnp.float32)
        + ba_ref[...])
    std_ref[...] = jnp.exp(jnp.broadcast_to(ls_ref[...], (N_NODES, ACT)))
    seg = lax.broadcasted_iota(jnp.int32, (1, GRP), 1)
    onehot = (batch_ref[...] == seg).astype(jnp.float32)
    sums = lax.dot_general(onehot, h2, (((0,), (0,)), ((), ())),
                           preferred_element_type=jnp.float32)
    cnts = lax.dot_general(onehot, jnp.ones((N_NODES, 1), jnp.float32),
                           (((0,), (0,)), ((), ())),
                           preferred_element_type=jnp.float32)
    gx = sums / jnp.maximum(cnts, 1.0)
    hid = jnp.maximum(
        jnp.dot(gx, wc1_ref[...], preferred_element_type=jnp.float32)
        + bc1_ref[...], 0.0)
    value_ref[...] = (
        jnp.dot(hid, wc2_ref[...], preferred_element_type=jnp.float32)
        + bc2_ref[...])


def _post_call(scat, hs, dinv, b, wa, ba, ls, wc1, bc1, wc2, bc2, batch2d):
    return pl.pallas_call(
        _post_body,
        out_shape=[
            jax.ShapeDtypeStruct((N_NODES, ACT), jnp.float32),
            jax.ShapeDtypeStruct((N_NODES, ACT), jnp.float32),
            jax.ShapeDtypeStruct((GRP, 1), jnp.float32),
        ],
    )(scat, hs, dinv, b, wa, ba, ls, wc1, bc1, wc2, bc2, batch2d)



def kernel(x, edge_index, batch, W1, b1, W2, b2, Wa, ba, log_std,
           Wc1, bc1, Wc2, bc2):
    src, dst, zeros_h = _split_call(edge_index)

    h0 = _mm_call(x, W1)
    degp = _deg_call(dst)
    dinv, hs1 = _prep_call(h0, degp)
    scat1 = _edge_call(hs1, src, dst, zeros_h)
    hs2 = _mid_call(scat1, hs1, dinv, b1.reshape(1, HID), W2)
    scat2 = _edge_call(hs2, src, dst, zeros_h)
    mean, std, value = _post_call(
        scat2, hs2, dinv, b2.reshape(1, HID), Wa, ba.reshape(1, ACT),
        log_std, Wc1, bc1.reshape(1, GRP), Wc2, bc2.reshape(1, 1),
        batch.reshape(N_NODES, 1))
    return (mean, std, value)

# --- scband reference (transcript-rebuilt; emitter-appended) ---
"""Pipeline reference for scband-actor-critic-gnn-mappo-28192165331264 (READ-ONLY COPY).

The authoritative reference and input builder live on the scoring server;
editing this copy changes nothing except your own understanding.
"""

import jax, jax.numpy as jnp
import numpy as np

N = 10000
E = 320000
D = 128
H = 128
A = 8
G = 64


def setup_inputs(seed: int = 0) -> dict:
    key = jax.random.key(seed)
    ks = jax.random.split(key, 16)
    x = jax.random.normal(ks[0], (N, D), dtype=jnp.float32)
    edge_index = jax.random.randint(ks[1], (2, E), 0, N, dtype=jnp.int32)
    batch = jnp.sort(jax.random.randint(ks[2], (N,), 0, G, dtype=jnp.int32))
    W1 = jax.random.normal(ks[3], (D, H), dtype=jnp.float32) * 0.05
    b1 = jnp.zeros((H,), dtype=jnp.float32)
    W2 = jax.random.normal(ks[4], (H, H), dtype=jnp.float32) * 0.05
    b2 = jnp.zeros((H,), dtype=jnp.float32)
    Wa = jax.random.normal(ks[5], (H, A), dtype=jnp.float32) * 0.05
    ba = jnp.zeros((A,), dtype=jnp.float32)
    log_std = jnp.zeros((1, A), dtype=jnp.float32)
    Wc1 = jax.random.normal(ks[6], (H, 64), dtype=jnp.float32) * 0.05
    bc1 = jnp.zeros((64,), dtype=jnp.float32)
    Wc2 = jax.random.normal(ks[7], (64, 1), dtype=jnp.float32) * 0.05
    bc2 = jnp.zeros((1,), dtype=jnp.float32)
    return {"x": x, "edge_index": edge_index, "batch": batch, "W1": W1, "b1": b1,
            "W2": W2, "b2": b2, "Wa": Wa, "ba": ba, "log_std": log_std,
            "Wc1": Wc1, "bc1": bc1, "Wc2": Wc2, "bc2": bc2}


def _gcn_conv(x, src, dst, W, b):
    # GCNConv with self-loops and symmetric normalization: D^-1/2 (A+I) D^-1/2 X W + b
    loop = jnp.arange(N, dtype=src.dtype)
    s = jnp.concatenate([src, loop])
    d = jnp.concatenate([dst, loop])
    deg = jnp.zeros((N,), x.dtype).at[d].add(1.0)
    dinv = 1.0 / jnp.sqrt(deg)
    norm = dinv[s] * dinv[d]
    h = x @ W
    msg = h[s] * norm[:, None]
    out = jnp.zeros((N, W.shape[1]), x.dtype).at[d].add(msg)
    return out + b


def reference(x, edge_index, batch, W1, b1, W2, b2, Wa, ba, log_std, Wc1, bc1, Wc2, bc2):
    src, dst = edge_index[0], edge_index[1]
    h = jax.nn.relu(_gcn_conv(x, src, dst, W1, b1))
    h = jax.nn.relu(_gcn_conv(h, src, dst, W2, b2))
    mean = jnp.tanh(h @ Wa + ba)
    std = jnp.exp(jnp.broadcast_to(log_std, mean.shape))
    # global_mean_pool over batch segments
    sums = jax.ops.segment_sum(h, batch, num_segments=G)
    cnts = jax.ops.segment_sum(jnp.ones((N,), h.dtype), batch, num_segments=G)
    gx = sums / jnp.maximum(cnts, 1.0)[:, None]
    value = jax.nn.relu(gx @ Wc1 + bc1) @ Wc2 + bc2
    return (mean, std, value)

if __name__ == "__main__":
    import jax
    _d = setup_inputs()
    print(jax.jit(kernel)(*tuple(_d.values())))

</pallas_src>

<mosaic_0001>
#map = affine_map<(d0, d1) -> (0)>
#map1 = affine_map<(d0, d1) -> (0, 0)>
module attributes {stable_mosaic.version = 14 : i64} {
  func.func @_deg_body(%arg0: i32, %arg1: i32, %arg2: memref<320000xi32, #tpu.memory_space<hbm>>, %arg3: memref<32x10112xf32, #tpu.memory_space<hbm>>, %arg4: memref<10000xi32, #tpu.memory_space<vmem>>, %arg5: memref<10112xf32, #tpu.memory_space<vmem>>, %arg6: memref<!tpu.dma_semaphore, #tpu.memory_space<semaphore_mem>>) attributes {dimension_semantics = [#tpu.dimension_semantics<core_parallel>, #tpu.dimension_semantics<subcore_parallel>], iteration_bounds = array<i64: 2, 16>, scalar_prefetch = 0 : i64, scratch_operands = 3 : i64, tpu.core_type = #tpu.core_type<sc_vector_subcore>, window_params = [{transform_indices = #map}, {transform_indices = #map1}]} {
    %mul3A = arith.constant 16 : i32
    %mul3A_0 = arith.muli %arg0, %mul3A : i32
    %add3A = arith.addi %mul3A_0, %arg1 : i32
    %scan3A = arith.constant 0 : i32
    %scan3A_1 = arith.constant 0 : i32
    %scan3A_2 = arith.constant 632 : i32
    %scan3A_3 = arith.addi %scan3A_1, %scan3A_2 : i32
    %scan3A_4 = arith.constant 1 : i32
    scf.for %scan3A_15 = %scan3A_1 to %scan3A_3 step %scan3A_4  : i32 {
      %broadcast_in_dim3A_16 = arith.constant 0.000000e+00 : f32
      %broadcast_in_dim3A_17 = vector.broadcast %broadcast_in_dim3A_16 : f32 to vector<16xf32>
      %mul3A_18 = arith.constant 16 : i32
      %mul3A_19 = arith.muli %scan3A_15, %mul3A_18 : i32
      %swap3A = arith.index_cast %mul3A_19 : i32 to index
      %swap3A_20 = tpu.vector_load %arg5[%swap3A] {strides = array<i32>} : memref<10112xf32, #tpu.memory_space<vmem>>, vector<16xf32>,
      tpu.vector_store %arg5[%swap3A], %broadcast_in_dim3A_17 {strides = array<i32>} : memref<10112xf32, #tpu.memory_space<vmem>>, vector<16xf32>,
    }
    %scan3A_5 = arith.constant 632 : i32
    %mul3A_6 = arith.constant 10000 : i32
    %mul3A_7 = arith.muli %add3A, %mul3A_6 : i32
    "tpu.region"() ({
      %run_scoped3A = tpu.sem_alloc : memref<!tpu.dma_semaphore, #tpu.memory_space<semaphore_mem>>
      %dma_start3A = tpu.memref_slice %arg2[%mul3A_7] : memref<320000xi32, #tpu.memory_space<hbm>> -> memref<10000xi32, #tpu.memory_space<hbm>>
      %dma_start3A_15 = tpu.memref_slice %arg2[%mul3A_7] : memref<320000xi32, #tpu.memory_space<hbm>> -> memref<10000xi32, #tpu.memory_space<hbm>>
      tpu.enqueue_dma source(%dma_start3A_15 : memref<10000xi32, #tpu.memory_space<hbm>>) target(%arg4 : memref<10000xi32, #tpu.memory_space<vmem>>) target_semaphore(%run_scoped3A : memref<!tpu.dma_semaphore, #tpu.memory_space<semaphore_mem>>)
      %dma_wait3A = tpu.memref_slice %arg2[%mul3A_7] : memref<320000xi32, #tpu.memory_space<hbm>> -> memref<10000xi32, #tpu.memory_space<hbm>>
      %dma_wait3A_16 = tpu.memref_slice %arg2[%mul3A_7] : memref<320000xi32, #tpu.memory_space<hbm>> -> memref<10000xi32, #tpu.memory_space<hbm>>
      tpu.wait_dma2 semaphore(%run_scoped3A : memref<!tpu.dma_semaphore, #tpu.memory_space<semaphore_mem>>) src(%dma_wait3A_16 : memref<10000xi32, #tpu.memory_space<hbm>>) dst(%arg4 : memref<10000xi32, #tpu.memory_space<vmem>>)
      tpu.yield
    }) : () -> ()
    %broadcast_in_dim3A = arith.constant 1.000000e+00 : f32
    %broadcast_in_dim3A_8 = vector.broadcast %broadcast_in_dim3A : f32 to vector<16xf32>
    %scan3A_9 = arith.constant 0 : i32
    %scan3A_10 = arith.constant 0 : i32
    %scan3A_11 = arith.constant 625 : i32
    %scan3A_12 = arith.addi %scan3A_10, %scan3A_11 : i32
    %scan3A_13 = arith.constant 1 : i32
    scf.for %scan3A_15 = %scan3A_10 to %scan3A_12 step %scan3A_13  : i32 {
      %mul3A_16 = arith.constant 16 : i32
      %mul3A_17 = arith.muli %scan3A_15, %mul3A_16 : i32
      %get3A = arith.index_cast %mul3A_17 : i32 to index
      %get3A_18 = tpu.vector_load %arg4[%get3A] {strides = array<i32>} : memref<10000xi32, #tpu.memory_space<vmem>>, vector<16xi32>,
      tpu.vector_store_idx %arg5[%get3A_18], %broadcast_in_dim3A_8 {add = true} : memref<10112xf32, #tpu.memory_space<vmem>>[vector<16xi32>], vector<16xf32>,
    }
    %scan3A_14 = arith.constant 625 : i32
    "tpu.region"() ({
      %run_scoped3A = tpu.sem_alloc : memref<!tpu.dma_semaphore, #tpu.memory_space<semaphore_mem>>
      %dma_start3A = arith.constant 0 : i32
      %dma_start3A_15 = tpu.memref_slice %arg3[%add3A, %dma_start3A] : memref<32x10112xf32, #tpu.memory_space<hbm>> -> memref<1x10112xf32, #tpu.memory_space<hbm>>
      %dma_start3A_16 = tpu.memref_squeeze %dma_start3A_15 : memref<1x10112xf32, #tpu.memory_space<hbm>> -> memref<10112xf32, #tpu.memory_space<hbm>>
      %dma_start3A_17 = arith.constant 0 : i32
      %dma_start3A_18 = tpu.memref_slice %arg3[%add3A, %dma_start3A_17] : memref<32x10112xf32, #tpu.memory_space<hbm>> -> memref<1x10112xf32, #tpu.memory_space<hbm>>
      %dma_start3A_19 = tpu.memref_squeeze %dma_start3A_18 : memref<1x10112xf32, #tpu.memory_space<hbm>> -> memref<10112xf32, #tpu.memory_space<hbm>>
      tpu.enqueue_dma source(%arg5 : memref<10112xf32, #tpu.memory_space<vmem>>) target(%dma_start3A_19 : memref<10112xf32, #tpu.memory_space<hbm>>) target_semaphore(%run_scoped3A : memref<!tpu.dma_semaphore, #tpu.memory_space<semaphore_mem>>)
      %dma_wait3A = arith.constant 0 : i32
      %dma_wait3A_20 = tpu.memref_slice %arg3[%add3A, %dma_wait3A] : memref<32x10112xf32, #tpu.memory_space<hbm>> -> memref<1x10112xf32, #tpu.memory_space<hbm>>
      %dma_wait3A_21 = tpu.memref_squeeze %dma_wait3A_20 : memref<1x10112xf32, #tpu.memory_space<hbm>> -> memref<10112xf32, #tpu.memory_space<hbm>>
      %dma_wait3A_22 = arith.constant 0 : i32
      %dma_wait3A_23 = tpu.memref_slice %arg3[%add3A, %dma_wait3A_22] : memref<32x10112xf32, #tpu.memory_space<hbm>> -> memref<1x10112xf32, #tpu.memory_space<hbm>>
      %dma_wait3A_24 = tpu.memref_squeeze %dma_wait3A_23 : memref<1x10112xf32, #tpu.memory_space<hbm>> -> memref<10112xf32, #tpu.memory_space<hbm>>
      tpu.wait_dma2 semaphore(%run_scoped3A : memref<!tpu.dma_semaphore, #tpu.memory_space<semaphore_mem>>) src(%arg5 : memref<10112xf32, #tpu.memory_space<vmem>>) dst(%dma_wait3A_24 : memref<10112xf32, #tpu.memory_space<hbm>>)
      tpu.yield
    }) : () -> ()
    return
  }
}

#map = affine_map<(d0, d1) -> (0, 0)>
#map1 = affine_map<(d0, d1) -> (0)>
#map2 = affine_map<(d0, d1) -> (0, 0, 0)>
module attributes {stable_mosaic.version = 14 : i64} {
  func.func @_edge_body(%arg0: i32, %arg1: i32, %arg2: memref<10000x128xf32, #tpu.memory_space<hbm>>, %arg3: memref<320000xi32, #tpu.memory_space<hbm>>, %arg4: memref<320000xi32, #tpu.memory_space<hbm>>, %arg5: memref<10112x128xf32, #tpu.memory_space<hbm>>, %arg6: memref<2x10112x128xf32, #tpu.memory_space<hbm>>, %arg7: memref<2x128xi32, #tpu.memory_space<vmem>>, %arg8: memref<2x128xi32, #tpu.memory_space<vmem>>, %arg9: memref<2x128x128xf32, #tpu.memory_space<vmem>>, %arg10: memref<10112x128xf32, #tpu.memory_space<vmem_shared>>, %arg11: memref<2x!tpu.dma_semaphore, #tpu.memory_space<semaphore_mem>>, %arg12: memref<2x!tpu.dma_semaphore, #tpu.memory_space<semaphore_mem>>, %arg13: memref<2x!tpu.dma_semaphore, #tpu.memory_space<semaphore_mem>>, %arg14: memref<!tpu.dma_semaphore, #tpu.memory_space<semaphore_mem>>) attributes {dimension_semantics = [#tpu.dimension_semantics<core_parallel>, #tpu.dimension_semantics<subcore_parallel>], iteration_bounds = array<i64: 2, 16>, scalar_prefetch = 0 : i64, scratch_operands = 8 : i64, tpu.core_type = #tpu.core_type<sc_vector_subcore>, window_params = [{transform_indices = #map}, {transform_indices = #map1}, {transform_indices = #map1}, {transform_indices = #map}, {transform_indices = #map2}]} {
    %mul3A = arith.constant 16 : i32
    %mul3A_0 = arith.muli %arg0, %mul3A : i32
    %add3A = arith.addi %mul3A_0, %arg1 : i32
    %mul3A_1 = arith.constant 10000 : i32
    %mul3A_2 = arith.muli %add3A, %mul3A_1 : i32
    %mul3A_3 = arith.constant 632 : i32
    %mul3A_4 = arith.muli %arg1, %mul3A_3 : i32
    "tpu.region"() ({
      %run_scoped3A_156 = tpu.sem_alloc : memref<!tpu.dma_semaphore, #tpu.memory_space<semaphore_mem>>
      %dma_start3A_157 = arith.constant 0 : i32
      %dma_start3A_158 = tpu.memref_slice %arg10[%mul3A_4, %dma_start3A_157] : memref<10112x128xf32, #tpu.memory_space<vmem_shared>> -> memref<632x128xf32, #tpu.memory_space<vmem_shared>>
      %dma_start3A_159 = arith.constant 0 : i32
      %dma_start3A_160 = tpu.memref_slice %arg5[%mul3A_4, %dma_start3A_159] : memref<10112x128xf32, #tpu.memory_space<hbm>> -> memref<632x128xf32, #tpu.memory_space<hbm>>
      tpu.enqueue_dma source(%dma_start3A_160 : memref<632x128xf32, #tpu.memory_space<hbm>>) target(%dma_start3A_158 : memref<632x128xf32, #tpu.memory_space<vmem_shared>>) target_semaphore(%run_scoped3A_156 : memref<!tpu.dma_semaphore, #tpu.memory_space<semaphore_mem>>)
      %dma_wait3A_161 = arith.constant 0 : i32
      %dma_wait3A_162 = tpu.memref_slice %arg10[%mul3A_4, %dma_wait3A_161] : memref<10112x128xf32, #tpu.memory_space<vmem_shared>> -> memref<632x128xf32, #tpu.memory_space<vmem_shared>>
      %dma_wait3A_163 = arith.constant 0 : i32
      %dma_wait3A_164 = tpu.memref_slice %arg5[%mul3A_4, %dma_wait3A_163] : memref<10112x128xf32, #tpu.memory_space<hbm>> -> memref<632x128xf32, #tpu.memory_space<hbm>>
      tpu.wait_dma2 semaphore(%run_scoped3A_156 : memref<!tpu.dma_semaphore, #tpu.memory_space<semaphore_mem>>) src(%dma_wait3A_164 : memref<632x128xf32, #tpu.memory_space<hbm>>) dst(%dma_wait3A_162 : memref<632x128xf32, #tpu.memory_space<vmem_shared>>)
      tpu.yield
    }) : () -> ()
    %run_scoped3A = arith.constant 0 : i32
    "tpu.region"() ({
      %run_scoped3A_156 = tpu.sem_alloc : memref<!tpu.dma_semaphore, #tpu.memory_space<semaphore_mem>>
      %dma_start3A_157 = arith.constant 0 : i32
      %dma_start3A_158 = tpu.memref_slice %arg8[%run_scoped3A, %dma_start3A_157] : memref<2x128xi32, #tpu.memory_space<vmem>> -> memref<1x128xi32, #tpu.memory_space<vmem>>
      %dma_start3A_159 = tpu.memref_squeeze %dma_start3A_158 : memref<1x128xi32, #tpu.memory_space<vmem>> -> memref<128xi32, #tpu.memory_space<vmem>>
      %dma_start3A_160 = tpu.memref_slice %arg4[%mul3A_2] : memref<320000xi32, #tpu.memory_space<hbm>> -> memref<128xi32, #tpu.memory_space<hbm>>
      %dma_start3A_161 = arith.constant 0 : i32
      %dma_start3A_162 = tpu.memref_slice %arg8[%run_scoped3A, %dma_start3A_161] : memref<2x128xi32, #tpu.memory_space<vmem>> -> memref<1x128xi32, #tpu.memory_space<vmem>>
      %dma_start3A_163 = tpu.memref_squeeze %dma_start3A_162 : memref<1x128xi32, #tpu.memory_space<vmem>> -> memref<128xi32, #tpu.memory_space<vmem>>
      %dma_start3A_164 = tpu.memref_slice %arg4[%mul3A_2] : memref<320000xi32, #tpu.memory_space<hbm>> -> memref<128xi32, #tpu.memory_space<hbm>>
      tpu.enqueue_dma source(%dma_start3A_164 : memref<128xi32, #tpu.memory_space<hbm>>) target(%dma_start3A_163 : memref<128xi32, #tpu.memory_space<vmem>>) target_semaphore(%run_scoped3A_156 : memref<!tpu.dma_semaphore, #tpu.memory_space<semaphore_mem>>)
      %dma_wait3A_165 = arith.constant 0 : i32
      %dma_wait3A_166 = tpu.memref_slice %arg8[%run_scoped3A, %dma_wait3A_165] : memref<2x128xi32, #tpu.memory_space<vmem>> -> memref<1x128xi32, #tpu.memory_space<vmem>>
      %dma_wait3A_167 = tpu.memref_squeeze %dma_wait3A_166 : memref<1x128xi32, #tpu.memory_space<vmem>> -> memref<128xi32, #tpu.memory_space<vmem>>
      %dma_wait3A_168 = tpu.memref_slice %arg4[%mul3A_2] : memref<320000xi32, #tpu.memory_space<hbm>> -> memref<128xi32, #tpu.memory_space<hbm>>
      %dma_wait3A_169 = arith.constant 0 : i32
      %dma_wait3A_170 = tpu.memref_slice %arg8[%run_scoped3A, %dma_wait3A_169] : memref<2x128xi32, #tpu.memory_space<vmem>> -> memref<1x128xi32, #tpu.memory_space<vmem>>
      %dma_wait3A_171 = tpu.memref_squeeze %dma_wait3A_170 : memref<1x128xi32, #tpu.memory_space<vmem>> -> memref<128xi32, #tpu.memory_space<vmem>>
      %dma_wait3A_172 = tpu.memref_slice %arg4[%mul3A_2] : memref<320000xi32, #tpu.memory_space<hbm>> -> memref<128xi32, #tpu.memory_space<hbm>>
      tpu.wait_dma2 semaphore(%run_scoped3A_156 : memref<!tpu.dma_semaphore, #tpu.memory_space<semaphore_mem>>) src(%dma_wait3A_172 : memref<128xi32, #tpu.memory_space<hbm>>) dst(%dma_wait3A_171 : memref<128xi32, #tpu.memory_space<vmem>>)
      tpu.yield
    }) : () -> ()
    %run_scoped3A_5 = arith.constant 0 : i32
    "tpu.region"() ({
      %run_scoped3A_156 = tpu.sem_alloc : memref<!tpu.dma_semaphore, #tpu.memory_space<semaphore_mem>>
      %dma_start3A_157 = arith.constant 0 : i32
      %dma_start3A_158 = tpu.memref_slice %arg7[%run_scoped3A_5, %dma_start3A_157] : memref<2x128xi32, #tpu.memory_space<vmem>> -> memref<1x128xi32, #tpu.memory_space<vmem>>
      %dma_start3A_159 = tpu.memref_squeeze %dma_start3A_158 : memref<1x128xi32, #tpu.memory_space<vmem>> -> memref<128xi32, #tpu.memory_space<vmem>>
      %dma_start3A_160 = tpu.memref_slice %arg3[%mul3A_2] : memref<320000xi32, #tpu.memory_space<hbm>> -> memref<128xi32, #tpu.memory_space<hbm>>
      %dma_start3A_161 = arith.constant 0 : i32
      %dma_start3A_162 = tpu.memref_slice %arg7[%run_scoped3A_5, %dma_start3A_161] : memref<2x128xi32, #tpu.memory_space<vmem>> -> memref<1x128xi32, #tpu.memory_space<vmem>>
      %dma_start3A_163 = tpu.memref_squeeze %dma_start3A_162 : memref<1x128xi32, #tpu.memory_space<vmem>> -> memref<128xi32, #tpu.memory_space<vmem>>
      %dma_start3A_164 = tpu.memref_slice %arg3[%mul3A_2] : memref<320000xi32, #tpu.memory_space<hbm>> -> memref<128xi32, #tpu.memory_space<hbm>>
      tpu.enqueue_dma source(%dma_start3A_164 : memref<128xi32, #tpu.memory_space<hbm>>) target(%dma_start3A_163 : memref<128xi32, #tpu.memory_space<vmem>>) target_semaphore(%run_scoped3A_156 : memref<!tpu.dma_semaphore, #tpu.memory_space<semaphore_mem>>)
      %dma_wait3A_165 = arith.constant 0 : i32
      %dma_wait3A_166 = tpu.memref_slice %arg7[%run_scoped3A_5, %dma_wait3A_165] : memref<2x128xi32, #tpu.memory_space<vmem>> -> memref<1x128xi32, #tpu.memory_space<vmem>>
      %dma_wait3A_167 = tpu.memref_squeeze %dma_wait3A_166 : memref<1x128xi32, #tpu.memory_space<vmem>> -> memref<128xi32, #tpu.memory_space<vmem>>
      %dma_wait3A_168 = tpu.memref_slice %arg3[%mul3A_2] : memref<320000xi32, #tpu.memory_space<hbm>> -> memref<128xi32, #tpu.memory_space<hbm>>
      %dma_wait3A_169 = arith.constant 0 : i32
      %dma_wait3A_170 = tpu.memref_slice %arg7[%run_scoped3A_5, %dma_wait3A_169] : memref<2x128xi32, #tpu.memory_space<vmem>> -> memref<1x128xi32, #tpu.memory_space<vmem>>
      %dma_wait3A_171 = tpu.memref_squeeze %dma_wait3A_170 : memref<1x128xi32, #tpu.memory_space<vmem>> -> memref<128xi32, #tpu.memory_space<vmem>>
      %dma_wait3A_172 = tpu.memref_slice %arg3[%mul3A_2] : memref<320000xi32, #tpu.memory_space<hbm>> -> memref<128xi32, #tpu.memory_space<hbm>>
      tpu.wait_dma2 semaphore(%run_scoped3A_156 : memref<!tpu.dma_semaphore, #tpu.memory_space<semaphore_mem>>) src(%dma_wait3A_172 : memref<128xi32, #tpu.memory_space<hbm>>) dst(%dma_wait3A_171 : memref<128xi32, #tpu.memory_space<vmem>>)
      tpu.yield
    }) : () -> ()
    %add3A_6 = arith.constant 128 : i32
    %add3A_7 = arith.addi %mul3A_2, %add3A_6 : i32
    %dma_start3A = arith.constant 1 : i32
    %dma_start3A_8 = arith.constant 0 : i32
    %dma_start3A_9 = tpu.memref_slice %arg7[%dma_start3A, %dma_start3A_8] : memref<2x128xi32, #tpu.memory_space<vmem>> -> memref<1x128xi32, #tpu.memory_space<vmem>>
    %dma_start3A_10 = tpu.memref_squeeze %dma_start3A_9 : memref<1x128xi32, #tpu.memory_space<vmem>> -> memref<128xi32, #tpu.memory_space<vmem>>
    %dma_start3A_11 = tpu.memref_slice %arg3[%add3A_7] : memref<320000xi32, #tpu.memory_space<hbm>> -> memref<128xi32, #tpu.memory_space<hbm>>
    %dma_start3A_12 = arith.constant 0 : i32
    %dma_start3A_13 = tpu.memref_slice %arg7[%dma_start3A, %dma_start3A_12] : memref<2x128xi32, #tpu.memory_space<vmem>> -> memref<1x128xi32, #tpu.memory_space<vmem>>
    %dma_start3A_14 = tpu.memref_squeeze %dma_start3A_13 : memref<1x128xi32, #tpu.memory_space<vmem>> -> memref<128xi32, #tpu.memory_space<vmem>>
    %dma_start3A_15 = tpu.memref_slice %arg3[%add3A_7] : memref<320000xi32, #tpu.memory_space<hbm>> -> memref<128xi32, #tpu.memory_space<hbm>>
    tpu.enqueue_dma source(%dma_start3A_15 : memref<128xi32, #tpu.memory_space<hbm>>) target(%dma_start3A_14 : memref<128xi32, #tpu.memory_space<vmem>>) target_semaphore(%arg14 : memref<!tpu.dma_semaphore, #tpu.memory_space<semaphore_mem>>)
    %dma_start3A_16 = arith.constant 0 : i32
    %dma_start3A_17 = arith.constant 0 : i32
    %dma_start3A_18 = arith.constant 0 : i32
    %dma_start3A_19 = arith.constant 0 : i32
    %dma_start3A_20 = arith.constant 0 : i32
    %dma_start3A_21 = tpu.memref_slice %arg9[%dma_start3A_17, %dma_start3A_19, %dma_start3A_20] : memref<2x128x128xf32, #tpu.memory_space<vmem>> -> memref<1x128x128xf32, #tpu.memory_space<vmem>>
    %dma_start3A_22 = tpu.memref_squeeze %dma_start3A_21 : memref<1x128x128xf32, #tpu.memory_space<vmem>> -> memref<128x128xf32, #tpu.memory_space<vmem>>
    %dma_start3A_23 = arith.constant 0 : i32
    %dma_start3A_24 = tpu.memref_slice %arg7[%dma_start3A_16, %dma_start3A_23] : memref<2x128xi32, #tpu.memory_space<vmem>> -> memref<1x128xi32, #tpu.memory_space<vmem>>
    %dma_start3A_25 = tpu.memref_squeeze %dma_start3A_24 : memref<1x128xi32, #tpu.memory_space<vmem>> -> memref<128xi32, #tpu.memory_space<vmem>>
    %dma_start3A_26 = arith.constant 0 : i32
    %dma_start3A_27 = arith.constant 0 : i32
    %dma_start3A_28 = tpu.memref_slice %arg2[%dma_start3A_26, %dma_start3A_27] : memref<10000x128xf32, #tpu.memory_space<hbm>> -> memref<10000x128xf32, #tpu.memory_space<hbm>>
    %dma_start3A_29 = tpu.memref_slice %arg11[%dma_start3A_18] : memref<2x!tpu.dma_semaphore, #tpu.memory_space<semaphore_mem>> -> memref<1x!tpu.dma_semaphore, #tpu.memory_space<semaphore_mem>>
    %dma_start3A_30 = tpu.memref_squeeze %dma_start3A_29 : memref<1x!tpu.dma_semaphore, #tpu.memory_space<semaphore_mem>> -> memref<!tpu.dma_semaphore, #tpu.memory_space<semaphore_mem>>
    tpu.enqueue_indirect_dma source(%dma_start3A_28 : memref<10000x128xf32, #tpu.memory_space<hbm>>) target(%dma_start3A_22 : memref<128x128xf32, #tpu.memory_space<vmem>>) offsets(%dma_start3A_25 : memref<128xi32, #tpu.memory_space<vmem>>) semaphore(%dma_start3A_30 : memref<!tpu.dma_semaphore, #tpu.memory_space<semaphore_mem>>)
    %barrier3A = arith.constant 0 : index
    tpu.barrier barrier_id(%barrier3A)
    %scan3A = arith.constant 0 : i32
    %scan3A_31 = arith.constant 0 : i32
    %scan3A_32 = arith.constant 78 : i32
    %scan3A_33 = arith.addi %scan3A_31, %scan3A_32 : i32
    %scan3A_34 = arith.constant 1 : i32
    scf.for %scan3A_156 = %scan3A_31 to %scan3A_33 step %scan3A_34  : i32 {
      %add3A_157 = arith.constant 1 : i32
      %add3A_158 = arith.addi %scan3A_156, %add3A_157 : i32
      %lt3A = arith.constant 78 : i32
      %lt3A_159 = arith.cmpi slt, %add3A_158, %lt3A : i32
      %convert_element_type3A = arith.extui %lt3A_159 : i1 to i32
      %cond3A = arith.constant 0 : i32
      %cond3A_160 = arith.cmpi ne, %convert_element_type3A, %cond3A : i32
      scf.if %cond3A_160 {
        %mul3A_286 = arith.constant 128 : i32
        %mul3A_287 = arith.muli %add3A_158, %mul3A_286 : i32
        %add3A_288 = arith.addi %mul3A_2, %mul3A_287 : i32
        %jit3A_289 = arith.constant 2 : i32
        %eq3A_290 = arith.constant 0 : i32
        %eq3A_291 = arith.cmpi eq, %jit3A_289, %eq3A_290 : i32
        %jit3A_292 = arith.constant 1 : i32
        %select_n3A_293 = arith.select %eq3A_291, %jit3A_292, %jit3A_289 : i32
        %rem3A_294 = arith.remsi %add3A_158, %select_n3A_293 : i32
        %ne3A_295 = arith.constant 0 : i32
        %ne3A_296 = arith.cmpi ne, %rem3A_294, %ne3A_295 : i32
        %lt3A_297 = arith.constant 0 : i32
        %lt3A_298 = arith.cmpi slt, %rem3A_294, %lt3A_297 : i32
        %lt3A_299 = arith.constant 0 : i32
        %lt3A_300 = arith.cmpi slt, %select_n3A_293, %lt3A_299 : i32
        %ne3A_301 = arith.xori %lt3A_298, %lt3A_300 : i1
        %and3A_302 = arith.andi %ne3A_301, %ne3A_296 : i1
        %add3A_303 = arith.addi %rem3A_294, %select_n3A_293 : i32
        %select_n3A_304 = arith.select %and3A_302, %add3A_303, %rem3A_294 : i32
        %dma_wait3A_305 = arith.constant 0 : i32
        %dma_wait3A_306 = tpu.memref_slice %arg7[%select_n3A_304, %dma_wait3A_305] : memref<2x128xi32, #tpu.memory_space<vmem>> -> memref<1x128xi32, #tpu.memory_space<vmem>>
        %dma_wait3A_307 = tpu.memref_squeeze %dma_wait3A_306 : memref<1x128xi32, #tpu.memory_space<vmem>> -> memref<128xi32, #tpu.memory_space<vmem>>
        %dma_wait3A_308 = tpu.memref_slice %arg3[%add3A_288] : memref<320000xi32, #tpu.memory_space<hbm>> -> memref<128xi32, #tpu.memory_space<hbm>>
        %dma_wait3A_309 = arith.constant 0 : i32
        %dma_wait3A_310 = tpu.memref_slice %arg7[%select_n3A_304, %dma_wait3A_309] : memref<2x128xi32, #tpu.memory_space<vmem>> -> memref<1x128xi32, #tpu.memory_space<vmem>>
        %dma_wait3A_311 = tpu.memref_squeeze %dma_wait3A_310 : memref<1x128xi32, #tpu.memory_space<vmem>> -> memref<128xi32, #tpu.memory_space<vmem>>
        %dma_wait3A_312 = tpu.memref_slice %arg3[%add3A_288] : memref<320000xi32, #tpu.memory_space<hbm>> -> memref<128xi32, #tpu.memory_space<hbm>>
        tpu.wait_dma2 semaphore(%arg14 : memref<!tpu.dma_semaphore, #tpu.memory_space<semaphore_mem>>) src(%dma_wait3A_312 : memref<128xi32, #tpu.memory_space<hbm>>) dst(%dma_wait3A_311 : memref<128xi32, #tpu.memory_space<vmem>>)
        %ge3A_313 = arith.constant 1 : i32
        %ge3A_314 = arith.cmpi sge, %scan3A_156, %ge3A_313 : i32
        %convert_element_type3A_315 = arith.extui %ge3A_314 : i1 to i32
        %cond3A_316 = arith.constant 0 : i32
        %cond3A_317 = arith.cmpi ne, %convert_element_type3A_315, %cond3A_316 : i32
        scf.if %cond3A_317 {
          %jit3A_423 = arith.constant 2 : i32
          %eq3A_424 = arith.constant 0 : i32
          %eq3A_425 = arith.cmpi eq, %jit3A_423, %eq3A_424 : i32
          %jit3A_426 = arith.constant 1 : i32
          %select_n3A_427 = arith.select %eq3A_425, %jit3A_426, %jit3A_423 : i32
          %rem3A_428 = arith.remsi %add3A_158, %select_n3A_427 : i32
          %ne3A_429 = arith.constant 0 : i32
          %ne3A_430 = arith.cmpi ne, %rem3A_428, %ne3A_429 : i32
          %lt3A_431 = arith.constant 0 : i32
          %lt3A_432 = arith.cmpi slt, %rem3A_428, %lt3A_431 : i32
          %lt3A_433 = arith.constant 0 : i32
          %lt3A_434 = arith.cmpi slt, %select_n3A_427, %lt3A_433 : i32
          %ne3A_435 = arith.xori %lt3A_432, %lt3A_434 : i1
          %and3A_436 = arith.andi %ne3A_435, %ne3A_430 : i1
          %add3A_437 = arith.addi %rem3A_428, %select_n3A_427 : i32
          %select_n3A_438 = arith.select %and3A_436, %add3A_437, %rem3A_428 : i32
          %jit3A_439 = arith.constant 2 : i32
          %eq3A_440 = arith.constant 0 : i32
          %eq3A_441 = arith.cmpi eq, %jit3A_439, %eq3A_440 : i32
          %jit3A_442 = arith.constant 1 : i32
          %select_n3A_443 = arith.select %eq3A_441, %jit3A_442, %jit3A_439 : i32
          %rem3A_444 = arith.remsi %add3A_158, %select_n3A_443 : i32
          %ne3A_445 = arith.constant 0 : i32
          %ne3A_446 = arith.cmpi ne, %rem3A_444, %ne3A_445 : i32
          %lt3A_447 = arith.constant 0 : i32
          %lt3A_448 = arith.cmpi slt, %rem3A_444, %lt3A_447 : i32
          %lt3A_449 = arith.constant 0 : i32
          %lt3A_450 = arith.cmpi slt, %select_n3A_443, %lt3A_449 : i32
          %ne3A_451 = arith.xori %lt3A_448, %lt3A_450 : i1
          %and3A_452 = arith.andi %ne3A_451, %ne3A_446 : i1
          %add3A_453 = arith.addi %rem3A_444, %select_n3A_443 : i32
          %select_n3A_454 = arith.select %and3A_452, %add3A_453, %rem3A_444 : i32
          %jit3A_455 = arith.constant 2 : i32
          %eq3A_456 = arith.constant 0 : i32
          %eq3A_457 = arith.cmpi eq, %jit3A_455, %eq3A_456 : i32
          %jit3A_458 = arith.constant 1 : i32
          %select_n3A_459 = arith.select %eq3A_457, %jit3A_458, %jit3A_455 : i32
          %rem3A_460 = arith.remsi %add3A_158, %select_n3A_459 : i32
          %ne3A_461 = arith.constant 0 : i32
          %ne3A_462 = arith.cmpi ne, %rem3A_460, %ne3A_461 : i32
          %lt3A_463 = arith.constant 0 : i32
          %lt3A_464 = arith.cmpi slt, %rem3A_460, %lt3A_463 : i32
          %lt3A_465 = arith.constant 0 : i32
          %lt3A_466 = arith.cmpi slt, %select_n3A_459, %lt3A_465 : i32
          %ne3A_467 = arith.xori %lt3A_464, %lt3A_466 : i1
          %and3A_468 = arith.andi %ne3A_467, %ne3A_462 : i1
          %add3A_469 = arith.addi %rem3A_460, %select_n3A_459 : i32
          %select_n3A_470 = arith.select %and3A_468, %add3A_469, %rem3A_460 : i32
          %dma_wait3A_471 = arith.constant 0 : i32
          %dma_wait3A_472 = arith.constant 0 : i32
          %dma_wait3A_473 = tpu.memref_slice %arg9[%select_n3A_438, %dma_wait3A_471, %dma_wait3A_472] : memref<2x128x128xf32, #tpu.memory_space<vmem>> -> memref<1x128x128xf32, #tpu.memory_space<vmem>>
          %dma_wait3A_474 = tpu.memref_squeeze %dma_wait3A_473 : memref<1x128x128xf32, #tpu.memory_space<vmem>> -> memref<128x128xf32, #tpu.memory_space<vmem>>
          %dma_wait3A_475 = arith.constant 0 : i32
          %dma_wait3A_476 = tpu.memref_slice %arg8[%select_n3A_454, %dma_wait3A_475] : memref<2x128xi32, #tpu.memory_space<vmem>> -> memref<1x128xi32, #tpu.memory_space<vmem>>
          %dma_wait3A_477 = tpu.memref_squeeze %dma_wait3A_476 : memref<1x128xi32, #tpu.memory_space<vmem>> -> memref<128xi32, #tpu.memory_space<vmem>>
          %dma_wait3A_478 = arith.constant 0 : i32
          %dma_wait3A_479 = arith.constant 0 : i32
          %dma_wait3A_480 = tpu.memref_slice %arg10[%dma_wait3A_478, %dma_wait3A_479] : memref<10112x128xf32, #tpu.memory_space<vmem_shared>> -> memref<10112x128xf32, #tpu.memory_space<vmem_shared>>
          %dma_wait3A_481 = tpu.memref_slice %arg12[%select_n3A_470] : memref<2x!tpu.dma_semaphore, #tpu.memory_space<semaphore_mem>> -> memref<1x!tpu.dma_semaphore, #tpu.memory_space<semaphore_mem>>
          %dma_wait3A_482 = tpu.memref_squeeze %dma_wait3A_481 : memref<1x!tpu.dma_semaphore, #tpu.memory_space<semaphore_mem>> -> memref<!tpu.dma_semaphore, #tpu.memory_space<semaphore_mem>>
          tpu.wait_indirect_dma semaphore(%dma_wait3A_482 : memref<!tpu.dma_semaphore, #tpu.memory_space<semaphore_mem>>) src(%dma_wait3A_474 : memref<128x128xf32, #tpu.memory_space<vmem>>) dst(%dma_wait3A_480 : memref<10112x128xf32, #tpu.memory_space<vmem_shared>>)
        } else {
        }
        %jit3A_318 = arith.constant 2 : i32
        %eq3A_319 = arith.constant 0 : i32
        %eq3A_320 = arith.cmpi eq, %jit3A_318, %eq3A_319 : i32
        %jit3A_321 = arith.constant 1 : i32
        %select_n3A_322 = arith.select %eq3A_320, %jit3A_321, %jit3A_318 : i32
        %rem3A_323 = arith.remsi %add3A_158, %select_n3A_322 : i32
        %ne3A_324 = arith.constant 0 : i32
        %ne3A_325 = arith.cmpi ne, %rem3A_323, %ne3A_324 : i32
        %lt3A_326 = arith.constant 0 : i32
        %lt3A_327 = arith.cmpi slt, %rem3A_323, %lt3A_326 : i32
        %lt3A_328 = arith.constant 0 : i32
        %lt3A_329 = arith.cmpi slt, %select_n3A_322, %lt3A_328 : i32
        %ne3A_330 = arith.xori %lt3A_327, %lt3A_329 : i1
        %and3A_331 = arith.andi %ne3A_330, %ne3A_325 : i1
        %add3A_332 = arith.addi %rem3A_323, %select_n3A_322 : i32
        %select_n3A_333 = arith.select %and3A_331, %add3A_332, %rem3A_323 : i32
        %jit3A_334 = arith.constant 2 : i32
        %eq3A_335 = arith.constant 0 : i32
        %eq3A_336 = arith.cmpi eq, %jit3A_334, %eq3A_335 : i32
        %jit3A_337 = arith.constant 1 : i32
        %select_n3A_338 = arith.select %eq3A_336, %jit3A_337, %jit3A_334 : i32
        %rem3A_339 = arith.remsi %add3A_158, %select_n3A_338 : i32
        %ne3A_340 = arith.constant 0 : i32
        %ne3A_341 = arith.cmpi ne, %rem3A_339, %ne3A_340 : i32
        %lt3A_342 = arith.constant 0 : i32
        %lt3A_343 = arith.cmpi slt, %rem3A_339, %lt3A_342 : i32
        %lt3A_344 = arith.constant 0 : i32
        %lt3A_345 = arith.cmpi slt, %select_n3A_338, %lt3A_344 : i32
        %ne3A_346 = arith.xori %lt3A_343, %lt3A_345 : i1
        %and3A_347 = arith.andi %ne3A_346, %ne3A_341 : i1
        %add3A_348 = arith.addi %rem3A_339, %select_n3A_338 : i32
        %select_n3A_349 = arith.select %and3A_347, %add3A_348, %rem3A_339 : i32
        %jit3A_350 = arith.constant 2 : i32
        %eq3A_351 = arith.constant 0 : i32
        %eq3A_352 = arith.cmpi eq, %jit3A_350, %eq3A_351 : i32
        %jit3A_353 = arith.constant 1 : i32
        %select_n3A_354 = arith.select %eq3A_352, %jit3A_353, %jit3A_350 : i32
        %rem3A_355 = arith.remsi %add3A_158, %select_n3A_354 : i32
        %ne3A_356 = arith.constant 0 : i32
        %ne3A_357 = arith.cmpi ne, %rem3A_355, %ne3A_356 : i32
        %lt3A_358 = arith.constant 0 : i32
        %lt3A_359 = arith.cmpi slt, %rem3A_355, %lt3A_358 : i32
        %lt3A_360 = arith.constant 0 : i32
        %lt3A_361 = arith.cmpi slt, %select_n3A_354, %lt3A_360 : i32
        %ne3A_362 = arith.xori %lt3A_359, %lt3A_361 : i1
        %and3A_363 = arith.andi %ne3A_362, %ne3A_357 : i1
        %add3A_364 = arith.addi %rem3A_355, %select_n3A_354 : i32
        %select_n3A_365 = arith.select %and3A_363, %add3A_364, %rem3A_355 : i32
        %dma_start3A_366 = arith.constant 0 : i32
        %dma_start3A_367 = arith.constant 0 : i32
        %dma_start3A_368 = tpu.memref_slice %arg9[%select_n3A_349, %dma_start3A_366, %dma_start3A_367] : memref<2x128x128xf32, #tpu.memory_space<vmem>> -> memref<1x128x128xf32, #tpu.memory_space<vmem>>
        %dma_start3A_369 = tpu.memref_squeeze %dma_start3A_368 : memref<1x128x128xf32, #tpu.memory_space<vmem>> -> memref<128x128xf32, #tpu.memory_space<vmem>>
        %dma_start3A_370 = arith.constant 0 : i32
        %dma_start3A_371 = tpu.memref_slice %arg7[%select_n3A_333, %dma_start3A_370] : memref<2x128xi32, #tpu.memory_space<vmem>> -> memref<1x128xi32, #tpu.memory_space<vmem>>
        %dma_start3A_372 = tpu.memref_squeeze %dma_start3A_371 : memref<1x128xi32, #tpu.memory_space<vmem>> -> memref<128xi32, #tpu.memory_space<vmem>>
        %dma_start3A_373 = arith.constant 0 : i32
        %dma_start3A_374 = arith.constant 0 : i32
        %dma_start3A_375 = tpu.memref_slice %arg2[%dma_start3A_373, %dma_start3A_374] : memref<10000x128xf32, #tpu.memory_space<hbm>> -> memref<10000x128xf32, #tpu.memory_space<hbm>>
        %dma_start3A_376 = tpu.memref_slice %arg11[%select_n3A_365] : memref<2x!tpu.dma_semaphore, #tpu.memory_space<semaphore_mem>> -> memref<1x!tpu.dma_semaphore, #tpu.memory_space<semaphore_mem>>
        %dma_start3A_377 = tpu.memref_squeeze %dma_start3A_376 : memref<1x!tpu.dma_semaphore, #tpu.memory_space<semaphore_mem>> -> memref<!tpu.dma_semaphore, #tpu.memory_space<semaphore_mem>>
        tpu.enqueue_indirect_dma source(%dma_start3A_375 : memref<10000x128xf32, #tpu.memory_space<hbm>>) target(%dma_start3A_369 : memref<128x128xf32, #tpu.memory_space<vmem>>) offsets(%dma_start3A_372 : memref<128xi32, #tpu.memory_space<vmem>>) semaphore(%dma_start3A_377 : memref<!tpu.dma_semaphore, #tpu.memory_space<semaphore_mem>>)
        %mul3A_378 = arith.constant 128 : i32
        %mul3A_379 = arith.muli %add3A_158, %mul3A_378 : i32
        %add3A_380 = arith.addi %mul3A_2, %mul3A_379 : i32
        %jit3A_381 = arith.constant 2 : i32
        %eq3A_382 = arith.constant 0 : i32
        %eq3A_383 = arith.cmpi eq, %jit3A_381, %eq3A_382 : i32
        %jit3A_384 = arith.constant 1 : i32
        %select_n3A_385 = arith.select %eq3A_383, %jit3A_384, %jit3A_381 : i32
        %rem3A_386 = arith.remsi %add3A_158, %select_n3A_385 : i32
        %ne3A_387 = arith.constant 0 : i32
        %ne3A_388 = arith.cmpi ne, %rem3A_386, %ne3A_387 : i32
        %lt3A_389 = arith.constant 0 : i32
        %lt3A_390 = arith.cmpi slt, %rem3A_386, %lt3A_389 : i32
        %lt3A_391 = arith.constant 0 : i32
        %lt3A_392 = arith.cmpi slt, %select_n3A_385, %lt3A_391 : i32
        %ne3A_393 = arith.xori %lt3A_390, %lt3A_392 : i1
        %and3A_394 = arith.andi %ne3A_393, %ne3A_388 : i1
        %add3A_395 = arith.addi %rem3A_386, %select_n3A_385 : i32
        %select_n3A_396 = arith.select %and3A_394, %add3A_395, %rem3A_386 : i32
        %jit3A_397 = arith.constant 2 : i32
        %eq3A_398 = arith.constant 0 : i32
        %eq3A_399 = arith.cmpi eq, %jit3A_397, %eq3A_398 : i32
        %jit3A_400 = arith.constant 1 : i32
        %select_n3A_401 = arith.select %eq3A_399, %jit3A_400, %jit3A_397 : i32
        %rem3A_402 = arith.remsi %add3A_158, %select_n3A_401 : i32
        %ne3A_403 = arith.constant 0 : i32
        %ne3A_404 = arith.cmpi ne, %rem3A_402, %ne3A_403 : i32
        %lt3A_405 = arith.constant 0 : i32
        %lt3A_406 = arith.cmpi slt, %rem3A_402, %lt3A_405 : i32
        %lt3A_407 = arith.constant 0 : i32
        %lt3A_408 = arith.cmpi slt, %select_n3A_401, %lt3A_407 : i32
        %ne3A_409 = arith.xori %lt3A_406, %lt3A_408 : i1
        %and3A_410 = arith.andi %ne3A_409, %ne3A_404 : i1
        %add3A_411 = arith.addi %rem3A_402, %select_n3A_401 : i32
        %select_n3A_412 = arith.select %and3A_410, %add3A_411, %rem3A_402 : i32
        %dma_start3A_413 = arith.constant 0 : i32
        %dma_start3A_414 = tpu.memref_slice %arg8[%select_n3A_396, %dma_start3A_413] : memref<2x128xi32, #tpu.memory_space<vmem>> -> memref<1x128xi32, #tpu.memory_space<vmem>>
        %dma_start3A_415 = tpu.memref_squeeze %dma_start3A_414 : memref<1x128xi32, #tpu.memory_space<vmem>> -> memref<128xi32, #tpu.memory_space<vmem>>
        %dma_start3A_416 = tpu.memref_slice %arg4[%add3A_380] : memref<320000xi32, #tpu.memory_space<hbm>> -> memref<128xi32, #tpu.memory_space<hbm>>
        %dma_start3A_417 = tpu.memref_slice %arg13[%select_n3A_412] : memref<2x!tpu.dma_semaphore, #tpu.memory_space<semaphore_mem>> -> memref<1x!tpu.dma_semaphore, #tpu.memory_space<semaphore_mem>>
        %dma_start3A_418 = tpu.memref_squeeze %dma_start3A_417 : memref<1x!tpu.dma_semaphore, #tpu.memory_space<semaphore_mem>> -> memref<!tpu.dma_semaphore, #tpu.memory_space<semaphore_mem>>
        %dma_start3A_419 = arith.constant 0 : i32
        %dma_start3A_420 = tpu.memref_slice %arg8[%select_n3A_396, %dma_start3A_419] : memref<2x128xi32, #tpu.memory_space<vmem>> -> memref<1x128xi32, #tpu.memory_space<vmem>>
        %dma_start3A_421 = tpu.memref_squeeze %dma_start3A_420 : memref<1x128xi32, #tpu.memory_space<vmem>> -> memref<128xi32, #tpu.memory_space<vmem>>
        %dma_start3A_422 = tpu.memref_slice %arg4[%add3A_380] : memref<320000xi32, #tpu.memory_space<hbm>> -> memref<128xi32, #tpu.memory_space<hbm>>
        tpu.enqueue_dma source(%dma_start3A_422 : memref<128xi32, #tpu.memory_space<hbm>>) target(%dma_start3A_421 : memref<128xi32, #tpu.memory_space<vmem>>) target_semaphore(%dma_start3A_418 : memref<!tpu.dma_semaphore, #tpu.memory_space<semaphore_mem>>)
      } else {
      }
      %jit3A = arith.constant 2 : i32
      %eq3A = arith.constant 0 : i32
      %eq3A_161 = arith.cmpi eq, %jit3A, %eq3A : i32
      %jit3A_162 = arith.constant 1 : i32
      %select_n3A = arith.select %eq3A_161, %jit3A_162, %jit3A : i32
      %rem3A = arith.remsi %scan3A_156, %select_n3A : i32
      %ne3A = arith.constant 0 : i32
      %ne3A_163 = arith.cmpi ne, %rem3A, %ne3A : i32
      %lt3A_164 = arith.constant 0 : i32
      %lt3A_165 = arith.cmpi slt, %rem3A, %lt3A_164 : i32
      %lt3A_166 = arith.constant 0 : i32
      %lt3A_167 = arith.cmpi slt, %select_n3A, %lt3A_166 : i32
      %ne3A_168 = arith.xori %lt3A_165, %lt3A_167 : i1
      %and3A = arith.andi %ne3A_168, %ne3A_163 : i1
      %add3A_169 = arith.addi %rem3A, %select_n3A : i32
      %select_n3A_170 = arith.select %and3A, %add3A_169, %rem3A : i32
      %jit3A_171 = arith.constant 2 : i32
      %eq3A_172 = arith.constant 0 : i32
      %eq3A_173 = arith.cmpi eq, %jit3A_171, %eq3A_172 : i32
      %jit3A_174 = arith.constant 1 : i32
      %select_n3A_175 = arith.select %eq3A_173, %jit3A_174, %jit3A_171 : i32
      %rem3A_176 = arith.remsi %scan3A_156, %select_n3A_175 : i32
      %ne3A_177 = arith.constant 0 : i32
      %ne3A_178 = arith.cmpi ne, %rem3A_176, %ne3A_177 : i32
      %lt3A_179 = arith.constant 0 : i32
      %lt3A_180 = arith.cmpi slt, %rem3A_176, %lt3A_179 : i32
      %lt3A_181 = arith.constant 0 : i32
      %lt3A_182 = arith.cmpi slt, %select_n3A_175, %lt3A_181 : i32
      %ne3A_183 = arith.xori %lt3A_180, %lt3A_182 : i1
      %and3A_184 = arith.andi %ne3A_183, %ne3A_178 : i1
      %add3A_185 = arith.addi %rem3A_176, %select_n3A_175 : i32
      %select_n3A_186 = arith.select %and3A_184, %add3A_185, %rem3A_176 : i32
      %jit3A_187 = arith.constant 2 : i32
      %eq3A_188 = arith.constant 0 : i32
      %eq3A_189 = arith.cmpi eq, %jit3A_187, %eq3A_188 : i32
      %jit3A_190 = arith.constant 1 : i32
      %select_n3A_191 = arith.select %eq3A_189, %jit3A_190, %jit3A_187 : i32
      %rem3A_192 = arith.remsi %scan3A_156, %select_n3A_191 : i32
      %ne3A_193 = arith.constant 0 : i32
      %ne3A_194 = arith.cmpi ne, %rem3A_192, %ne3A_193 : i32
      %lt3A_195 = arith.constant 0 : i32
      %lt3A_196 = arith.cmpi slt, %rem3A_192, %lt3A_195 : i32
      %lt3A_197 = arith.constant 0 : i32
      %lt3A_198 = arith.cmpi slt, %select_n3A_191, %lt3A_197 : i32
      %ne3A_199 = arith.xori %lt3A_196, %lt3A_198 : i1
      %and3A_200 = arith.andi %ne3A_199, %ne3A_194 : i1
      %add3A_201 = arith.addi %rem3A_192, %select_n3A_191 : i32
      %select_n3A_202 = arith.select %and3A_200, %add3A_201, %rem3A_192 : i32
      %dma_wait3A_203 = arith.constant 0 : i32
      %dma_wait3A_204 = arith.constant 0 : i32
      %dma_wait3A_205 = tpu.memref_slice %arg9[%select_n3A_186, %dma_wait3A_203, %dma_wait3A_204] : memref<2x128x128xf32, #tpu.memory_space<vmem>> -> memref<1x128x128xf32, #tpu.memory_space<vmem>>
      %dma_wait3A_206 = tpu.memref_squeeze %dma_wait3A_205 : memref<1x128x128xf32, #tpu.memory_space<vmem>> -> memref<128x128xf32, #tpu.memory_space<vmem>>
      %dma_wait3A_207 = arith.constant 0 : i32
      %dma_wait3A_208 = tpu.memref_slice %arg7[%select_n3A_170, %dma_wait3A_207] : memref<2x128xi32, #tpu.memory_space<vmem>> -> memref<1x128xi32, #tpu.memory_space<vmem>>
      %dma_wait3A_209 = tpu.memref_squeeze %dma_wait3A_208 : memref<1x128xi32, #tpu.memory_space<vmem>> -> memref<128xi32, #tpu.memory_space<vmem>>
      %dma_wait3A_210 = arith.constant 0 : i32
      %dma_wait3A_211 = arith.constant 0 : i32
      %dma_wait3A_212 = tpu.memref_slice %arg2[%dma_wait3A_210, %dma_wait3A_211] : memref<10000x128xf32, #tpu.memory_space<hbm>> -> memref<10000x128xf32, #tpu.memory_space<hbm>>
      %dma_wait3A_213 = tpu.memref_slice %arg11[%select_n3A_202] : memref<2x!tpu.dma_semaphore, #tpu.memory_space<semaphore_mem>> -> memref<1x!tpu.dma_semaphore, #tpu.memory_space<semaphore_mem>>
      %dma_wait3A_214 = tpu.memref_squeeze %dma_wait3A_213 : memref<1x!tpu.dma_semaphore, #tpu.memory_space<semaphore_mem>> -> memref<!tpu.dma_semaphore, #tpu.memory_space<semaphore_mem>>
      tpu.wait_indirect_dma semaphore(%dma_wait3A_214 : memref<!tpu.dma_semaphore, #tpu.memory_space<semaphore_mem>>) src(%dma_wait3A_212 : memref<10000x128xf32, #tpu.memory_space<hbm>>) dst(%dma_wait3A_206 : memref<128x128xf32, #tpu.memory_space<vmem>>)
      %add3A_215 = arith.constant 2 : i32
      %add3A_216 = arith.addi %scan3A_156, %add3A_215 : i32
      %lt3A_217 = arith.constant 78 : i32
      %lt3A_218 = arith.cmpi slt, %add3A_216, %lt3A_217 : i32
      %convert_element_type3A_219 = arith.extui %lt3A_218 : i1 to i32
      %cond3A_220 = arith.constant 0 : i32
      %cond3A_221 = arith.cmpi ne, %convert_element_type3A_219, %cond3A_220 : i32
      scf.if %cond3A_221 {
        %add3A_286 = arith.constant 2 : i32
        %add3A_287 = arith.addi %scan3A_156, %add3A_286 : i32
        %mul3A_288 = arith.constant 128 : i32
        %mul3A_289 = arith.muli %add3A_287, %mul3A_288 : i32
        %add3A_290 = arith.addi %mul3A_2, %mul3A_289 : i32
        %jit3A_291 = arith.constant 2 : i32
        %eq3A_292 = arith.constant 0 : i32
        %eq3A_293 = arith.cmpi eq, %jit3A_291, %eq3A_292 : i32
        %jit3A_294 = arith.constant 1 : i32
        %select_n3A_295 = arith.select %eq3A_293, %jit3A_294, %jit3A_291 : i32
        %rem3A_296 = arith.remsi %scan3A_156, %select_n3A_295 : i32
        %ne3A_297 = arith.constant 0 : i32
        %ne3A_298 = arith.cmpi ne, %rem3A_296, %ne3A_297 : i32
        %lt3A_299 = arith.constant 0 : i32
        %lt3A_300 = arith.cmpi slt, %rem3A_296, %lt3A_299 : i32
        %lt3A_301 = arith.constant 0 : i32
        %lt3A_302 = arith.cmpi slt, %select_n3A_295, %lt3A_301 : i32
        %ne3A_303 = arith.xori %lt3A_300, %lt3A_302 : i1
        %and3A_304 = arith.andi %ne3A_303, %ne3A_298 : i1
        %add3A_305 = arith.addi %rem3A_296, %select_n3A_295 : i32
        %select_n3A_306 = arith.select %and3A_304, %add3A_305, %rem3A_296 : i32
        %dma_start3A_307 = arith.constant 0 : i32
        %dma_start3A_308 = tpu.memref_slice %arg7[%select_n3A_306, %dma_start3A_307] : memref<2x128xi32, #tpu.memory_space<vmem>> -> memref<1x128xi32, #tpu.memory_space<vmem>>
        %dma_start3A_309 = tpu.memref_squeeze %dma_start3A_308 : memref<1x128xi32, #tpu.memory_space<vmem>> -> memref<128xi32, #tpu.memory_space<vmem>>
        %dma_start3A_310 = tpu.memref_slice %arg3[%add3A_290] : memref<320000xi32, #tpu.memory_space<hbm>> -> memref<128xi32, #tpu.memory_space<hbm>>
        %dma_start3A_311 = arith.constant 0 : i32
        %dma_start3A_312 = tpu.memref_slice %arg7[%select_n3A_306, %dma_start3A_311] : memref<2x128xi32, #tpu.memory_space<vmem>> -> memref<1x128xi32, #tpu.memory_space<vmem>>
        %dma_start3A_313 = tpu.memref_squeeze %dma_start3A_312 : memref<1x128xi32, #tpu.memory_space<vmem>> -> memref<128xi32, #tpu.memory_space<vmem>>
        %dma_start3A_314 = tpu.memref_slice %arg3[%add3A_290] : memref<320000xi32, #tpu.memory_space<hbm>> -> memref<128xi32, #tpu.memory_space<hbm>>
        tpu.enqueue_dma source(%dma_start3A_314 : memref<128xi32, #tpu.memory_space<hbm>>) target(%dma_start3A_313 : memref<128xi32, #tpu.memory_space<vmem>>) target_semaphore(%arg14 : memref<!tpu.dma_semaphore, #tpu.memory_space<semaphore_mem>>)
      } else {
      }
      %ge3A = arith.constant 1 : i32
      %ge3A_222 = arith.cmpi sge, %scan3A_156, %ge3A : i32
      %convert_element_type3A_223 = arith.extui %ge3A_222 : i1 to i32
      %cond3A_224 = arith.constant 0 : i32
      %cond3A_225 = arith.cmpi ne, %convert_element_type3A_223, %cond3A_224 : i32
      scf.if %cond3A_225 {
        %mul3A_286 = arith.constant 128 : i32
        %mul3A_287 = arith.muli %scan3A_156, %mul3A_286 : i32
        %add3A_288 = arith.addi %mul3A_2, %mul3A_287 : i32
        %jit3A_289 = arith.constant 2 : i32
        %eq3A_290 = arith.constant 0 : i32
        %eq3A_291 = arith.cmpi eq, %jit3A_289, %eq3A_290 : i32
        %jit3A_292 = arith.constant 1 : i32
        %select_n3A_293 = arith.select %eq3A_291, %jit3A_292, %jit3A_289 : i32
        %rem3A_294 = arith.remsi %scan3A_156, %select_n3A_293 : i32
        %ne3A_295 = arith.constant 0 : i32
        %ne3A_296 = arith.cmpi ne, %rem3A_294, %ne3A_295 : i32
        %lt3A_297 = arith.constant 0 : i32
        %lt3A_298 = arith.cmpi slt, %rem3A_294, %lt3A_297 : i32
        %lt3A_299 = arith.constant 0 : i32
        %lt3A_300 = arith.cmpi slt, %select_n3A_293, %lt3A_299 : i32
        %ne3A_301 = arith.xori %lt3A_298, %lt3A_300 : i1
        %and3A_302 = arith.andi %ne3A_301, %ne3A_296 : i1
        %add3A_303 = arith.addi %rem3A_294, %select_n3A_293 : i32
        %select_n3A_304 = arith.select %and3A_302, %add3A_303, %rem3A_294 : i32
        %jit3A_305 = arith.constant 2 : i32
        %eq3A_306 = arith.constant 0 : i32
        %eq3A_307 = arith.cmpi eq, %jit3A_305, %eq3A_306 : i32
        %jit3A_308 = arith.constant 1 : i32
        %select_n3A_309 = arith.select %eq3A_307, %jit3A_308, %jit3A_305 : i32
        %rem3A_310 = arith.remsi %scan3A_156, %select_n3A_309 : i32
        %ne3A_311 = arith.constant 0 : i32
        %ne3A_312 = arith.cmpi ne, %rem3A_310, %ne3A_311 : i32
        %lt3A_313 = arith.constant 0 : i32
        %lt3A_314 = arith.cmpi slt, %rem3A_310, %lt3A_313 : i32
        %lt3A_315 = arith.constant 0 : i32
        %lt3A_316 = arith.cmpi slt, %select_n3A_309, %lt3A_315 : i32
        %ne3A_317 = arith.xori %lt3A_314, %lt3A_316 : i1
        %and3A_318 = arith.andi %ne3A_317, %ne3A_312 : i1
        %add3A_319 = arith.addi %rem3A_310, %select_n3A_309 : i32
        %select_n3A_320 = arith.select %and3A_318, %add3A_319, %rem3A_310 : i32
        %dma_wait3A_321 = arith.constant 0 : i32
        %dma_wait3A_322 = tpu.memref_slice %arg8[%select_n3A_304, %dma_wait3A_321] : memref<2x128xi32, #tpu.memory_space<vmem>> -> memref<1x128xi32, #tpu.memory_space<vmem>>
        %dma_wait3A_323 = tpu.memref_squeeze %dma_wait3A_322 : memref<1x128xi32, #tpu.memory_space<vmem>> -> memref<128xi32, #tpu.memory_space<vmem>>
        %dma_wait3A_324 = tpu.memref_slice %arg4[%add3A_288] : memref<320000xi32, #tpu.memory_space<hbm>> -> memref<128xi32, #tpu.memory_space<hbm>>
        %dma_wait3A_325 = tpu.memref_slice %arg13[%select_n3A_320] : memref<2x!tpu.dma_semaphore, #tpu.memory_space<semaphore_mem>> -> memref<1x!tpu.dma_semaphore, #tpu.memory_space<semaphore_mem>>
        %dma_wait3A_326 = tpu.memref_squeeze %dma_wait3A_325 : memref<1x!tpu.dma_semaphore, #tpu.memory_space<semaphore_mem>> -> memref<!tpu.dma_semaphore, #tpu.memory_space<semaphore_mem>>
        %dma_wait3A_327 = arith.constant 0 : i32
        %dma_wait3A_328 = tpu.memref_slice %arg8[%select_n3A_304, %dma_wait3A_327] : memref<2x128xi32, #tpu.memory_space<vmem>> -> memref<1x128xi32, #tpu.memory_space<vmem>>
        %dma_wait3A_329 = tpu.memref_squeeze %dma_wait3A_328 : memref<1x128xi32, #tpu.memory_space<vmem>> -> memref<128xi32, #tpu.memory_space<vmem>>
        %dma_wait3A_330 = tpu.memref_slice %arg4[%add3A_288] : memref<320000xi32, #tpu.memory_space<hbm>> -> memref<128xi32, #tpu.memory_space<hbm>>
        tpu.wait_dma2 semaphore(%dma_wait3A_326 : memref<!tpu.dma_semaphore, #tpu.memory_space<semaphore_mem>>) src(%dma_wait3A_330 : memref<128xi32, #tpu.memory_space<hbm>>) dst(%dma_wait3A_329 : memref<128xi32, #tpu.memory_space<vmem>>)
      } else {
      }
      %jit3A_226 = arith.constant 2 : i32
      %eq3A_227 = arith.constant 0 : i32
      %eq3A_228 = arith.cmpi eq, %jit3A_226, %eq3A_227 : i32
      %jit3A_229 = arith.constant 1 : i32
      %select_n3A_230 = arith.select %eq3A_228, %jit3A_229, %jit3A_226 : i32
      %rem3A_231 = arith.remsi %scan3A_156, %select_n3A_230 : i32
      %ne3A_232 = arith.constant 0 : i32
      %ne3A_233 = arith.cmpi ne, %rem3A_231, %ne3A_232 : i32
      %lt3A_234 = arith.constant 0 : i32
      %lt3A_235 = arith.cmpi slt, %rem3A_231, %lt3A_234 : i32
      %lt3A_236 = arith.constant 0 : i32
      %lt3A_237 = arith.cmpi slt, %select_n3A_230, %lt3A_236 : i32
      %ne3A_238 = arith.xori %lt3A_235, %lt3A_237 : i1
      %and3A_239 = arith.andi %ne3A_238, %ne3A_233 : i1
      %add3A_240 = arith.addi %rem3A_231, %select_n3A_230 : i32
      %select_n3A_241 = arith.select %and3A_239, %add3A_240, %rem3A_231 : i32
      %jit3A_242 = arith.constant 2 : i32
      %eq3A_243 = arith.constant 0 : i32
      %eq3A_244 = arith.cmpi eq, %jit3A_242, %eq3A_243 : i32
      %jit3A_245 = arith.constant 1 : i32
      %select_n3A_246 = arith.select %eq3A_244, %jit3A_245, %jit3A_242 : i32
      %rem3A_247 = arith.remsi %scan3A_156, %select_n3A_246 : i32
      %ne3A_248 = arith.constant 0 : i32
      %ne3A_249 = arith.cmpi ne, %rem3A_247, %ne3A_248 : i32
      %lt3A_250 = arith.constant 0 : i32
      %lt3A_251 = arith.cmpi slt, %rem3A_247, %lt3A_250 : i32
      %lt3A_252 = arith.constant 0 : i32
      %lt3A_253 = arith.cmpi slt, %select_n3A_246, %lt3A_252 : i32
      %ne3A_254 = arith.xori %lt3A_251, %lt3A_253 : i1
      %and3A_255 = arith.andi %ne3A_254, %ne3A_249 : i1
      %add3A_256 = arith.addi %rem3A_247, %select_n3A_246 : i32
      %select_n3A_257 = arith.select %and3A_255, %add3A_256, %rem3A_247 : i32
      %jit3A_258 = arith.constant 2 : i32
      %eq3A_259 = arith.constant 0 : i32
      %eq3A_260 = arith.cmpi eq, %jit3A_258, %eq3A_259 : i32
      %jit3A_261 = arith.constant 1 : i32
      %select_n3A_262 = arith.select %eq3A_260, %jit3A_261, %jit3A_258 : i32
      %rem3A_263 = arith.remsi %scan3A_156, %select_n3A_262 : i32
      %ne3A_264 = arith.constant 0 : i32
      %ne3A_265 = arith.cmpi ne, %rem3A_263, %ne3A_264 : i32
      %lt3A_266 = arith.constant 0 : i32
      %lt3A_267 = arith.cmpi slt, %rem3A_263, %lt3A_266 : i32
      %lt3A_268 = arith.constant 0 : i32
      %lt3A_269 = arith.cmpi slt, %select_n3A_262, %lt3A_268 : i32
      %ne3A_270 = arith.xori %lt3A_267, %lt3A_269 : i1
      %and3A_271 = arith.andi %ne3A_270, %ne3A_265 : i1
      %add3A_272 = arith.addi %rem3A_263, %select_n3A_262 : i32
      %select_n3A_273 = arith.select %and3A_271, %add3A_272, %rem3A_263 : i32
      %dma_start3A_274 = arith.constant 0 : i32
      %dma_start3A_275 = arith.constant 0 : i32
      %dma_start3A_276 = tpu.memref_slice %arg9[%select_n3A_241, %dma_start3A_274, %dma_start3A_275] : memref<2x128x128xf32, #tpu.memory_space<vmem>> -> memref<1x128x128xf32, #tpu.memory_space<vmem>>
      %dma_start3A_277 = tpu.memref_squeeze %dma_start3A_276 : memref<1x128x128xf32, #tpu.memory_space<vmem>> -> memref<128x128xf32, #tpu.memory_space<vmem>>
      %dma_start3A_278 = arith.constant 0 : i32
      %dma_start3A_279 = tpu.memref_slice %arg8[%select_n3A_257, %dma_start3A_278] : memref<2x128xi32, #tpu.memory_space<vmem>> -> memref<1x128xi32, #tpu.memory_space<vmem>>
      %dma_start3A_280 = tpu.memref_squeeze %dma_start3A_279 : memref<1x128xi32, #tpu.memory_space<vmem>> -> memref<128xi32, #tpu.memory_space<vmem>>
      %dma_start3A_281 = arith.constant 0 : i32
      %dma_start3A_282 = arith.constant 0 : i32
      %dma_start3A_283 = tpu.memref_slice %arg10[%dma_start3A_281, %dma_start3A_282] : memref<10112x128xf32, #tpu.memory_space<vmem_shared>> -> memref<10112x128xf32, #tpu.memory_space<vmem_shared>>
      %dma_start3A_284 = tpu.memref_slice %arg12[%select_n3A_273] : memref<2x!tpu.dma_semaphore, #tpu.memory_space<semaphore_mem>> -> memref<1x!tpu.dma_semaphore, #tpu.memory_space<semaphore_mem>>
      %dma_start3A_285 = tpu.memref_squeeze %dma_start3A_284 : memref<1x!tpu.dma_semaphore, #tpu.memory_space<semaphore_mem>> -> memref<!tpu.dma_semaphore, #tpu.memory_space<semaphore_mem>>
      tpu.enqueue_indirect_dma source(%dma_start3A_277 : memref<128x128xf32, #tpu.memory_space<vmem>>) target(%dma_start3A_283 : memref<10112x128xf32, #tpu.memory_space<vmem_shared>>) offsets(%dma_start3A_280 : memref<128xi32, #tpu.memory_space<vmem>>) semaphore(%dma_start3A_285 : memref<!tpu.dma_semaphore, #tpu.memory_space<semaphore_mem>>) {add = true}
    }
    %scan3A_35 = arith.constant 78 : i32
    %dma_wait3A = arith.constant 1 : i32
    %dma_wait3A_36 = arith.constant 1 : i32
    %dma_wait3A_37 = arith.constant 1 : i32
    %dma_wait3A_38 = arith.constant 0 : i32
    %dma_wait3A_39 = arith.constant 0 : i32
    %dma_wait3A_40 = tpu.memref_slice %arg9[%dma_wait3A, %dma_wait3A_38, %dma_wait3A_39] : memref<2x128x128xf32, #tpu.memory_space<vmem>> -> memref<1x128x128xf32, #tpu.memory_space<vmem>>
    %dma_wait3A_41 = tpu.memref_squeeze %dma_wait3A_40 : memref<1x128x128xf32, #tpu.memory_space<vmem>> -> memref<128x128xf32, #tpu.memory_space<vmem>>
    %dma_wait3A_42 = arith.constant 0 : i32
    %dma_wait3A_43 = tpu.memref_slice %arg8[%dma_wait3A_36, %dma_wait3A_42] : memref<2x128xi32, #tpu.memory_space<vmem>> -> memref<1x128xi32, #tpu.memory_space<vmem>>
    %dma_wait3A_44 = tpu.memref_squeeze %dma_wait3A_43 : memref<1x128xi32, #tpu.memory_space<vmem>> -> memref<128xi32, #tpu.memory_space<vmem>>
    %dma_wait3A_45 = arith.constant 0 : i32
    %dma_wait3A_46 = arith.constant 0 : i32
    %dma_wait3A_47 = tpu.memref_slice %arg10[%dma_wait3A_45, %dma_wait3A_46] : memref<10112x128xf32, #tpu.memory_space<vmem_shared>> -> memref<10112x128xf32, #tpu.memory_space<vmem_shared>>
    %dma_wait3A_48 = tpu.memref_slice %arg12[%dma_wait3A_37] : memref<2x!tpu.dma_semaphore, #tpu.memory_space<semaphore_mem>> -> memref<1x!tpu.dma_semaphore, #tpu.memory_space<semaphore_mem>>
    %dma_wait3A_49 = tpu.memref_squeeze %dma_wait3A_48 : memref<1x!tpu.dma_semaphore, #tpu.memory_space<semaphore_mem>> -> memref<!tpu.dma_semaphore, #tpu.memory_space<semaphore_mem>>
    tpu.wait_indirect_dma semaphore(%dma_wait3A_49 : memref<!tpu.dma_semaphore, #tpu.memory_space<semaphore_mem>>) src(%dma_wait3A_41 : memref<128x128xf32, #tpu.memory_space<vmem>>) dst(%dma_wait3A_47 : memref<10112x128xf32, #tpu.memory_space<vmem_shared>>)
    %dma_wait3A_50 = arith.constant 0 : i32
    %dma_wait3A_51 = arith.constant 0 : i32
    %dma_wait3A_52 = arith.constant 0 : i32
    %dma_wait3A_53 = arith.constant 0 : i32
    %dma_wait3A_54 = arith.constant 0 : i32
    %dma_wait3A_55 = tpu.memref_slice %arg9[%dma_wait3A_50, %dma_wait3A_53, %dma_wait3A_54] : memref<2x128x128xf32, #tpu.memory_space<vmem>> -> memref<1x128x128xf32, #tpu.memory_space<vmem>>
    %dma_wait3A_56 = tpu.memref_squeeze %dma_wait3A_55 : memref<1x128x128xf32, #tpu.memory_space<vmem>> -> memref<128x128xf32, #tpu.memory_space<vmem>>
    %dma_wait3A_57 = arith.constant 0 : i32
    %dma_wait3A_58 = tpu.memref_slice %arg8[%dma_wait3A_51, %dma_wait3A_57] : memref<2x128xi32, #tpu.memory_space<vmem>> -> memref<1x128xi32, #tpu.memory_space<vmem>>
    %dma_wait3A_59 = tpu.memref_squeeze %dma_wait3A_58 : memref<1x128xi32, #tpu.memory_space<vmem>> -> memref<128xi32, #tpu.memory_space<vmem>>
    %dma_wait3A_60 = arith.constant 0 : i32
    %dma_wait3A_61 = arith.constant 0 : i32
    %dma_wait3A_62 = tpu.memref_slice %arg10[%dma_wait3A_60, %dma_wait3A_61] : memref<10112x128xf32, #tpu.memory_space<vmem_shared>> -> memref<10112x128xf32, #tpu.memory_space<vmem_shared>>
    %dma_wait3A_63 = tpu.memref_slice %arg12[%dma_wait3A_52] : memref<2x!tpu.dma_semaphore, #tpu.memory_space<semaphore_mem>> -> memref<1x!tpu.dma_semaphore, #tpu.memory_space<semaphore_mem>>
    %dma_wait3A_64 = tpu.memref_squeeze %dma_wait3A_63 : memref<1x!tpu.dma_semaphore, #tpu.memory_space<semaphore_mem>> -> memref<!tpu.dma_semaphore, #tpu.memory_space<semaphore_mem>>
    tpu.wait_indirect_dma semaphore(%dma_wait3A_64 : memref<!tpu.dma_semaphore, #tpu.memory_space<semaphore_mem>>) src(%dma_wait3A_56 : memref<128x128xf32, #tpu.memory_space<vmem>>) dst(%dma_wait3A_62 : memref<10112x128xf32, #tpu.memory_space<vmem_shared>>)
    %add3A_65 = arith.constant 9984 : i32
    %add3A_66 = arith.addi %mul3A_2, %add3A_65 : i32
    %run_scoped3A_67 = arith.constant 0 : i32
    "tpu.region"() ({
      %run_scoped3A_156 = tpu.sem_alloc : memref<!tpu.dma_semaphore, #tpu.memory_space<semaphore_mem>>
      %dma_start3A_157 = arith.constant 0 : i32
      %dma_start3A_158 = tpu.memref_slice %arg7[%run_scoped3A_67, %dma_start3A_157] : memref<2x128xi32, #tpu.memory_space<vmem>> -> memref<1x16xi32, #tpu.memory_space<vmem>>
      %dma_start3A_159 = tpu.memref_squeeze %dma_start3A_158 : memref<1x16xi32, #tpu.memory_space<vmem>> -> memref<16xi32, #tpu.memory_space<vmem>>
      %dma_start3A_160 = tpu.memref_slice %arg3[%add3A_66] : memref<320000xi32, #tpu.memory_space<hbm>> -> memref<16xi32, #tpu.memory_space<hbm>>
      %dma_start3A_161 = arith.constant 0 : i32
      %dma_start3A_162 = tpu.memref_slice %arg7[%run_scoped3A_67, %dma_start3A_161] : memref<2x128xi32, #tpu.memory_space<vmem>> -> memref<1x16xi32, #tpu.memory_space<vmem>>
      %dma_start3A_163 = tpu.memref_squeeze %dma_start3A_162 : memref<1x16xi32, #tpu.memory_space<vmem>> -> memref<16xi32, #tpu.memory_space<vmem>>
      %dma_start3A_164 = tpu.memref_slice %arg3[%add3A_66] : memref<320000xi32, #tpu.memory_space<hbm>> -> memref<16xi32, #tpu.memory_space<hbm>>
      tpu.enqueue_dma source(%dma_start3A_164 : memref<16xi32, #tpu.memory_space<hbm>>) target(%dma_start3A_163 : memref<16xi32, #tpu.memory_space<vmem>>) target_semaphore(%run_scoped3A_156 : memref<!tpu.dma_semaphore, #tpu.memory_space<semaphore_mem>>)
      %dma_wait3A_165 = arith.constant 0 : i32
      %dma_wait3A_166 = tpu.memref_slice %arg7[%run_scoped3A_67, %dma_wait3A_165] : memref<2x128xi32, #tpu.memory_space<vmem>> -> memref<1x16xi32, #tpu.memory_space<vmem>>
      %dma_wait3A_167 = tpu.memref_squeeze %dma_wait3A_166 : memref<1x16xi32, #tpu.memory_space<vmem>> -> memref<16xi32, #tpu.memory_space<vmem>>
      %dma_wait3A_168 = tpu.memref_slice %arg3[%add3A_66] : memref<320000xi32, #tpu.memory_space<hbm>> -> memref<16xi32, #tpu.memory_space<hbm>>
      %dma_wait3A_169 = arith.constant 0 : i32
      %dma_wait3A_170 = tpu.memref_slice %arg7[%run_scoped3A_67, %dma_wait3A_169] : memref<2x128xi32, #tpu.memory_space<vmem>> -> memref<1x16xi32, #tpu.memory_space<vmem>>
      %dma_wait3A_171 = tpu.memref_squeeze %dma_wait3A_170 : memref<1x16xi32, #tpu.memory_space<vmem>> -> memref<16xi32, #tpu.memory_space<vmem>>
      %dma_wait3A_172 = tpu.memref_slice %arg3[%add3A_66] : memref<320000xi32, #tpu.memory_space<hbm>> -> memref<16xi32, #tpu.memory_space<hbm>>
      tpu.wait_dma2 semaphore(%run_scoped3A_156 : memref<!tpu.dma_semaphore, #tpu.memory_space<semaphore_mem>>) src(%dma_wait3A_172 : memref<16xi32, #tpu.memory_space<hbm>>) dst(%dma_wait3A_171 : memref<16xi32, #tpu.memory_space<vmem>>)
      tpu.yield
    }) : () -> ()
    %run_scoped3A_68 = arith.constant 0 : i32
    "tpu.region"() ({
      %run_scoped3A_156 = tpu.sem_alloc : memref<!tpu.dma_semaphore, #tpu.memory_space<semaphore_mem>>
      %dma_start3A_157 = arith.constant 0 : i32
      %dma_start3A_158 = tpu.memref_slice %arg8[%run_scoped3A_68, %dma_start3A_157] : memref<2x128xi32, #tpu.memory_space<vmem>> -> memref<1x16xi32, #tpu.memory_space<vmem>>
      %dma_start3A_159 = tpu.memref_squeeze %dma_start3A_158 : memref<1x16xi32, #tpu.memory_space<vmem>> -> memref<16xi32, #tpu.memory_space<vmem>>
      %dma_start3A_160 = tpu.memref_slice %arg4[%add3A_66] : memref<320000xi32, #tpu.memory_space<hbm>> -> memref<16xi32, #tpu.memory_space<hbm>>
      %dma_start3A_161 = arith.constant 0 : i32
      %dma_start3A_162 = tpu.memref_slice %arg8[%run_scoped3A_68, %dma_start3A_161] : memref<2x128xi32, #tpu.memory_space<vmem>> -> memref<1x16xi32, #tpu.memory_space<vmem>>
      %dma_start3A_163 = tpu.memref_squeeze %dma_start3A_162 : memref<1x16xi32, #tpu.memory_space<vmem>> -> memref<16xi32, #tpu.memory_space<vmem>>
      %dma_start3A_164 = tpu.memref_slice %arg4[%add3A_66] : memref<320000xi32, #tpu.memory_space<hbm>> -> memref<16xi32, #tpu.memory_space<hbm>>
      tpu.enqueue_dma source(%dma_start3A_164 : memref<16xi32, #tpu.memory_space<hbm>>) target(%dma_start3A_163 : memref<16xi32, #tpu.memory_space<vmem>>) target_semaphore(%run_scoped3A_156 : memref<!tpu.dma_semaphore, #tpu.memory_space<semaphore_mem>>)
      %dma_wait3A_165 = arith.constant 0 : i32
      %dma_wait3A_166 = tpu.memref_slice %arg8[%run_scoped3A_68, %dma_wait3A_165] : memref<2x128xi32, #tpu.memory_space<vmem>> -> memref<1x16xi32, #tpu.memory_space<vmem>>
      %dma_wait3A_167 = tpu.memref_squeeze %dma_wait3A_166 : memref<1x16xi32, #tpu.memory_space<vmem>> -> memref<16xi32, #tpu.memory_space<vmem>>
      %dma_wait3A_168 = tpu.memref_slice %arg4[%add3A_66] : memref<320000xi32, #tpu.memory_space<hbm>> -> memref<16xi32, #tpu.memory_space<hbm>>
      %dma_wait3A_169 = arith.constant 0 : i32
      %dma_wait3A_170 = tpu.memref_slice %arg8[%run_scoped3A_68, %dma_wait3A_169] : memref<2x128xi32, #tpu.memory_space<vmem>> -> memref<1x16xi32, #tpu.memory_space<vmem>>
      %dma_wait3A_171 = tpu.memref_squeeze %dma_wait3A_170 : memref<1x16xi32, #tpu.memory_space<vmem>> -> memref<16xi32, #tpu.memory_space<vmem>>
      %dma_wait3A_172 = tpu.memref_slice %arg4[%add3A_66] : memref<320000xi32, #tpu.memory_space<hbm>> -> memref<16xi32, #tpu.memory_space<hbm>>
      tpu.wait_dma2 semaphore(%run_scoped3A_156 : memref<!tpu.dma_semaphore, #tpu.memory_space<semaphore_mem>>) src(%dma_wait3A_172 : memref<16xi32, #tpu.memory_space<hbm>>) dst(%dma_wait3A_171 : memref<16xi32, #tpu.memory_space<vmem>>)
      tpu.yield
    }) : () -> ()
    %broadcast_in_dim3A = arith.constant 10001 : i32
    %broadcast_in_dim3A_69 = vector.broadcast %broadcast_in_dim3A : i32 to vector<16xi32>
    %swap3A = arith.constant 0 : i32
    %swap3A_70 = arith.index_cast %swap3A : i32 to index
    %swap3A_71 = arith.constant 16 : index
    %swap3A_72 = tpu.vector_load %arg8[%swap3A_70, %swap3A_71] {strides = array<i32>} : memref<2x128xi32, #tpu.memory_space<vmem>>, vector<1x16xi32>,
    %swap3A_73 = vector.shape_cast %swap3A_72 : vector<1x16xi32> to vector<16xi32>
    %swap3A_74 = vector.shape_cast %broadcast_in_dim3A_69 : vector<16xi32> to vector<1x16xi32>
    tpu.vector_store %arg8[%swap3A_70, %swap3A_71], %swap3A_74 {strides = array<i32>} : memref<2x128xi32, #tpu.memory_space<vmem>>, vector<1x16xi32>,
    %broadcast_in_dim3A_75 = arith.constant 10002 : i32
    %broadcast_in_dim3A_76 = vector.broadcast %broadcast_in_dim3A_75 : i32 to vector<16xi32>
    %swap3A_77 = arith.constant 0 : i32
    %swap3A_78 = arith.index_cast %swap3A_77 : i32 to index
    %swap3A_79 = arith.constant 32 : index
    %swap3A_80 = tpu.vector_load %arg8[%swap3A_78, %swap3A_79] {strides = array<i32>} : memref<2x128xi32, #tpu.memory_space<vmem>>, vector<1x16xi32>,
    %swap3A_81 = vector.shape_cast %swap3A_80 : vector<1x16xi32> to vector<16xi32>
    %swap3A_82 = vector.shape_cast %broadcast_in_dim3A_76 : vector<16xi32> to vector<1x16xi32>
    tpu.vector_store %arg8[%swap3A_78, %swap3A_79], %swap3A_82 {strides = array<i32>} : memref<2x128xi32, #tpu.memory_space<vmem>>, vector<1x16xi32>,
    %broadcast_in_dim3A_83 = arith.constant 10003 : i32
    %broadcast_in_dim3A_84 = vector.broadcast %broadcast_in_dim3A_83 : i32 to vector<16xi32>
    %swap3A_85 = arith.constant 0 : i32
    %swap3A_86 = arith.index_cast %swap3A_85 : i32 to index
    %swap3A_87 = arith.constant 48 : index
    %swap3A_88 = tpu.vector_load %arg8[%swap3A_86, %swap3A_87] {strides = array<i32>} : memref<2x128xi32, #tpu.memory_space<vmem>>, vector<1x16xi32>,
    %swap3A_89 = vector.shape_cast %swap3A_88 : vector<1x16xi32> to vector<16xi32>
    %swap3A_90 = vector.shape_cast %broadcast_in_dim3A_84 : vector<16xi32> to vector<1x16xi32>
    tpu.vector_store %arg8[%swap3A_86, %swap3A_87], %swap3A_90 {strides = array<i32>} : memref<2x128xi32, #tpu.memory_space<vmem>>, vector<1x16xi32>,
    %broadcast_in_dim3A_91 = arith.constant 10004 : i32
    %broadcast_in_dim3A_92 = vector.broadcast %broadcast_in_dim3A_91 : i32 to vector<16xi32>
    %swap3A_93 = arith.constant 0 : i32
    %swap3A_94 = arith.index_cast %swap3A_93 : i32 to index
    %swap3A_95 = arith.constant 64 : index
    %swap3A_96 = tpu.vector_load %arg8[%swap3A_94, %swap3A_95] {strides = array<i32>} : memref<2x128xi32, #tpu.memory_space<vmem>>, vector<1x16xi32>,
    %swap3A_97 = vector.shape_cast %swap3A_96 : vector<1x16xi32> to vector<16xi32>
    %swap3A_98 = vector.shape_cast %broadcast_in_dim3A_92 : vector<16xi32> to vector<1x16xi32>
    tpu.vector_store %arg8[%swap3A_94, %swap3A_95], %swap3A_98 {strides = array<i32>} : memref<2x128xi32, #tpu.memory_space<vmem>>, vector<1x16xi32>,
    %broadcast_in_dim3A_99 = arith.constant 10005 : i32
    %broadcast_in_dim3A_100 = vector.broadcast %broadcast_in_dim3A_99 : i32 to vector<16xi32>
    %swap3A_101 = arith.constant 0 : i32
    %swap3A_102 = arith.index_cast %swap3A_101 : i32 to index
    %swap3A_103 = arith.constant 80 : index
    %swap3A_104 = tpu.vector_load %arg8[%swap3A_102, %swap3A_103] {strides = array<i32>} : memref<2x128xi32, #tpu.memory_space<vmem>>, vector<1x16xi32>,
    %swap3A_105 = vector.shape_cast %swap3A_104 : vector<1x16xi32> to vector<16xi32>
    %swap3A_106 = vector.shape_cast %broadcast_in_dim3A_100 : vector<16xi32> to vector<1x16xi32>
    tpu.vector_store %arg8[%swap3A_102, %swap3A_103], %swap3A_106 {strides = array<i32>} : memref<2x128xi32, #tpu.memory_space<vmem>>, vector<1x16xi32>,
    %broadcast_in_dim3A_107 = arith.constant 10006 : i32
    %broadcast_in_dim3A_108 = vector.broadcast %broadcast_in_dim3A_107 : i32 to vector<16xi32>
    %swap3A_109 = arith.constant 0 : i32
    %swap3A_110 = arith.index_cast %swap3A_109 : i32 to index
    %swap3A_111 = arith.constant 96 : index
    %swap3A_112 = tpu.vector_load %arg8[%swap3A_110, %swap3A_111] {strides = array<i32>} : memref<2x128xi32, #tpu.memory_space<vmem>>, vector<1x16xi32>,
    %swap3A_113 = vector.shape_cast %swap3A_112 : vector<1x16xi32> to vector<16xi32>
    %swap3A_114 = vector.shape_cast %broadcast_in_dim3A_108 : vector<16xi32> to vector<1x16xi32>
    tpu.vector_store %arg8[%swap3A_110, %swap3A_111], %swap3A_114 {strides = array<i32>} : memref<2x128xi32, #tpu.memory_space<vmem>>, vector<1x16xi32>,
    %broadcast_in_dim3A_115 = arith.constant 10007 : i32
    %broadcast_in_dim3A_116 = vector.broadcast %broadcast_in_dim3A_115 : i32 to vector<16xi32>
    %swap3A_117 = arith.constant 0 : i32
    %swap3A_118 = arith.index_cast %swap3A_117 : i32 to index
    %swap3A_119 = arith.constant 112 : index
    %swap3A_120 = tpu.vector_load %arg8[%swap3A_118, %swap3A_119] {strides = array<i32>} : memref<2x128xi32, #tpu.memory_space<vmem>>, vector<1x16xi32>,
    %swap3A_121 = vector.shape_cast %swap3A_120 : vector<1x16xi32> to vector<16xi32>
    %swap3A_122 = vector.shape_cast %broadcast_in_dim3A_116 : vector<16xi32> to vector<1x16xi32>
    tpu.vector_store %arg8[%swap3A_118, %swap3A_119], %swap3A_122 {strides = array<i32>} : memref<2x128xi32, #tpu.memory_space<vmem>>, vector<1x16xi32>,
    %dma_start3A_123 = arith.constant 0 : i32
    %dma_start3A_124 = arith.constant 0 : i32
    %dma_start3A_125 = arith.constant 0 : i32
    %dma_start3A_126 = arith.constant 0 : i32
    %dma_start3A_127 = arith.constant 0 : i32
    %dma_start3A_128 = tpu.memref_slice %arg9[%dma_start3A_124, %dma_start3A_126, %dma_start3A_127] : memref<2x128x128xf32, #tpu.memory_space<vmem>> -> memref<1x16x128xf32, #tpu.memory_space<vmem>>
    %dma_start3A_129 = tpu.memref_squeeze %dma_start3A_128 : memref<1x16x128xf32, #tpu.memory_space<vmem>> -> memref<16x128xf32, #tpu.memory_space<vmem>>
    %dma_start3A_130 = arith.constant 0 : i32
    %dma_start3A_131 = tpu.memref_slice %arg7[%dma_start3A_123, %dma_start3A_130] : memref<2x128xi32, #tpu.memory_space<vmem>> -> memref<1x16xi32, #tpu.memory_space<vmem>>
    %dma_start3A_132 = tpu.memref_squeeze %dma_start3A_131 : memref<1x16xi32, #tpu.memory_space<vmem>> -> memref<16xi32, #tpu.memory_space<vmem>>
    %dma_start3A_133 = arith.constant 0 : i32
    %dma_start3A_134 = arith.constant 0 : i32
    %dma_start3A_135 = tpu.memref_slice %arg2[%dma_start3A_133, %dma_start3A_134] : memref<10000x128xf32, #tpu.memory_space<hbm>> -> memref<10000x128xf32, #tpu.memory_space<hbm>>
    %dma_start3A_136 = tpu.memref_slice %arg11[%dma_start3A_125] : memref<2x!tpu.dma_semaphore, #tpu.memory_space<semaphore_mem>> -> memref<1x!tpu.dma_semaphore, #tpu.memory_space<semaphore_mem>>
    %dma_start3A_137 = tpu.memref_squeeze %dma_start3A_136 : memref<1x!tpu.dma_semaphore, #tpu.memory_space<semaphore_mem>> -> memref<!tpu.dma_semaphore, #tpu.memory_space<semaphore_mem>>
    tpu.enqueue_indirect_dma source(%dma_start3A_135 : memref<10000x128xf32, #tpu.memory_space<hbm>>) target(%dma_start3A_129 : memref<16x128xf32, #tpu.memory_space<vmem>>) offsets(%dma_start3A_132 : memref<16xi32, #tpu.memory_space<vmem>>) semaphore(%dma_start3A_137 : memref<!tpu.dma_semaphore, #tpu.memory_space<semaphore_mem>>)
    %dma_wait3A_138 = arith.constant 0 : i32
    %dma_wait3A_139 = arith.constant 0 : i32
    %dma_wait3A_140 = arith.constant 0 : i32
    %dma_wait3A_141 = arith.constant 0 : i32
    %dma_wait3A_142 = arith.constant 0 : i32
    %dma_wait3A_143 = tpu.memref_slice %arg9[%dma_wait3A_139, %dma_wait3A_141, %dma_wait3A_142] : memref<2x128x128xf32, #tpu.memory_space<vmem>> -> memref<1x16x128xf32, #tpu.memory_space<vmem>>
    %dma_wait3A_144 = tpu.memref_squeeze %dma_wait3A_143 : memref<1x16x128xf32, #tpu.memory_space<vmem>> -> memref<16x128xf32, #tpu.memory_space<vmem>>
    %dma_wait3A_145 = arith.constant 0 : i32
    %dma_wait3A_146 = tpu.memref_slice %arg7[%dma_wait3A_138, %dma_wait3A_145] : memref<2x128xi32, #tpu.memory_space<vmem>> -> memref<1x16xi32, #tpu.memory_space<vmem>>
    %dma_wait3A_147 = tpu.memref_squeeze %dma_wait3A_146 : memref<1x16xi32, #tpu.memory_space<vmem>> -> memref<16xi32, #tpu.memory_space<vmem>>
    %dma_wait3A_148 = arith.constant 0 : i32
    %dma_wait3A_149 = arith.constant 0 : i32
    %dma_wait3A_150 = tpu.memref_slice %arg2[%dma_wait3A_148, %dma_wait3A_149] : memref<10000x128xf32, #tpu.memory_space<hbm>> -> memref<10000x128xf32, #tpu.memory_space<hbm>>
    %dma_wait3A_151 = tpu.memref_slice %arg11[%dma_wait3A_140] : memref<2x!tpu.dma_semaphore, #tpu.memory_space<semaphore_mem>> -> memref<1x!tpu.dma_semaphore, #tpu.memory_space<semaphore_mem>>
    %dma_wait3A_152 = tpu.memref_squeeze %dma_wait3A_151 : memref<1x!tpu.dma_semaphore, #tpu.memory_space<semaphore_mem>> -> memref<!tpu.dma_semaphore, #tpu.memory_space<semaphore_mem>>
    tpu.wait_indirect_dma semaphore(%dma_wait3A_152 : memref<!tpu.dma_semaphore, #tpu.memory_space<semaphore_mem>>) src(%dma_wait3A_150 : memref<10000x128xf32, #tpu.memory_space<hbm>>) dst(%dma_wait3A_144 : memref<16x128xf32, #tpu.memory_space<vmem>>)
    %run_scoped3A_153 = arith.constant 0 : i32
    %run_scoped3A_154 = arith.constant 0 : i32
    "tpu.region"() ({
      %run_scoped3A_156 = tpu.sem_alloc : memref<!tpu.dma_semaphore, #tpu.memory_space<semaphore_mem>>
      %dma_start3A_157 = arith.constant 0 : i32
      %dma_start3A_158 = arith.constant 0 : i32
      %dma_start3A_159 = tpu.memref_slice %arg9[%run_scoped3A_153, %dma_start3A_157, %dma_start3A_158] : memref<2x128x128xf32, #tpu.memory_space<vmem>> -> memref<1x128x128xf32, #tpu.memory_space<vmem>>
      %dma_start3A_160 = tpu.memref_squeeze %dma_start3A_159 : memref<1x128x128xf32, #tpu.memory_space<vmem>> -> memref<128x128xf32, #tpu.memory_space<vmem>>
      %dma_start3A_161 = arith.constant 0 : i32
      %dma_start3A_162 = tpu.memref_slice %arg8[%run_scoped3A_154, %dma_start3A_161] : memref<2x128xi32, #tpu.memory_space<vmem>> -> memref<1x128xi32, #tpu.memory_space<vmem>>
      %dma_start3A_163 = tpu.memref_squeeze %dma_start3A_162 : memref<1x128xi32, #tpu.memory_space<vmem>> -> memref<128xi32, #tpu.memory_space<vmem>>
      %dma_start3A_164 = arith.constant 0 : i32
      %dma_start3A_165 = arith.constant 0 : i32
      %dma_start3A_166 = tpu.memref_slice %arg10[%dma_start3A_164, %dma_start3A_165] : memref<10112x128xf32, #tpu.memory_space<vmem_shared>> -> memref<10112x128xf32, #tpu.memory_space<vmem_shared>>
      tpu.enqueue_indirect_dma source(%dma_start3A_160 : memref<128x128xf32, #tpu.memory_space<vmem>>) target(%dma_start3A_166 : memref<10112x128xf32, #tpu.memory_space<vmem_shared>>) offsets(%dma_start3A_163 : memref<128xi32, #tpu.memory_space<vmem>>) semaphore(%run_scoped3A_156 : memref<!tpu.dma_semaphore, #tpu.memory_space<semaphore_mem>>) {add = true}
      %dma_wait3A_167 = arith.constant 0 : i32
      %dma_wait3A_168 = arith.constant 0 : i32
      %dma_wait3A_169 = tpu.memref_slice %arg9[%run_scoped3A_153, %dma_wait3A_167, %dma_wait3A_168] : memref<2x128x128xf32, #tpu.memory_space<vmem>> -> memref<1x128x128xf32, #tpu.memory_space<vmem>>
      %dma_wait3A_170 = tpu.memref_squeeze %dma_wait3A_169 : memref<1x128x128xf32, #tpu.memory_space<vmem>> -> memref<128x128xf32, #tpu.memory_space<vmem>>
      %dma_wait3A_171 = arith.constant 0 : i32
      %dma_wait3A_172 = tpu.memref_slice %arg8[%run_scoped3A_154, %dma_wait3A_171] : memref<2x128xi32, #tpu.memory_space<vmem>> -> memref<1x128xi32, #tpu.memory_space<vmem>>
      %dma_wait3A_173 = tpu.memref_squeeze %dma_wait3A_172 : memref<1x128xi32, #tpu.memory_space<vmem>> -> memref<128xi32, #tpu.memory_space<vmem>>
      %dma_wait3A_174 = arith.constant 0 : i32
      %dma_wait3A_175 = arith.constant 0 : i32
      %dma_wait3A_176 = tpu.memref_slice %arg10[%dma_wait3A_174, %dma_wait3A_175] : memref<10112x128xf32, #tpu.memory_space<vmem_shared>> -> memref<10112x128xf32, #tpu.memory_space<vmem_shared>>
      tpu.wait_indirect_dma semaphore(%run_scoped3A_156 : memref<!tpu.dma_semaphore, #tpu.memory_space<semaphore_mem>>) src(%dma_wait3A_170 : memref<128x128xf32, #tpu.memory_space<vmem>>) dst(%dma_wait3A_176 : memref<10112x128xf32, #tpu.memory_space<vmem_shared>>)
      tpu.yield
    }) : () -> ()
    %barrier3A_155 = arith.constant 0 : index
    tpu.barrier barrier_id(%barrier3A_155)
    "tpu.region"() ({
      %run_scoped3A_156 = tpu.sem_alloc : memref<!tpu.dma_semaphore, #tpu.memory_space<semaphore_mem>>
      %dma_start3A_157 = arith.constant 0 : i32
      %dma_start3A_158 = tpu.memref_slice %arg6[%arg0, %mul3A_4, %dma_start3A_157] : memref<2x10112x128xf32, #tpu.memory_space<hbm>> -> memref<1x632x128xf32, #tpu.memory_space<hbm>>
      %dma_start3A_159 = tpu.memref_squeeze %dma_start3A_158 : memref<1x632x128xf32, #tpu.memory_space<hbm>> -> memref<632x128xf32, #tpu.memory_space<hbm>>
      %dma_start3A_160 = arith.constant 0 : i32
      %dma_start3A_161 = tpu.memref_slice %arg10[%mul3A_4, %dma_start3A_160] : memref<10112x128xf32, #tpu.memory_space<vmem_shared>> -> memref<632x128xf32, #tpu.memory_space<vmem_shared>>
      tpu.enqueue_dma source(%dma_start3A_161 : memref<632x128xf32, #tpu.memory_space<vmem_shared>>) target(%dma_start3A_159 : memref<632x128xf32, #tpu.memory_space<hbm>>) target_semaphore(%run_scoped3A_156 : memref<!tpu.dma_semaphore, #tpu.memory_space<semaphore_mem>>)
      %dma_wait3A_162 = arith.constant 0 : i32
      %dma_wait3A_163 = tpu.memref_slice %arg6[%arg0, %mul3A_4, %dma_wait3A_162] : memref<2x10112x128xf32, #tpu.memory_space<hbm>> -> memref<1x632x128xf32, #tpu.memory_space<hbm>>
      %dma_wait3A_164 = tpu.memref_squeeze %dma_wait3A_163 : memref<1x632x128xf32, #tpu.memory_space<hbm>> -> memref<632x128xf32, #tpu.memory_space<hbm>>
      %dma_wait3A_165 = arith.constant 0 : i32
      %dma_wait3A_166 = tpu.memref_slice %arg10[%mul3A_4, %dma_wait3A_165] : memref<10112x128xf32, #tpu.memory_space<vmem_shared>> -> memref<632x128xf32, #tpu.memory_space<vmem_shared>>
      tpu.wait_dma2 semaphore(%run_scoped3A_156 : memref<!tpu.dma_semaphore, #tpu.memory_space<semaphore_mem>>) src(%dma_wait3A_166 : memref<632x128xf32, #tpu.memory_space<vmem_shared>>) dst(%dma_wait3A_164 : memref<632x128xf32, #tpu.memory_space<hbm>>)
      tpu.yield
    }) : () -> ()
    return
  }
}

#map = affine_map<(d0, d1) -> (0, 0)>
#map1 = affine_map<(d0, d1) -> (0)>
#map2 = affine_map<(d0, d1) -> (0, 0, 0)>
module attributes {stable_mosaic.version = 14 : i64} {
  func.func @_edge_body(%arg0: i32, %arg1: i32, %arg2: memref<10000x128xf32, #tpu.memory_space<hbm>>, %arg3: memref<320000xi32, #tpu.memory_space<hbm>>, %arg4: memref<320000xi32, #tpu.memory_space<hbm>>, %arg5: memref<10112x128xf32, #tpu.memory_space<hbm>>, %arg6: memref<2x10112x128xf32, #tpu.memory_space<hbm>>, %arg7: memref<2x128xi32, #tpu.memory_space<vmem>>, %arg8: memref<2x128xi32, #tpu.memory_space<vmem>>, %arg9: memref<2x128x128xf32, #tpu.memory_space<vmem>>, %arg10: memref<10112x128xf32, #tpu.memory_space<vmem_shared>>, %arg11: memref<2x!tpu.dma_semaphore, #tpu.memory_space<semaphore_mem>>, %arg12: memref<2x!tpu.dma_semaphore, #tpu.memory_space<semaphore_mem>>, %arg13: memref<2x!tpu.dma_semaphore, #tpu.memory_space<semaphore_mem>>, %arg14: memref<!tpu.dma_semaphore, #tpu.memory_space<semaphore_mem>>) attributes {dimension_semantics = [#tpu.dimension_semantics<core_parallel>, #tpu.dimension_semantics<subcore_parallel>], iteration_bounds = array<i64: 2, 16>, scalar_prefetch = 0 : i64, scratch_operands = 8 : i64, tpu.core_type = #tpu.core_type<sc_vector_subcore>, window_params = [{transform_indices = #map}, {transform_indices = #map1}, {transform_indices = #map1}, {transform_indices = #map}, {transform_indices = #map2}]} {
    %mul3A = arith.constant 16 : i32
    %mul3A_0 = arith.muli %arg0, %mul3A : i32
    %add3A = arith.addi %mul3A_0, %arg1 : i32
    %mul3A_1 = arith.constant 10000 : i32
    %mul3A_2 = arith.muli %add3A, %mul3A_1 : i32
    %mul3A_3 = arith.constant 632 : i32
    %mul3A_4 = arith.muli %arg1, %mul3A_3 : i32
    "tpu.region"() ({
      %run_scoped3A_156 = tpu.sem_alloc : memref<!tpu.dma_semaphore, #tpu.memory_space<semaphore_mem>>
      %dma_start3A_157 = arith.constant 0 : i32
      %dma_start3A_158 = tpu.memref_slice %arg10[%mul3A_4, %dma_start3A_157] : memref<10112x128xf32, #tpu.memory_space<vmem_shared>> -> memref<632x128xf32, #tpu.memory_space<vmem_shared>>
      %dma_start3A_159 = arith.constant 0 : i32
      %dma_start3A_160 = tpu.memref_slice %arg5[%mul3A_4, %dma_start3A_159] : memref<10112x128xf32, #tpu.memory_space<hbm>> -> memref<632x128xf32, #tpu.memory_space<hbm>>
      tpu.enqueue_dma source(%dma_start3A_160 : memref<632x128xf32, #tpu.memory_space<hbm>>) target(%dma_start3A_158 : memref<632x128xf32, #tpu.memory_space<vmem_shared>>) target_semaphore(%run_scoped3A_156 : memref<!tpu.dma_semaphore, #tpu.memory_space<semaphore_mem>>)
      %dma_wait3A_161 = arith.constant 0 : i32
      %dma_wait3A_162 = tpu.memref_slice %arg10[%mul3A_4, %dma_wait3A_161] : memref<10112x128xf32, #tpu.memory_space<vmem_shared>> -> memref<632x128xf32, #tpu.memory_space<vmem_shared>>
      %dma_wait3A_163 = arith.constant 0 : i32
      %dma_wait3A_164 = tpu.memref_slice %arg5[%mul3A_4, %dma_wait3A_163] : memref<10112x128xf32, #tpu.memory_space<hbm>> -> memref<632x128xf32, #tpu.memory_space<hbm>>
      tpu.wait_dma2 semaphore(%run_scoped3A_156 : memref<!tpu.dma_semaphore, #tpu.memory_space<semaphore_mem>>) src(%dma_wait3A_164 : memref<632x128xf32, #tpu.memory_space<hbm>>) dst(%dma_wait3A_162 : memref<632x128xf32, #tpu.memory_space<vmem_shared>>)
      tpu.yield
    }) : () -> ()
    %run_scoped3A = arith.constant 0 : i32
    "tpu.region"() ({
      %run_scoped3A_156 = tpu.sem_alloc : memref<!tpu.dma_semaphore, #tpu.memory_space<semaphore_mem>>
      %dma_start3A_157 = arith.constant 0 : i32
      %dma_start3A_158 = tpu.memref_slice %arg8[%run_scoped3A, %dma_start3A_157] : memref<2x128xi32, #tpu.memory_space<vmem>> -> memref<1x128xi32, #tpu.memory_space<vmem>>
      %dma_start3A_159 = tpu.memref_squeeze %dma_start3A_158 : memref<1x128xi32, #tpu.memory_space<vmem>> -> memref<128xi32, #tpu.memory_space<vmem>>
      %dma_start3A_160 = tpu.memref_slice %arg4[%mul3A_2] : memref<320000xi32, #tpu.memory_space<hbm>> -> memref<128xi32, #tpu.memory_space<hbm>>
      %dma_start3A_161 = arith.constant 0 : i32
      %dma_start3A_162 = tpu.memref_slice %arg8[%run_scoped3A, %dma_start3A_161] : memref<2x128xi32, #tpu.memory_space<vmem>> -> memref<1x128xi32, #tpu.memory_space<vmem>>
      %dma_start3A_163 = tpu.memref_squeeze %dma_start3A_162 : memref<1x128xi32, #tpu.memory_space<vmem>> -> memref<128xi32, #tpu.memory_space<vmem>>
      %dma_start3A_164 = tpu.memref_slice %arg4[%mul3A_2] : memref<320000xi32, #tpu.memory_space<hbm>> -> memref<128xi32, #tpu.memory_space<hbm>>
      tpu.enqueue_dma source(%dma_start3A_164 : memref<128xi32, #tpu.memory_space<hbm>>) target(%dma_start3A_163 : memref<128xi32, #tpu.memory_space<vmem>>) target_semaphore(%run_scoped3A_156 : memref<!tpu.dma_semaphore, #tpu.memory_space<semaphore_mem>>)
      %dma_wait3A_165 = arith.constant 0 : i32
      %dma_wait3A_166 = tpu.memref_slice %arg8[%run_scoped3A, %dma_wait3A_165] : memref<2x128xi32, #tpu.memory_space<vmem>> -> memref<1x128xi32, #tpu.memory_space<vmem>>
      %dma_wait3A_167 = tpu.memref_squeeze %dma_wait3A_166 : memref<1x128xi32, #tpu.memory_space<vmem>> -> memref<128xi32, #tpu.memory_space<vmem>>
      %dma_wait3A_168 = tpu.memref_slice %arg4[%mul3A_2] : memref<320000xi32, #tpu.memory_space<hbm>> -> memref<128xi32, #tpu.memory_space<hbm>>
      %dma_wait3A_169 = arith.constant 0 : i32
      %dma_wait3A_170 = tpu.memref_slice %arg8[%run_scoped3A, %dma_wait3A_169] : memref<2x128xi32, #tpu.memory_space<vmem>> -> memref<1x128xi32, #tpu.memory_space<vmem>>
      %dma_wait3A_171 = tpu.memref_squeeze %dma_wait3A_170 : memref<1x128xi32, #tpu.memory_space<vmem>> -> memref<128xi32, #tpu.memory_space<vmem>>
      %dma_wait3A_172 = tpu.memref_slice %arg4[%mul3A_2] : memref<320000xi32, #tpu.memory_space<hbm>> -> memref<128xi32, #tpu.memory_space<hbm>>
      tpu.wait_dma2 semaphore(%run_scoped3A_156 : memref<!tpu.dma_semaphore, #tpu.memory_space<semaphore_mem>>) src(%dma_wait3A_172 : memref<128xi32, #tpu.memory_space<hbm>>) dst(%dma_wait3A_171 : memref<128xi32, #tpu.memory_space<vmem>>)
      tpu.yield
    }) : () -> ()
    %run_scoped3A_5 = arith.constant 0 : i32
    "tpu.region"() ({
      %run_scoped3A_156 = tpu.sem_alloc : memref<!tpu.dma_semaphore, #tpu.memory_space<semaphore_mem>>
      %dma_start3A_157 = arith.constant 0 : i32
      %dma_start3A_158 = tpu.memref_slice %arg7[%run_scoped3A_5, %dma_start3A_157] : memref<2x128xi32, #tpu.memory_space<vmem>> -> memref<1x128xi32, #tpu.memory_space<vmem>>
      %dma_start3A_159 = tpu.memref_squeeze %dma_start3A_158 : memref<1x128xi32, #tpu.memory_space<vmem>> -> memref<128xi32, #tpu.memory_space<vmem>>
      %dma_start3A_160 = tpu.memref_slice %arg3[%mul3A_2] : memref<320000xi32, #tpu.memory_space<hbm>> -> memref<128xi32, #tpu.memory_space<hbm>>
      %dma_start3A_161 = arith.constant 0 : i32
      %dma_start3A_162 = tpu.memref_slice %arg7[%run_scoped3A_5, %dma_start3A_161] : memref<2x128xi32, #tpu.memory_space<vmem>> -> memref<1x128xi32, #tpu.memory_space<vmem>>
      %dma_start3A_163 = tpu.memref_squeeze %dma_start3A_162 : memref<1x128xi32, #tpu.memory_space<vmem>> -> memref<128xi32, #tpu.memory_space<vmem>>
      %dma_start3A_164 = tpu.memref_slice %arg3[%mul3A_2] : memref<320000xi32, #tpu.memory_space<hbm>> -> memref<128xi32, #tpu.memory_space<hbm>>
      tpu.enqueue_dma source(%dma_start3A_164 : memref<128xi32, #tpu.memory_space<hbm>>) target(%dma_start3A_163 : memref<128xi32, #tpu.memory_space<vmem>>) target_semaphore(%run_scoped3A_156 : memref<!tpu.dma_semaphore, #tpu.memory_space<semaphore_mem>>)
      %dma_wait3A_165 = arith.constant 0 : i32
      %dma_wait3A_166 = tpu.memref_slice %arg7[%run_scoped3A_5, %dma_wait3A_165] : memref<2x128xi32, #tpu.memory_space<vmem>> -> memref<1x128xi32, #tpu.memory_space<vmem>>
      %dma_wait3A_167 = tpu.memref_squeeze %dma_wait3A_166 : memref<1x128xi32, #tpu.memory_space<vmem>> -> memref<128xi32, #tpu.memory_space<vmem>>
      %dma_wait3A_168 = tpu.memref_slice %arg3[%mul3A_2] : memref<320000xi32, #tpu.memory_space<hbm>> -> memref<128xi32, #tpu.memory_space<hbm>>
      %dma_wait3A_169 = arith.constant 0 : i32
      %dma_wait3A_170 = tpu.memref_slice %arg7[%run_scoped3A_5, %dma_wait3A_169] : memref<2x128xi32, #tpu.memory_space<vmem>> -> memref<1x128xi32, #tpu.memory_space<vmem>>
      %dma_wait3A_171 = tpu.memref_squeeze %dma_wait3A_170 : memref<1x128xi32, #tpu.memory_space<vmem>> -> memref<128xi32, #tpu.memory_space<vmem>>
      %dma_wait3A_172 = tpu.memref_slice %arg3[%mul3A_2] : memref<320000xi32, #tpu.memory_space<hbm>> -> memref<128xi32, #tpu.memory_space<hbm>>
      tpu.wait_dma2 semaphore(%run_scoped3A_156 : memref<!tpu.dma_semaphore, #tpu.memory_space<semaphore_mem>>) src(%dma_wait3A_172 : memref<128xi32, #tpu.memory_space<hbm>>) dst(%dma_wait3A_171 : memref<128xi32, #tpu.memory_space<vmem>>)
      tpu.yield
    }) : () -> ()
    %add3A_6 = arith.constant 128 : i32
    %add3A_7 = arith.addi %mul3A_2, %add3A_6 : i32
    %dma_start3A = arith.constant 1 : i32
    %dma_start3A_8 = arith.constant 0 : i32
    %dma_start3A_9 = tpu.memref_slice %arg7[%dma_start3A, %dma_start3A_8] : memref<2x128xi32, #tpu.memory_space<vmem>> -> memref<1x128xi32, #tpu.memory_space<vmem>>
    %dma_start3A_10 = tpu.memref_squeeze %dma_start3A_9 : memref<1x128xi32, #tpu.memory_space<vmem>> -> memref<128xi32, #tpu.memory_space<vmem>>
    %dma_start3A_11 = tpu.memref_slice %arg3[%add3A_7] : memref<320000xi32, #tpu.memory_space<hbm>> -> memref<128xi32, #tpu.memory_space<hbm>>
    %dma_start3A_12 = arith.constant 0 : i32
    %dma_start3A_13 = tpu.memref_slice %arg7[%dma_start3A, %dma_start3A_12] : memref<2x128xi32, #tpu.memory_space<vmem>> -> memref<1x128xi32, #tpu.memory_space<vmem>>
    %dma_start3A_14 = tpu.memref_squeeze %dma_start3A_13 : memref<1x128xi32, #tpu.memory_space<vmem>> -> memref<128xi32, #tpu.memory_space<vmem>>
    %dma_start3A_15 = tpu.memref_slice %arg3[%add3A_7] : memref<320000xi32, #tpu.memory_space<hbm>> -> memref<128xi32, #tpu.memory_space<hbm>>
    tpu.enqueue_dma source(%dma_start3A_15 : memref<128xi32, #tpu.memory_space<hbm>>) target(%dma_start3A_14 : memref<128xi32, #tpu.memory_space<vmem>>) target_semaphore(%arg14 : memref<!tpu.dma_semaphore, #tpu.memory_space<semaphore_mem>>)
    %dma_start3A_16 = arith.constant 0 : i32
    %dma_start3A_17 = arith.constant 0 : i32
    %dma_start3A_18 = arith.constant 0 : i32
    %dma_start3A_19 = arith.constant 0 : i32
    %dma_start3A_20 = arith.constant 0 : i32
    %dma_start3A_21 = tpu.memref_slice %arg9[%dma_start3A_17, %dma_start3A_19, %dma_start3A_20] : memref<2x128x128xf32, #tpu.memory_space<vmem>> -> memref<1x128x128xf32, #tpu.memory_space<vmem>>
    %dma_start3A_22 = tpu.memref_squeeze %dma_start3A_21 : memref<1x128x128xf32, #tpu.memory_space<vmem>> -> memref<128x128xf32, #tpu.memory_space<vmem>>
    %dma_start3A_23 = arith.constant 0 : i32
    %dma_start3A_24 = tpu.memref_slice %arg7[%dma_start3A_16, %dma_start3A_23] : memref<2x128xi32, #tpu.memory_space<vmem>> -> memref<1x128xi32, #tpu.memory_space<vmem>>
    %dma_start3A_25 = tpu.memref_squeeze %dma_start3A_24 : memref<1x128xi32, #tpu.memory_space<vmem>> -> memref<128xi32, #tpu.memory_space<vmem>>
    %dma_start3A_26 = arith.constant 0 : i32
    %dma_start3A_27 = arith.constant 0 : i32
    %dma_start3A_28 = tpu.memref_slice %arg2[%dma_start3A_26, %dma_start3A_27] : memref<10000x128xf32, #tpu.memory_space<hbm>> -> memref<10000x128xf32, #tpu.memory_space<hbm>>
    %dma_start3A_29 = tpu.memref_slice %arg11[%dma_start3A_18] : memref<2x!tpu.dma_semaphore, #tpu.memory_space<semaphore_mem>> -> memref<1x!tpu.dma_semaphore, #tpu.memory_space<semaphore_mem>>
    %dma_start3A_30 = tpu.memref_squeeze %dma_start3A_29 : memref<1x!tpu.dma_semaphore, #tpu.memory_space<semaphore_mem>> -> memref<!tpu.dma_semaphore, #tpu.memory_space<semaphore_mem>>
    tpu.enqueue_indirect_dma source(%dma_start3A_28 : memref<10000x128xf32, #tpu.memory_space<hbm>>) target(%dma_start3A_22 : memref<128x128xf32, #tpu.memory_space<vmem>>) offsets(%dma_start3A_25 : memref<128xi32, #tpu.memory_space<vmem>>) semaphore(%dma_start3A_30 : memref<!tpu.dma_semaphore, #tpu.memory_space<semaphore_mem>>)
    %barrier3A = arith.constant 0 : index
    tpu.barrier barrier_id(%barrier3A)
    %scan3A = arith.constant 0 : i32
    %scan3A_31 = arith.constant 0 : i32
    %scan3A_32 = arith.constant 78 : i32
    %scan3A_33 = arith.addi %scan3A_31, %scan3A_32 : i32
    %scan3A_34 = arith.constant 1 : i32
    scf.for %scan3A_156 = %scan3A_31 to %scan3A_33 step %scan3A_34  : i32 {
      %add3A_157 = arith.constant 1 : i32
      %add3A_158 = arith.addi %scan3A_156, %add3A_157 : i32
      %lt3A = arith.constant 78 : i32
      %lt3A_159 = arith.cmpi slt, %add3A_158, %lt3A : i32
      %convert_element_type3A = arith.extui %lt3A_159 : i1 to i32
      %cond3A = arith.constant 0 : i32
      %cond3A_160 = arith.cmpi ne, %convert_element_type3A, %cond3A : i32
      scf.if %cond3A_160 {
        %mul3A_286 = arith.constant 128 : i32
        %mul3A_287 = arith.muli %add3A_158, %mul3A_286 : i32
        %add3A_288 = arith.addi %mul3A_2, %mul3A_287 : i32
        %jit3A_289 = arith.constant 2 : i32
        %eq3A_290 = arith.constant 0 : i32
        %eq3A_291 = arith.cmpi eq, %jit3A_289, %eq3A_290 : i32
        %jit3A_292 = arith.constant 1 : i32
        %select_n3A_293 = arith.select %eq3A_291, %jit3A_292, %jit3A_289 : i32
        %rem3A_294 = arith.remsi %add3A_158, %select_n3A_293 : i32
        %ne3A_295 = arith.constant 0 : i32
        %ne3A_296 = arith.cmpi ne, %rem3A_294, %ne3A_295 : i32
        %lt3A_297 = arith.constant 0 : i32
        %lt3A_298 = arith.cmpi slt, %rem3A_294, %lt3A_297 : i32
        %lt3A_299 = arith.constant 0 : i32
        %lt3A_300 = arith.cmpi slt, %select_n3A_293, %lt3A_299 : i32
        %ne3A_301 = arith.xori %lt3A_298, %lt3A_300 : i1
        %and3A_302 = arith.andi %ne3A_301, %ne3A_296 : i1
        %add3A_303 = arith.addi %rem3A_294, %select_n3A_293 : i32
        %select_n3A_304 = arith.select %and3A_302, %add3A_303, %rem3A_294 : i32
        %dma_wait3A_305 = arith.constant 0 : i32
        %dma_wait3A_306 = tpu.memref_slice %arg7[%select_n3A_304, %dma_wait3A_305] : memref<2x128xi32, #tpu.memory_space<vmem>> -> memref<1x128xi32, #tpu.memory_space<vmem>>
        %dma_wait3A_307 = tpu.memref_squeeze %dma_wait3A_306 : memref<1x128xi32, #tpu.memory_space<vmem>> -> memref<128xi32, #tpu.memory_space<vmem>>
        %dma_wait3A_308 = tpu.memref_slice %arg3[%add3A_288] : memref<320000xi32, #tpu.memory_space<hbm>> -> memref<128xi32, #tpu.memory_space<hbm>>
        %dma_wait3A_309 = arith.constant 0 : i32
        %dma_wait3A_310 = tpu.memref_slice %arg7[%select_n3A_304, %dma_wait3A_309] : memref<2x128xi32, #tpu.memory_space<vmem>> -> memref<1x128xi32, #tpu.memory_space<vmem>>
        %dma_wait3A_311 = tpu.memref_squeeze %dma_wait3A_310 : memref<1x128xi32, #tpu.memory_space<vmem>> -> memref<128xi32, #tpu.memory_space<vmem>>
        %dma_wait3A_312 = tpu.memref_slice %arg3[%add3A_288] : memref<320000xi32, #tpu.memory_space<hbm>> -> memref<128xi32, #tpu.memory_space<hbm>>
        tpu.wait_dma2 semaphore(%arg14 : memref<!tpu.dma_semaphore, #tpu.memory_space<semaphore_mem>>) src(%dma_wait3A_312 : memref<128xi32, #tpu.memory_space<hbm>>) dst(%dma_wait3A_311 : memref<128xi32, #tpu.memory_space<vmem>>)
        %ge3A_313 = arith.constant 1 : i32
        %ge3A_314 = arith.cmpi sge, %scan3A_156, %ge3A_313 : i32
        %convert_element_type3A_315 = arith.extui %ge3A_314 : i1 to i32
        %cond3A_316 = arith.constant 0 : i32
        %cond3A_317 = arith.cmpi ne, %convert_element_type3A_315, %cond3A_316 : i32
        scf.if %cond3A_317 {
          %jit3A_423 = arith.constant 2 : i32
          %eq3A_424 = arith.constant 0 : i32
          %eq3A_425 = arith.cmpi eq, %jit3A_423, %eq3A_424 : i32
          %jit3A_426 = arith.constant 1 : i32
          %select_n3A_427 = arith.select %eq3A_425, %jit3A_426, %jit3A_423 : i32
          %rem3A_428 = arith.remsi %add3A_158, %select_n3A_427 : i32
          %ne3A_429 = arith.constant 0 : i32
          %ne3A_430 = arith.cmpi ne, %rem3A_428, %ne3A_429 : i32
          %lt3A_431 = arith.constant 0 : i32
          %lt3A_432 = arith.cmpi slt, %rem3A_428, %lt3A_431 : i32
          %lt3A_433 = arith.constant 0 : i32
          %lt3A_434 = arith.cmpi slt, %select_n3A_427, %lt3A_433 : i32
          %ne3A_435 = arith.xori %lt3A_432, %lt3A_434 : i1
          %and3A_436 = arith.andi %ne3A_435, %ne3A_430 : i1
          %add3A_437 = arith.addi %rem3A_428, %select_n3A_427 : i32
          %select_n3A_438 = arith.select %and3A_436, %add3A_437, %rem3A_428 : i32
          %jit3A_439 = arith.constant 2 : i32
          %eq3A_440 = arith.constant 0 : i32
          %eq3A_441 = arith.cmpi eq, %jit3A_439, %eq3A_440 : i32
          %jit3A_442 = arith.constant 1 : i32
          %select_n3A_443 = arith.select %eq3A_441, %jit3A_442, %jit3A_439 : i32
          %rem3A_444 = arith.remsi %add3A_158, %select_n3A_443 : i32
          %ne3A_445 = arith.constant 0 : i32
          %ne3A_446 = arith.cmpi ne, %rem3A_444, %ne3A_445 : i32
          %lt3A_447 = arith.constant 0 : i32
          %lt3A_448 = arith.cmpi slt, %rem3A_444, %lt3A_447 : i32
          %lt3A_449 = arith.constant 0 : i32
          %lt3A_450 = arith.cmpi slt, %select_n3A_443, %lt3A_449 : i32
          %ne3A_451 = arith.xori %lt3A_448, %lt3A_450 : i1
          %and3A_452 = arith.andi %ne3A_451, %ne3A_446 : i1
          %add3A_453 = arith.addi %rem3A_444, %select_n3A_443 : i32
          %select_n3A_454 = arith.select %and3A_452, %add3A_453, %rem3A_444 : i32
          %jit3A_455 = arith.constant 2 : i32
          %eq3A_456 = arith.constant 0 : i32
          %eq3A_457 = arith.cmpi eq, %jit3A_455, %eq3A_456 : i32
          %jit3A_458 = arith.constant 1 : i32
          %select_n3A_459 = arith.select %eq3A_457, %jit3A_458, %jit3A_455 : i32
          %rem3A_460 = arith.remsi %add3A_158, %select_n3A_459 : i32
          %ne3A_461 = arith.constant 0 : i32
          %ne3A_462 = arith.cmpi ne, %rem3A_460, %ne3A_461 : i32
          %lt3A_463 = arith.constant 0 : i32
          %lt3A_464 = arith.cmpi slt, %rem3A_460, %lt3A_463 : i32
          %lt3A_465 = arith.constant 0 : i32
          %lt3A_466 = arith.cmpi slt, %select_n3A_459, %lt3A_465 : i32
          %ne3A_467 = arith.xori %lt3A_464, %lt3A_466 : i1
          %and3A_468 = arith.andi %ne3A_467, %ne3A_462 : i1
          %add3A_469 = arith.addi %rem3A_460, %select_n3A_459 : i32
          %select_n3A_470 = arith.select %and3A_468, %add3A_469, %rem3A_460 : i32
          %dma_wait3A_471 = arith.constant 0 : i32
          %dma_wait3A_472 = arith.constant 0 : i32
          %dma_wait3A_473 = tpu.memref_slice %arg9[%select_n3A_438, %dma_wait3A_471, %dma_wait3A_472] : memref<2x128x128xf32, #tpu.memory_space<vmem>> -> memref<1x128x128xf32, #tpu.memory_space<vmem>>
          %dma_wait3A_474 = tpu.memref_squeeze %dma_wait3A_473 : memref<1x128x128xf32, #tpu.memory_space<vmem>> -> memref<128x128xf32, #tpu.memory_space<vmem>>
          %dma_wait3A_475 = arith.constant 0 : i32
          %dma_wait3A_476 = tpu.memref_slice %arg8[%select_n3A_454, %dma_wait3A_475] : memref<2x128xi32, #tpu.memory_space<vmem>> -> memref<1x128xi32, #tpu.memory_space<vmem>>
          %dma_wait3A_477 = tpu.memref_squeeze %dma_wait3A_476 : memref<1x128xi32, #tpu.memory_space<vmem>> -> memref<128xi32, #tpu.memory_space<vmem>>
          %dma_wait3A_478 = arith.constant 0 : i32
          %dma_wait3A_479 = arith.constant 0 : i32
          %dma_wait3A_480 = tpu.memref_slice %arg10[%dma_wait3A_478, %dma_wait3A_479] : memref<10112x128xf32, #tpu.memory_space<vmem_shared>> -> memref<10112x128xf32, #tpu.memory_space<vmem_shared>>
          %dma_wait3A_481 = tpu.memref_slice %arg12[%select_n3A_470] : memref<2x!tpu.dma_semaphore, #tpu.memory_space<semaphore_mem>> -> memref<1x!tpu.dma_semaphore, #tpu.memory_space<semaphore_mem>>
          %dma_wait3A_482 = tpu.memref_squeeze %dma_wait3A_481 : memref<1x!tpu.dma_semaphore, #tpu.memory_space<semaphore_mem>> -> memref<!tpu.dma_semaphore, #tpu.memory_space<semaphore_mem>>
          tpu.wait_indirect_dma semaphore(%dma_wait3A_482 : memref<!tpu.dma_semaphore, #tpu.memory_space<semaphore_mem>>) src(%dma_wait3A_474 : memref<128x128xf32, #tpu.memory_space<vmem>>) dst(%dma_wait3A_480 : memref<10112x128xf32, #tpu.memory_space<vmem_shared>>)
        } else {
        }
        %jit3A_318 = arith.constant 2 : i32
        %eq3A_319 = arith.constant 0 : i32
        %eq3A_320 = arith.cmpi eq, %jit3A_318, %eq3A_319 : i32
        %jit3A_321 = arith.constant 1 : i32
        %select_n3A_322 = arith.select %eq3A_320, %jit3A_321, %jit3A_318 : i32
        %rem3A_323 = arith.remsi %add3A_158, %select_n3A_322 : i32
        %ne3A_324 = arith.constant 0 : i32
        %ne3A_325 = arith.cmpi ne, %rem3A_323, %ne3A_324 : i32
        %lt3A_326 = arith.constant 0 : i32
        %lt3A_327 = arith.cmpi slt, %rem3A_323, %lt3A_326 : i32
        %lt3A_328 = arith.constant 0 : i32
        %lt3A_329 = arith.cmpi slt, %select_n3A_322, %lt3A_328 : i32
        %ne3A_330 = arith.xori %lt3A_327, %lt3A_329 : i1
        %and3A_331 = arith.andi %ne3A_330, %ne3A_325 : i1
        %add3A_332 = arith.addi %rem3A_323, %select_n3A_322 : i32
        %select_n3A_333 = arith.select %and3A_331, %add3A_332, %rem3A_323 : i32
        %jit3A_334 = arith.constant 2 : i32
        %eq3A_335 = arith.constant 0 : i32
        %eq3A_336 = arith.cmpi eq, %jit3A_334, %eq3A_335 : i32
        %jit3A_337 = arith.constant 1 : i32
        %select_n3A_338 = arith.select %eq3A_336, %jit3A_337, %jit3A_334 : i32
        %rem3A_339 = arith.remsi %add3A_158, %select_n3A_338 : i32
        %ne3A_340 = arith.constant 0 : i32
        %ne3A_341 = arith.cmpi ne, %rem3A_339, %ne3A_340 : i32
        %lt3A_342 = arith.constant 0 : i32
        %lt3A_343 = arith.cmpi slt, %rem3A_339, %lt3A_342 : i32
        %lt3A_344 = arith.constant 0 : i32
        %lt3A_345 = arith.cmpi slt, %select_n3A_338, %lt3A_344 : i32
        %ne3A_346 = arith.xori %lt3A_343, %lt3A_345 : i1
        %and3A_347 = arith.andi %ne3A_346, %ne3A_341 : i1
        %add3A_348 = arith.addi %rem3A_339, %select_n3A_338 : i32
        %select_n3A_349 = arith.select %and3A_347, %add3A_348, %rem3A_339 : i32
        %jit3A_350 = arith.constant 2 : i32
        %eq3A_351 = arith.constant 0 : i32
        %eq3A_352 = arith.cmpi eq, %jit3A_350, %eq3A_351 : i32
        %jit3A_353 = arith.constant 1 : i32
        %select_n3A_354 = arith.select %eq3A_352, %jit3A_353, %jit3A_350 : i32
        %rem3A_355 = arith.remsi %add3A_158, %select_n3A_354 : i32
        %ne3A_356 = arith.constant 0 : i32
        %ne3A_357 = arith.cmpi ne, %rem3A_355, %ne3A_356 : i32
        %lt3A_358 = arith.constant 0 : i32
        %lt3A_359 = arith.cmpi slt, %rem3A_355, %lt3A_358 : i32
        %lt3A_360 = arith.constant 0 : i32
        %lt3A_361 = arith.cmpi slt, %select_n3A_354, %lt3A_360 : i32
        %ne3A_362 = arith.xori %lt3A_359, %lt3A_361 : i1
        %and3A_363 = arith.andi %ne3A_362, %ne3A_357 : i1
        %add3A_364 = arith.addi %rem3A_355, %select_n3A_354 : i32
        %select_n3A_365 = arith.select %and3A_363, %add3A_364, %rem3A_355 : i32
        %dma_start3A_366 = arith.constant 0 : i32
        %dma_start3A_367 = arith.constant 0 : i32
        %dma_start3A_368 = tpu.memref_slice %arg9[%select_n3A_349, %dma_start3A_366, %dma_start3A_367] : memref<2x128x128xf32, #tpu.memory_space<vmem>> -> memref<1x128x128xf32, #tpu.memory_space<vmem>>
        %dma_start3A_369 = tpu.memref_squeeze %dma_start3A_368 : memref<1x128x128xf32, #tpu.memory_space<vmem>> -> memref<128x128xf32, #tpu.memory_space<vmem>>
        %dma_start3A_370 = arith.constant 0 : i32
        %dma_start3A_371 = tpu.memref_slice %arg7[%select_n3A_333, %dma_start3A_370] : memref<2x128xi32, #tpu.memory_space<vmem>> -> memref<1x128xi32, #tpu.memory_space<vmem>>
        %dma_start3A_372 = tpu.memref_squeeze %dma_start3A_371 : memref<1x128xi32, #tpu.memory_space<vmem>> -> memref<128xi32, #tpu.memory_space<vmem>>
        %dma_start3A_373 = arith.constant 0 : i32
        %dma_start3A_374 = arith.constant 0 : i32
        %dma_start3A_375 = tpu.memref_slice %arg2[%dma_start3A_373, %dma_start3A_374] : memref<10000x128xf32, #tpu.memory_space<hbm>> -> memref<10000x128xf32, #tpu.memory_space<hbm>>
        %dma_start3A_376 = tpu.memref_slice %arg11[%select_n3A_365] : memref<2x!tpu.dma_semaphore, #tpu.memory_space<semaphore_mem>> -> memref<1x!tpu.dma_semaphore, #tpu.memory_space<semaphore_mem>>
        %dma_start3A_377 = tpu.memref_squeeze %dma_start3A_376 : memref<1x!tpu.dma_semaphore, #tpu.memory_space<semaphore_mem>> -> memref<!tpu.dma_semaphore, #tpu.memory_space<semaphore_mem>>
        tpu.enqueue_indirect_dma source(%dma_start3A_375 : memref<10000x128xf32, #tpu.memory_space<hbm>>) target(%dma_start3A_369 : memref<128x128xf32, #tpu.memory_space<vmem>>) offsets(%dma_start3A_372 : memref<128xi32, #tpu.memory_space<vmem>>) semaphore(%dma_start3A_377 : memref<!tpu.dma_semaphore, #tpu.memory_space<semaphore_mem>>)
        %mul3A_378 = arith.constant 128 : i32
        %mul3A_379 = arith.muli %add3A_158, %mul3A_378 : i32
        %add3A_380 = arith.addi %mul3A_2, %mul3A_379 : i32
        %jit3A_381 = arith.constant 2 : i32
        %eq3A_382 = arith.constant 0 : i32
        %eq3A_383 = arith.cmpi eq, %jit3A_381, %eq3A_382 : i32
        %jit3A_384 = arith.constant 1 : i32
        %select_n3A_385 = arith.select %eq3A_383, %jit3A_384, %jit3A_381 : i32
        %rem3A_386 = arith.remsi %add3A_158, %select_n3A_385 : i32
        %ne3A_387 = arith.constant 0 : i32
        %ne3A_388 = arith.cmpi ne, %rem3A_386, %ne3A_387 : i32
        %lt3A_389 = arith.constant 0 : i32
        %lt3A_390 = arith.cmpi slt, %rem3A_386, %lt3A_389 : i32
        %lt3A_391 = arith.constant 0 : i32
        %lt3A_392 = arith.cmpi slt, %select_n3A_385, %lt3A_391 : i32
        %ne3A_393 = arith.xori %lt3A_390, %lt3A_392 : i1
        %and3A_394 = arith.andi %ne3A_393, %ne3A_388 : i1
        %add3A_395 = arith.addi %rem3A_386, %select_n3A_385 : i32
        %select_n3A_396 = arith.select %and3A_394, %add3A_395, %rem3A_386 : i32
        %jit3A_397 = arith.constant 2 : i32
        %eq3A_398 = arith.constant 0 : i32
        %eq3A_399 = arith.cmpi eq, %jit3A_397, %eq3A_398 : i32
        %jit3A_400 = arith.constant 1 : i32
        %select_n3A_401 = arith.select %eq3A_399, %jit3A_400, %jit3A_397 : i32
        %rem3A_402 = arith.remsi %add3A_158, %select_n3A_401 : i32
        %ne3A_403 = arith.constant 0 : i32
        %ne3A_404 = arith.cmpi ne, %rem3A_402, %ne3A_403 : i32
        %lt3A_405 = arith.constant 0 : i32
        %lt3A_406 = arith.cmpi slt, %rem3A_402, %lt3A_405 : i32
        %lt3A_407 = arith.constant 0 : i32
        %lt3A_408 = arith.cmpi slt, %select_n3A_401, %lt3A_407 : i32
        %ne3A_409 = arith.xori %lt3A_406, %lt3A_408 : i1
        %and3A_410 = arith.andi %ne3A_409, %ne3A_404 : i1
        %add3A_411 = arith.addi %rem3A_402, %select_n3A_401 : i32
        %select_n3A_412 = arith.select %and3A_410, %add3A_411, %rem3A_402 : i32
        %dma_start3A_413 = arith.constant 0 : i32
        %dma_start3A_414 = tpu.memref_slice %arg8[%select_n3A_396, %dma_start3A_413] : memref<2x128xi32, #tpu.memory_space<vmem>> -> memref<1x128xi32, #tpu.memory_space<vmem>>
        %dma_start3A_415 = tpu.memref_squeeze %dma_start3A_414 : memref<1x128xi32, #tpu.memory_space<vmem>> -> memref<128xi32, #tpu.memory_space<vmem>>
        %dma_start3A_416 = tpu.memref_slice %arg4[%add3A_380] : memref<320000xi32, #tpu.memory_space<hbm>> -> memref<128xi32, #tpu.memory_space<hbm>>
        %dma_start3A_417 = tpu.memref_slice %arg13[%select_n3A_412] : memref<2x!tpu.dma_semaphore, #tpu.memory_space<semaphore_mem>> -> memref<1x!tpu.dma_semaphore, #tpu.memory_space<semaphore_mem>>
        %dma_start3A_418 = tpu.memref_squeeze %dma_start3A_417 : memref<1x!tpu.dma_semaphore, #tpu.memory_space<semaphore_mem>> -> memref<!tpu.dma_semaphore, #tpu.memory_space<semaphore_mem>>
        %dma_start3A_419 = arith.constant 0 : i32
        %dma_start3A_420 = tpu.memref_slice %arg8[%select_n3A_396, %dma_start3A_419] : memref<2x128xi32, #tpu.memory_space<vmem>> -> memref<1x128xi32, #tpu.memory_space<vmem>>
        %dma_start3A_421 = tpu.memref_squeeze %dma_start3A_420 : memref<1x128xi32, #tpu.memory_space<vmem>> -> memref<128xi32, #tpu.memory_space<vmem>>
        %dma_start3A_422 = tpu.memref_slice %arg4[%add3A_380] : memref<320000xi32, #tpu.memory_space<hbm>> -> memref<128xi32, #tpu.memory_space<hbm>>
        tpu.enqueue_dma source(%dma_start3A_422 : memref<128xi32, #tpu.memory_space<hbm>>) target(%dma_start3A_421 : memref<128xi32, #tpu.memory_space<vmem>>) target_semaphore(%dma_start3A_418 : memref<!tpu.dma_semaphore, #tpu.memory_space<semaphore_mem>>)
      } else {
      }
      %jit3A = arith.constant 2 : i32
      %eq3A = arith.constant 0 : i32
      %eq3A_161 = arith.cmpi eq, %jit3A, %eq3A : i32
      %jit3A_162 = arith.constant 1 : i32
      %select_n3A = arith.select %eq3A_161, %jit3A_162, %jit3A : i32
      %rem3A = arith.remsi %scan3A_156, %select_n3A : i32
      %ne3A = arith.constant 0 : i32
      %ne3A_163 = arith.cmpi ne, %rem3A, %ne3A : i32
      %lt3A_164 = arith.constant 0 : i32
      %lt3A_165 = arith.cmpi slt, %rem3A, %lt3A_164 : i32
      %lt3A_166 = arith.constant 0 : i32
      %lt3A_167 = arith.cmpi slt, %select_n3A, %lt3A_166 : i32
      %ne3A_168 = arith.xori %lt3A_165, %lt3A_167 : i1
      %and3A = arith.andi %ne3A_168, %ne3A_163 : i1
      %add3A_169 = arith.addi %rem3A, %select_n3A : i32
      %select_n3A_170 = arith.select %and3A, %add3A_169, %rem3A : i32
      %jit3A_171 = arith.constant 2 : i32
      %eq3A_172 = arith.constant 0 : i32
      %eq3A_173 = arith.cmpi eq, %jit3A_171, %eq3A_172 : i32
      %jit3A_174 = arith.constant 1 : i32
      %select_n3A_175 = arith.select %eq3A_173, %jit3A_174, %jit3A_171 : i32
      %rem3A_176 = arith.remsi %scan3A_156, %select_n3A_175 : i32
      %ne3A_177 = arith.constant 0 : i32
      %ne3A_178 = arith.cmpi ne, %rem3A_176, %ne3A_177 : i32
      %lt3A_179 = arith.constant 0 : i32
      %lt3A_180 = arith.cmpi slt, %rem3A_176, %lt3A_179 : i32
      %lt3A_181 = arith.constant 0 : i32
      %lt3A_182 = arith.cmpi slt, %select_n3A_175, %lt3A_181 : i32
      %ne3A_183 = arith.xori %lt3A_180, %lt3A_182 : i1
      %and3A_184 = arith.andi %ne3A_183, %ne3A_178 : i1
      %add3A_185 = arith.addi %rem3A_176, %select_n3A_175 : i32
      %select_n3A_186 = arith.select %and3A_184, %add3A_185, %rem3A_176 : i32
      %jit3A_187 = arith.constant 2 : i32
      %eq3A_188 = arith.constant 0 : i32
      %eq3A_189 = arith.cmpi eq, %jit3A_187, %eq3A_188 : i32
      %jit3A_190 = arith.constant 1 : i32
      %select_n3A_191 = arith.select %eq3A_189, %jit3A_190, %jit3A_187 : i32
      %rem3A_192 = arith.remsi %scan3A_156, %select_n3A_191 : i32
      %ne3A_193 = arith.constant 0 : i32
      %ne3A_194 = arith.cmpi ne, %rem3A_192, %ne3A_193 : i32
      %lt3A_195 = arith.constant 0 : i32
      %lt3A_196 = arith.cmpi slt, %rem3A_192, %lt3A_195 : i32
      %lt3A_197 = arith.constant 0 : i32
      %lt3A_198 = arith.cmpi slt, %select_n3A_191, %lt3A_197 : i32
      %ne3A_199 = arith.xori %lt3A_196, %lt3A_198 : i1
      %and3A_200 = arith.andi %ne3A_199, %ne3A_194 : i1
      %add3A_201 = arith.addi %rem3A_192, %select_n3A_191 : i32
      %select_n3A_202 = arith.select %and3A_200, %add3A_201, %rem3A_192 : i32
      %dma_wait3A_203 = arith.constant 0 : i32
      %dma_wait3A_204 = arith.constant 0 : i32
      %dma_wait3A_205 = tpu.memref_slice %arg9[%select_n3A_186, %dma_wait3A_203, %dma_wait3A_204] : memref<2x128x128xf32, #tpu.memory_space<vmem>> -> memref<1x128x128xf32, #tpu.memory_space<vmem>>
      %dma_wait3A_206 = tpu.memref_squeeze %dma_wait3A_205 : memref<1x128x128xf32, #tpu.memory_space<vmem>> -> memref<128x128xf32, #tpu.memory_space<vmem>>
      %dma_wait3A_207 = arith.constant 0 : i32
      %dma_wait3A_208 = tpu.memref_slice %arg7[%select_n3A_170, %dma_wait3A_207] : memref<2x128xi32, #tpu.memory_space<vmem>> -> memref<1x128xi32, #tpu.memory_space<vmem>>
      %dma_wait3A_209 = tpu.memref_squeeze %dma_wait3A_208 : memref<1x128xi32, #tpu.memory_space<vmem>> -> memref<128xi32, #tpu.memory_space<vmem>>
      %dma_wait3A_210 = arith.constant 0 : i32
      %dma_wait3A_211 = arith.constant 0 : i32
      %dma_wait3A_212 = tpu.memref_slice %arg2[%dma_wait3A_210, %dma_wait3A_211] : memref<10000x128xf32, #tpu.memory_space<hbm>> -> memref<10000x128xf32, #tpu.memory_space<hbm>>
      %dma_wait3A_213 = tpu.memref_slice %arg11[%select_n3A_202] : memref<2x!tpu.dma_semaphore, #tpu.memory_space<semaphore_mem>> -> memref<1x!tpu.dma_semaphore, #tpu.memory_space<semaphore_mem>>
      %dma_wait3A_214 = tpu.memref_squeeze %dma_wait3A_213 : memref<1x!tpu.dma_semaphore, #tpu.memory_space<semaphore_mem>> -> memref<!tpu.dma_semaphore, #tpu.memory_space<semaphore_mem>>
      tpu.wait_indirect_dma semaphore(%dma_wait3A_214 : memref<!tpu.dma_semaphore, #tpu.memory_space<semaphore_mem>>) src(%dma_wait3A_212 : memref<10000x128xf32, #tpu.memory_space<hbm>>) dst(%dma_wait3A_206 : memref<128x128xf32, #tpu.memory_space<vmem>>)
      %add3A_215 = arith.constant 2 : i32
      %add3A_216 = arith.addi %scan3A_156, %add3A_215 : i32
      %lt3A_217 = arith.constant 78 : i32
      %lt3A_218 = arith.cmpi slt, %add3A_216, %lt3A_217 : i32
      %convert_element_type3A_219 = arith.extui %lt3A_218 : i1 to i32
      %cond3A_220 = arith.constant 0 : i32
      %cond3A_221 = arith.cmpi ne, %convert_element_type3A_219, %cond3A_220 : i32
      scf.if %cond3A_221 {
        %add3A_286 = arith.constant 2 : i32
        %add3A_287 = arith.addi %scan3A_156, %add3A_286 : i32
        %mul3A_288 = arith.constant 128 : i32
        %mul3A_289 = arith.muli %add3A_287, %mul3A_288 : i32
        %add3A_290 = arith.addi %mul3A_2, %mul3A_289 : i32
        %jit3A_291 = arith.constant 2 : i32
        %eq3A_292 = arith.constant 0 : i32
        %eq3A_293 = arith.cmpi eq, %jit3A_291, %eq3A_292 : i32
        %jit3A_294 = arith.constant 1 : i32
        %select_n3A_295 = arith.select %eq3A_293, %jit3A_294, %jit3A_291 : i32
        %rem3A_296 = arith.remsi %scan3A_156, %select_n3A_295 : i32
        %ne3A_297 = arith.constant 0 : i32
        %ne3A_298 = arith.cmpi ne, %rem3A_296, %ne3A_297 : i32
        %lt3A_299 = arith.constant 0 : i32
        %lt3A_300 = arith.cmpi slt, %rem3A_296, %lt3A_299 : i32
        %lt3A_301 = arith.constant 0 : i32
        %lt3A_302 = arith.cmpi slt, %select_n3A_295, %lt3A_301 : i32
        %ne3A_303 = arith.xori %lt3A_300, %lt3A_302 : i1
        %and3A_304 = arith.andi %ne3A_303, %ne3A_298 : i1
        %add3A_305 = arith.addi %rem3A_296, %select_n3A_295 : i32
        %select_n3A_306 = arith.select %and3A_304, %add3A_305, %rem3A_296 : i32
        %dma_start3A_307 = arith.constant 0 : i32
        %dma_start3A_308 = tpu.memref_slice %arg7[%select_n3A_306, %dma_start3A_307] : memref<2x128xi32, #tpu.memory_space<vmem>> -> memref<1x128xi32, #tpu.memory_space<vmem>>
        %dma_start3A_309 = tpu.memref_squeeze %dma_start3A_308 : memref<1x128xi32, #tpu.memory_space<vmem>> -> memref<128xi32, #tpu.memory_space<vmem>>
        %dma_start3A_310 = tpu.memref_slice %arg3[%add3A_290] : memref<320000xi32, #tpu.memory_space<hbm>> -> memref<128xi32, #tpu.memory_space<hbm>>
        %dma_start3A_311 = arith.constant 0 : i32
        %dma_start3A_312 = tpu.memref_slice %arg7[%select_n3A_306, %dma_start3A_311] : memref<2x128xi32, #tpu.memory_space<vmem>> -> memref<1x128xi32, #tpu.memory_space<vmem>>
        %dma_start3A_313 = tpu.memref_squeeze %dma_start3A_312 : memref<1x128xi32, #tpu.memory_space<vmem>> -> memref<128xi32, #tpu.memory_space<vmem>>
        %dma_start3A_314 = tpu.memref_slice %arg3[%add3A_290] : memref<320000xi32, #tpu.memory_space<hbm>> -> memref<128xi32, #tpu.memory_space<hbm>>
        tpu.enqueue_dma source(%dma_start3A_314 : memref<128xi32, #tpu.memory_space<hbm>>) target(%dma_start3A_313 : memref<128xi32, #tpu.memory_space<vmem>>) target_semaphore(%arg14 : memref<!tpu.dma_semaphore, #tpu.memory_space<semaphore_mem>>)
      } else {
      }
      %ge3A = arith.constant 1 : i32
      %ge3A_222 = arith.cmpi sge, %scan3A_156, %ge3A : i32
      %convert_element_type3A_223 = arith.extui %ge3A_222 : i1 to i32
      %cond3A_224 = arith.constant 0 : i32
      %cond3A_225 = arith.cmpi ne, %convert_element_type3A_223, %cond3A_224 : i32
      scf.if %cond3A_225 {
        %mul3A_286 = arith.constant 128 : i32
        %mul3A_287 = arith.muli %scan3A_156, %mul3A_286 : i32
        %add3A_288 = arith.addi %mul3A_2, %mul3A_287 : i32
        %jit3A_289 = arith.constant 2 : i32
        %eq3A_290 = arith.constant 0 : i32
        %eq3A_291 = arith.cmpi eq, %jit3A_289, %eq3A_290 : i32
        %jit3A_292 = arith.constant 1 : i32
        %select_n3A_293 = arith.select %eq3A_291, %jit3A_292, %jit3A_289 : i32
        %rem3A_294 = arith.remsi %scan3A_156, %select_n3A_293 : i32
        %ne3A_295 = arith.constant 0 : i32
        %ne3A_296 = arith.cmpi ne, %rem3A_294, %ne3A_295 : i32
        %lt3A_297 = arith.constant 0 : i32
        %lt3A_298 = arith.cmpi slt, %rem3A_294, %lt3A_297 : i32
        %lt3A_299 = arith.constant 0 : i32
        %lt3A_300 = arith.cmpi slt, %select_n3A_293, %lt3A_299 : i32
        %ne3A_301 = arith.xori %lt3A_298, %lt3A_300 : i1
        %and3A_302 = arith.andi %ne3A_301, %ne3A_296 : i1
        %add3A_303 = arith.addi %rem3A_294, %select_n3A_293 : i32
        %select_n3A_304 = arith.select %and3A_302, %add3A_303, %rem3A_294 : i32
        %jit3A_305 = arith.constant 2 : i32
        %eq3A_306 = arith.constant 0 : i32
        %eq3A_307 = arith.cmpi eq, %jit3A_305, %eq3A_306 : i32
        %jit3A_308 = arith.constant 1 : i32
        %select_n3A_309 = arith.select %eq3A_307, %jit3A_308, %jit3A_305 : i32
        %rem3A_310 = arith.remsi %scan3A_156, %select_n3A_309 : i32
        %ne3A_311 = arith.constant 0 : i32
        %ne3A_312 = arith.cmpi ne, %rem3A_310, %ne3A_311 : i32
        %lt3A_313 = arith.constant 0 : i32
        %lt3A_314 = arith.cmpi slt, %rem3A_310, %lt3A_313 : i32
        %lt3A_315 = arith.constant 0 : i32
        %lt3A_316 = arith.cmpi slt, %select_n3A_309, %lt3A_315 : i32
        %ne3A_317 = arith.xori %lt3A_314, %lt3A_316 : i1
        %and3A_318 = arith.andi %ne3A_317, %ne3A_312 : i1
        %add3A_319 = arith.addi %rem3A_310, %select_n3A_309 : i32
        %select_n3A_320 = arith.select %and3A_318, %add3A_319, %rem3A_310 : i32
        %dma_wait3A_321 = arith.constant 0 : i32
        %dma_wait3A_322 = tpu.memref_slice %arg8[%select_n3A_304, %dma_wait3A_321] : memref<2x128xi32, #tpu.memory_space<vmem>> -> memref<1x128xi32, #tpu.memory_space<vmem>>
        %dma_wait3A_323 = tpu.memref_squeeze %dma_wait3A_322 : memref<1x128xi32, #tpu.memory_space<vmem>> -> memref<128xi32, #tpu.memory_space<vmem>>
        %dma_wait3A_324 = tpu.memref_slice %arg4[%add3A_288] : memref<320000xi32, #tpu.memory_space<hbm>> -> memref<128xi32, #tpu.memory_space<hbm>>
        %dma_wait3A_325 = tpu.memref_slice %arg13[%select_n3A_320] : memref<2x!tpu.dma_semaphore, #tpu.memory_space<semaphore_mem>> -> memref<1x!tpu.dma_semaphore, #tpu.memory_space<semaphore_mem>>
        %dma_wait3A_326 = tpu.memref_squeeze %dma_wait3A_325 : memref<1x!tpu.dma_semaphore, #tpu.memory_space<semaphore_mem>> -> memref<!tpu.dma_semaphore, #tpu.memory_space<semaphore_mem>>
        %dma_wait3A_327 = arith.constant 0 : i32
        %dma_wait3A_328 = tpu.memref_slice %arg8[%select_n3A_304, %dma_wait3A_327] : memref<2x128xi32, #tpu.memory_space<vmem>> -> memref<1x128xi32, #tpu.memory_space<vmem>>
        %dma_wait3A_329 = tpu.memref_squeeze %dma_wait3A_328 : memref<1x128xi32, #tpu.memory_space<vmem>> -> memref<128xi32, #tpu.memory_space<vmem>>
        %dma_wait3A_330 = tpu.memref_slice %arg4[%add3A_288] : memref<320000xi32, #tpu.memory_space<hbm>> -> memref<128xi32, #tpu.memory_space<hbm>>
        tpu.wait_dma2 semaphore(%dma_wait3A_326 : memref<!tpu.dma_semaphore, #tpu.memory_space<semaphore_mem>>) src(%dma_wait3A_330 : memref<128xi32, #tpu.memory_space<hbm>>) dst(%dma_wait3A_329 : memref<128xi32, #tpu.memory_space<vmem>>)
      } else {
      }
      %jit3A_226 = arith.constant 2 : i32
      %eq3A_227 = arith.constant 0 : i32
      %eq3A_228 = arith.cmpi eq, %jit3A_226, %eq3A_227 : i32
      %jit3A_229 = arith.constant 1 : i32
      %select_n3A_230 = arith.select %eq3A_228, %jit3A_229, %jit3A_226 : i32
      %rem3A_231 = arith.remsi %scan3A_156, %select_n3A_230 : i32
      %ne3A_232 = arith.constant 0 : i32
      %ne3A_233 = arith.cmpi ne, %rem3A_231, %ne3A_232 : i32
      %lt3A_234 = arith.constant 0 : i32
      %lt3A_235 = arith.cmpi slt, %rem3A_231, %lt3A_234 : i32
      %lt3A_236 = arith.constant 0 : i32
      %lt3A_237 = arith.cmpi slt, %select_n3A_230, %lt3A_236 : i32
      %ne3A_238 = arith.xori %lt3A_235, %lt3A_237 : i1
      %and3A_239 = arith.andi %ne3A_238, %ne3A_233 : i1
      %add3A_240 = arith.addi %rem3A_231, %select_n3A_230 : i32
      %select_n3A_241 = arith.select %and3A_239, %add3A_240, %rem3A_231 : i32
      %jit3A_242 = arith.constant 2 : i32
      %eq3A_243 = arith.constant 0 : i32
      %eq3A_244 = arith.cmpi eq, %jit3A_242, %eq3A_243 : i32
      %jit3A_245 = arith.constant 1 : i32
      %select_n3A_246 = arith.select %eq3A_244, %jit3A_245, %jit3A_242 : i32
      %rem3A_247 = arith.remsi %scan3A_156, %select_n3A_246 : i32
      %ne3A_248 = arith.constant 0 : i32
      %ne3A_249 = arith.cmpi ne, %rem3A_247, %ne3A_248 : i32
      %lt3A_250 = arith.constant 0 : i32
      %lt3A_251 = arith.cmpi slt, %rem3A_247, %lt3A_250 : i32
      %lt3A_252 = arith.constant 0 : i32
      %lt3A_253 = arith.cmpi slt, %select_n3A_246, %lt3A_252 : i32
      %ne3A_254 = arith.xori %lt3A_251, %lt3A_253 : i1
      %and3A_255 = arith.andi %ne3A_254, %ne3A_249 : i1
      %add3A_256 = arith.addi %rem3A_247, %select_n3A_246 : i32
      %select_n3A_257 = arith.select %and3A_255, %add3A_256, %rem3A_247 : i32
      %jit3A_258 = arith.constant 2 : i32
      %eq3A_259 = arith.constant 0 : i32
      %eq3A_260 = arith.cmpi eq, %jit3A_258, %eq3A_259 : i32
      %jit3A_261 = arith.constant 1 : i32
      %select_n3A_262 = arith.select %eq3A_260, %jit3A_261, %jit3A_258 : i32
      %rem3A_263 = arith.remsi %scan3A_156, %select_n3A_262 : i32
      %ne3A_264 = arith.constant 0 : i32
      %ne3A_265 = arith.cmpi ne, %rem3A_263, %ne3A_264 : i32
      %lt3A_266 = arith.constant 0 : i32
      %lt3A_267 = arith.cmpi slt, %rem3A_263, %lt3A_266 : i32
      %lt3A_268 = arith.constant 0 : i32
      %lt3A_269 = arith.cmpi slt, %select_n3A_262, %lt3A_268 : i32
      %ne3A_270 = arith.xori %lt3A_267, %lt3A_269 : i1
      %and3A_271 = arith.andi %ne3A_270, %ne3A_265 : i1
      %add3A_272 = arith.addi %rem3A_263, %select_n3A_262 : i32
      %select_n3A_273 = arith.select %and3A_271, %add3A_272, %rem3A_263 : i32
      %dma_start3A_274 = arith.constant 0 : i32
      %dma_start3A_275 = arith.constant 0 : i32
      %dma_start3A_276 = tpu.memref_slice %arg9[%select_n3A_241, %dma_start3A_274, %dma_start3A_275] : memref<2x128x128xf32, #tpu.memory_space<vmem>> -> memref<1x128x128xf32, #tpu.memory_space<vmem>>
      %dma_start3A_277 = tpu.memref_squeeze %dma_start3A_276 : memref<1x128x128xf32, #tpu.memory_space<vmem>> -> memref<128x128xf32, #tpu.memory_space<vmem>>
      %dma_start3A_278 = arith.constant 0 : i32
      %dma_start3A_279 = tpu.memref_slice %arg8[%select_n3A_257, %dma_start3A_278] : memref<2x128xi32, #tpu.memory_space<vmem>> -> memref<1x128xi32, #tpu.memory_space<vmem>>
      %dma_start3A_280 = tpu.memref_squeeze %dma_start3A_279 : memref<1x128xi32, #tpu.memory_space<vmem>> -> memref<128xi32, #tpu.memory_space<vmem>>
      %dma_start3A_281 = arith.constant 0 : i32
      %dma_start3A_282 = arith.constant 0 : i32
      %dma_start3A_283 = tpu.memref_slice %arg10[%dma_start3A_281, %dma_start3A_282] : memref<10112x128xf32, #tpu.memory_space<vmem_shared>> -> memref<10112x128xf32, #tpu.memory_space<vmem_shared>>
      %dma_start3A_284 = tpu.memref_slice %arg12[%select_n3A_273] : memref<2x!tpu.dma_semaphore, #tpu.memory_space<semaphore_mem>> -> memref<1x!tpu.dma_semaphore, #tpu.memory_space<semaphore_mem>>
      %dma_start3A_285 = tpu.memref_squeeze %dma_start3A_284 : memref<1x!tpu.dma_semaphore, #tpu.memory_space<semaphore_mem>> -> memref<!tpu.dma_semaphore, #tpu.memory_space<semaphore_mem>>
      tpu.enqueue_indirect_dma source(%dma_start3A_277 : memref<128x128xf32, #tpu.memory_space<vmem>>) target(%dma_start3A_283 : memref<10112x128xf32, #tpu.memory_space<vmem_shared>>) offsets(%dma_start3A_280 : memref<128xi32, #tpu.memory_space<vmem>>) semaphore(%dma_start3A_285 : memref<!tpu.dma_semaphore, #tpu.memory_space<semaphore_mem>>) {add = true}
    }
    %scan3A_35 = arith.constant 78 : i32
    %dma_wait3A = arith.constant 1 : i32
    %dma_wait3A_36 = arith.constant 1 : i32
    %dma_wait3A_37 = arith.constant 1 : i32
    %dma_wait3A_38 = arith.constant 0 : i32
    %dma_wait3A_39 = arith.constant 0 : i32
    %dma_wait3A_40 = tpu.memref_slice %arg9[%dma_wait3A, %dma_wait3A_38, %dma_wait3A_39] : memref<2x128x128xf32, #tpu.memory_space<vmem>> -> memref<1x128x128xf32, #tpu.memory_space<vmem>>
    %dma_wait3A_41 = tpu.memref_squeeze %dma_wait3A_40 : memref<1x128x128xf32, #tpu.memory_space<vmem>> -> memref<128x128xf32, #tpu.memory_space<vmem>>
    %dma_wait3A_42 = arith.constant 0 : i32
    %dma_wait3A_43 = tpu.memref_slice %arg8[%dma_wait3A_36, %dma_wait3A_42] : memref<2x128xi32, #tpu.memory_space<vmem>> -> memref<1x128xi32, #tpu.memory_space<vmem>>
    %dma_wait3A_44 = tpu.memref_squeeze %dma_wait3A_43 : memref<1x128xi32, #tpu.memory_space<vmem>> -> memref<128xi32, #tpu.memory_space<vmem>>
    %dma_wait3A_45 = arith.constant 0 : i32
    %dma_wait3A_46 = arith.constant 0 : i32
    %dma_wait3A_47 = tpu.memref_slice %arg10[%dma_wait3A_45, %dma_wait3A_46] : memref<10112x128xf32, #tpu.memory_space<vmem_shared>> -> memref<10112x128xf32, #tpu.memory_space<vmem_shared>>
    %dma_wait3A_48 = tpu.memref_slice %arg12[%dma_wait3A_37] : memref<2x!tpu.dma_semaphore, #tpu.memory_space<semaphore_mem>> -> memref<1x!tpu.dma_semaphore, #tpu.memory_space<semaphore_mem>>
    %dma_wait3A_49 = tpu.memref_squeeze %dma_wait3A_48 : memref<1x!tpu.dma_semaphore, #tpu.memory_space<semaphore_mem>> -> memref<!tpu.dma_semaphore, #tpu.memory_space<semaphore_mem>>
    tpu.wait_indirect_dma semaphore(%dma_wait3A_49 : memref<!tpu.dma_semaphore, #tpu.memory_space<semaphore_mem>>) src(%dma_wait3A_41 : memref<128x128xf32, #tpu.memory_space<vmem>>) dst(%dma_wait3A_47 : memref<10112x128xf32, #tpu.memory_space<vmem_shared>>)
    %dma_wait3A_50 = arith.constant 0 : i32
    %dma_wait3A_51 = arith.constant 0 : i32
    %dma_wait3A_52 = arith.constant 0 : i32
    %dma_wait3A_53 = arith.constant 0 : i32
    %dma_wait3A_54 = arith.constant 0 : i32
    %dma_wait3A_55 = tpu.memref_slice %arg9[%dma_wait3A_50, %dma_wait3A_53, %dma_wait3A_54] : memref<2x128x128xf32, #tpu.memory_space<vmem>> -> memref<1x128x128xf32, #tpu.memory_space<vmem>>
    %dma_wait3A_56 = tpu.memref_squeeze %dma_wait3A_55 : memref<1x128x128xf32, #tpu.memory_space<vmem>> -> memref<128x128xf32, #tpu.memory_space<vmem>>
    %dma_wait3A_57 = arith.constant 0 : i32
    %dma_wait3A_58 = tpu.memref_slice %arg8[%dma_wait3A_51, %dma_wait3A_57] : memref<2x128xi32, #tpu.memory_space<vmem>> -> memref<1x128xi32, #tpu.memory_space<vmem>>
    %dma_wait3A_59 = tpu.memref_squeeze %dma_wait3A_58 : memref<1x128xi32, #tpu.memory_space<vmem>> -> memref<128xi32, #tpu.memory_space<vmem>>
    %dma_wait3A_60 = arith.constant 0 : i32
    %dma_wait3A_61 = arith.constant 0 : i32
    %dma_wait3A_62 = tpu.memref_slice %arg10[%dma_wait3A_60, %dma_wait3A_61] : memref<10112x128xf32, #tpu.memory_space<vmem_shared>> -> memref<10112x128xf32, #tpu.memory_space<vmem_shared>>
    %dma_wait3A_63 = tpu.memref_slice %arg12[%dma_wait3A_52] : memref<2x!tpu.dma_semaphore, #tpu.memory_space<semaphore_mem>> -> memref<1x!tpu.dma_semaphore, #tpu.memory_space<semaphore_mem>>
    %dma_wait3A_64 = tpu.memref_squeeze %dma_wait3A_63 : memref<1x!tpu.dma_semaphore, #tpu.memory_space<semaphore_mem>> -> memref<!tpu.dma_semaphore, #tpu.memory_space<semaphore_mem>>
    tpu.wait_indirect_dma semaphore(%dma_wait3A_64 : memref<!tpu.dma_semaphore, #tpu.memory_space<semaphore_mem>>) src(%dma_wait3A_56 : memref<128x128xf32, #tpu.memory_space<vmem>>) dst(%dma_wait3A_62 : memref<10112x128xf32, #tpu.memory_space<vmem_shared>>)
    %add3A_65 = arith.constant 9984 : i32
    %add3A_66 = arith.addi %mul3A_2, %add3A_65 : i32
    %run_scoped3A_67 = arith.constant 0 : i32
    "tpu.region"() ({
      %run_scoped3A_156 = tpu.sem_alloc : memref<!tpu.dma_semaphore, #tpu.memory_space<semaphore_mem>>
      %dma_start3A_157 = arith.constant 0 : i32
      %dma_start3A_158 = tpu.memref_slice %arg7[%run_scoped3A_67, %dma_start3A_157] : memref<2x128xi32, #tpu.memory_space<vmem>> -> memref<1x16xi32, #tpu.memory_space<vmem>>
      %dma_start3A_159 = tpu.memref_squeeze %dma_start3A_158 : memref<1x16xi32, #tpu.memory_space<vmem>> -> memref<16xi32, #tpu.memory_space<vmem>>
      %dma_start3A_160 = tpu.memref_slice %arg3[%add3A_66] : memref<320000xi32, #tpu.memory_space<hbm>> -> memref<16xi32, #tpu.memory_space<hbm>>
      %dma_start3A_161 = arith.constant 0 : i32
      %dma_start3A_162 = tpu.memref_slice %arg7[%run_scoped3A_67, %dma_start3A_161] : memref<2x128xi32, #tpu.memory_space<vmem>> -> memref<1x16xi32, #tpu.memory_space<vmem>>
      %dma_start3A_163 = tpu.memref_squeeze %dma_start3A_162 : memref<1x16xi32, #tpu.memory_space<vmem>> -> memref<16xi32, #tpu.memory_space<vmem>>
      %dma_start3A_164 = tpu.memref_slice %arg3[%add3A_66] : memref<320000xi32, #tpu.memory_space<hbm>> -> memref<16xi32, #tpu.memory_space<hbm>>
      tpu.enqueue_dma source(%dma_start3A_164 : memref<16xi32, #tpu.memory_space<hbm>>) target(%dma_start3A_163 : memref<16xi32, #tpu.memory_space<vmem>>) target_semaphore(%run_scoped3A_156 : memref<!tpu.dma_semaphore, #tpu.memory_space<semaphore_mem>>)
      %dma_wait3A_165 = arith.constant 0 : i32
      %dma_wait3A_166 = tpu.memref_slice %arg7[%run_scoped3A_67, %dma_wait3A_165] : memref<2x128xi32, #tpu.memory_space<vmem>> -> memref<1x16xi32, #tpu.memory_space<vmem>>
      %dma_wait3A_167 = tpu.memref_squeeze %dma_wait3A_166 : memref<1x16xi32, #tpu.memory_space<vmem>> -> memref<16xi32, #tpu.memory_space<vmem>>
      %dma_wait3A_168 = tpu.memref_slice %arg3[%add3A_66] : memref<320000xi32, #tpu.memory_space<hbm>> -> memref<16xi32, #tpu.memory_space<hbm>>
      %dma_wait3A_169 = arith.constant 0 : i32
      %dma_wait3A_170 = tpu.memref_slice %arg7[%run_scoped3A_67, %dma_wait3A_169] : memref<2x128xi32, #tpu.memory_space<vmem>> -> memref<1x16xi32, #tpu.memory_space<vmem>>
      %dma_wait3A_171 = tpu.memref_squeeze %dma_wait3A_170 : memref<1x16xi32, #tpu.memory_space<vmem>> -> memref<16xi32, #tpu.memory_space<vmem>>
      %dma_wait3A_172 = tpu.memref_slice %arg3[%add3A_66] : memref<320000xi32, #tpu.memory_space<hbm>> -> memref<16xi32, #tpu.memory_space<hbm>>
      tpu.wait_dma2 semaphore(%run_scoped3A_156 : memref<!tpu.dma_semaphore, #tpu.memory_space<semaphore_mem>>) src(%dma_wait3A_172 : memref<16xi32, #tpu.memory_space<hbm>>) dst(%dma_wait3A_171 : memref<16xi32, #tpu.memory_space<vmem>>)
      tpu.yield
    }) : () -> ()
    %run_scoped3A_68 = arith.constant 0 : i32
    "tpu.region"() ({
      %run_scoped3A_156 = tpu.sem_alloc : memref<!tpu.dma_semaphore, #tpu.memory_space<semaphore_mem>>
      %dma_start3A_157 = arith.constant 0 : i32
      %dma_start3A_158 = tpu.memref_slice %arg8[%run_scoped3A_68, %dma_start3A_157] : memref<2x128xi32, #tpu.memory_space<vmem>> -> memref<1x16xi32, #tpu.memory_space<vmem>>
      %dma_start3A_159 = tpu.memref_squeeze %dma_start3A_158 : memref<1x16xi32, #tpu.memory_space<vmem>> -> memref<16xi32, #tpu.memory_space<vmem>>
      %dma_start3A_160 = tpu.memref_slice %arg4[%add3A_66] : memref<320000xi32, #tpu.memory_space<hbm>> -> memref<16xi32, #tpu.memory_space<hbm>>
      %dma_start3A_161 = arith.constant 0 : i32
      %dma_start3A_162 = tpu.memref_slice %arg8[%run_scoped3A_68, %dma_start3A_161] : memref<2x128xi32, #tpu.memory_space<vmem>> -> memref<1x16xi32, #tpu.memory_space<vmem>>
      %dma_start3A_163 = tpu.memref_squeeze %dma_start3A_162 : memref<1x16xi32, #tpu.memory_space<vmem>> -> memref<16xi32, #tpu.memory_space<vmem>>
      %dma_start3A_164 = tpu.memref_slice %arg4[%add3A_66] : memref<320000xi32, #tpu.memory_space<hbm>> -> memref<16xi32, #tpu.memory_space<hbm>>
      tpu.enqueue_dma source(%dma_start3A_164 : memref<16xi32, #tpu.memory_space<hbm>>) target(%dma_start3A_163 : memref<16xi32, #tpu.memory_space<vmem>>) target_semaphore(%run_scoped3A_156 : memref<!tpu.dma_semaphore, #tpu.memory_space<semaphore_mem>>)
      %dma_wait3A_165 = arith.constant 0 : i32
      %dma_wait3A_166 = tpu.memref_slice %arg8[%run_scoped3A_68, %dma_wait3A_165] : memref<2x128xi32, #tpu.memory_space<vmem>> -> memref<1x16xi32, #tpu.memory_space<vmem>>
      %dma_wait3A_167 = tpu.memref_squeeze %dma_wait3A_166 : memref<1x16xi32, #tpu.memory_space<vmem>> -> memref<16xi32, #tpu.memory_space<vmem>>
      %dma_wait3A_168 = tpu.memref_slice %arg4[%add3A_66] : memref<320000xi32, #tpu.memory_space<hbm>> -> memref<16xi32, #tpu.memory_space<hbm>>
      %dma_wait3A_169 = arith.constant 0 : i32
      %dma_wait3A_170 = tpu.memref_slice %arg8[%run_scoped3A_68, %dma_wait3A_169] : memref<2x128xi32, #tpu.memory_space<vmem>> -> memref<1x16xi32, #tpu.memory_space<vmem>>
      %dma_wait3A_171 = tpu.memref_squeeze %dma_wait3A_170 : memref<1x16xi32, #tpu.memory_space<vmem>> -> memref<16xi32, #tpu.memory_space<vmem>>
      %dma_wait3A_172 = tpu.memref_slice %arg4[%add3A_66] : memref<320000xi32, #tpu.memory_space<hbm>> -> memref<16xi32, #tpu.memory_space<hbm>>
      tpu.wait_dma2 semaphore(%run_scoped3A_156 : memref<!tpu.dma_semaphore, #tpu.memory_space<semaphore_mem>>) src(%dma_wait3A_172 : memref<16xi32, #tpu.memory_space<hbm>>) dst(%dma_wait3A_171 : memref<16xi32, #tpu.memory_space<vmem>>)
      tpu.yield
    }) : () -> ()
    %broadcast_in_dim3A = arith.constant 10001 : i32
    %broadcast_in_dim3A_69 = vector.broadcast %broadcast_in_dim3A : i32 to vector<16xi32>
    %swap3A = arith.constant 0 : i32
    %swap3A_70 = arith.index_cast %swap3A : i32 to index
    %swap3A_71 = arith.constant 16 : index
    %swap3A_72 = tpu.vector_load %arg8[%swap3A_70, %swap3A_71] {strides = array<i32>} : memref<2x128xi32, #tpu.memory_space<vmem>>, vector<1x16xi32>,
    %swap3A_73 = vector.shape_cast %swap3A_72 : vector<1x16xi32> to vector<16xi32>
    %swap3A_74 = vector.shape_cast %broadcast_in_dim3A_69 : vector<16xi32> to vector<1x16xi32>
    tpu.vector_store %arg8[%swap3A_70, %swap3A_71], %swap3A_74 {strides = array<i32>} : memref<2x128xi32, #tpu.memory_space<vmem>>, vector<1x16xi32>,
    %broadcast_in_dim3A_75 = arith.constant 10002 : i32
    %broadcast_in_dim3A_76 = vector.broadcast %broadcast_in_dim3A_75 : i32 to vector<16xi32>
    %swap3A_77 = arith.constant 0 : i32
    %swap3A_78 = arith.index_cast %swap3A_77 : i32 to index
    %swap3A_79 = arith.constant 32 : index
    %swap3A_80 = tpu.vector_load %arg8[%swap3A_78, %swap3A_79] {strides = array<i32>} : memref<2x128xi32, #tpu.memory_space<vmem>>, vector<1x16xi32>,
    %swap3A_81 = vector.shape_cast %swap3A_80 : vector<1x16xi32> to vector<16xi32>
    %swap3A_82 = vector.shape_cast %broadcast_in_dim3A_76 : vector<16xi32> to vector<1x16xi32>
    tpu.vector_store %arg8[%swap3A_78, %swap3A_79], %swap3A_82 {strides = array<i32>} : memref<2x128xi32, #tpu.memory_space<vmem>>, vector<1x16xi32>,
    %broadcast_in_dim3A_83 = arith.constant 10003 : i32
    %broadcast_in_dim3A_84 = vector.broadcast %broadcast_in_dim3A_83 : i32 to vector<16xi32>
    %swap3A_85 = arith.constant 0 : i32
    %swap3A_86 = arith.index_cast %swap3A_85 : i32 to index
    %swap3A_87 = arith.constant 48 : index
    %swap3A_88 = tpu.vector_load %arg8[%swap3A_86, %swap3A_87] {strides = array<i32>} : memref<2x128xi32, #tpu.memory_space<vmem>>, vector<1x16xi32>,
    %swap3A_89 = vector.shape_cast %swap3A_88 : vector<1x16xi32> to vector<16xi32>
    %swap3A_90 = vector.shape_cast %broadcast_in_dim3A_84 : vector<16xi32> to vector<1x16xi32>
    tpu.vector_store %arg8[%swap3A_86, %swap3A_87], %swap3A_90 {strides = array<i32>} : memref<2x128xi32, #tpu.memory_space<vmem>>, vector<1x16xi32>,
    %broadcast_in_dim3A_91 = arith.constant 10004 : i32
    %broadcast_in_dim3A_92 = vector.broadcast %broadcast_in_dim3A_91 : i32 to vector<16xi32>
    %swap3A_93 = arith.constant 0 : i32
    %swap3A_94 = arith.index_cast %swap3A_93 : i32 to index
    %swap3A_95 = arith.constant 64 : index
    %swap3A_96 = tpu.vector_load %arg8[%swap3A_94, %swap3A_95] {strides = array<i32>} : memref<2x128xi32, #tpu.memory_space<vmem>>, vector<1x16xi32>,
    %swap3A_97 = vector.shape_cast %swap3A_96 : vector<1x16xi32> to vector<16xi32>
    %swap3A_98 = vector.shape_cast %broadcast_in_dim3A_92 : vector<16xi32> to vector<1x16xi32>
    tpu.vector_store %arg8[%swap3A_94, %swap3A_95], %swap3A_98 {strides = array<i32>} : memref<2x128xi32, #tpu.memory_space<vmem>>, vector<1x16xi32>,
    %broadcast_in_dim3A_99 = arith.constant 10005 : i32
    %broadcast_in_dim3A_100 = vector.broadcast %broadcast_in_dim3A_99 : i32 to vector<16xi32>
    %swap3A_101 = arith.constant 0 : i32
    %swap3A_102 = arith.index_cast %swap3A_101 : i32 to index
    %swap3A_103 = arith.constant 80 : index
    %swap3A_104 = tpu.vector_load %arg8[%swap3A_102, %swap3A_103] {strides = array<i32>} : memref<2x128xi32, #tpu.memory_space<vmem>>, vector<1x16xi32>,
    %swap3A_105 = vector.shape_cast %swap3A_104 : vector<1x16xi32> to vector<16xi32>
    %swap3A_106 = vector.shape_cast %broadcast_in_dim3A_100 : vector<16xi32> to vector<1x16xi32>
    tpu.vector_store %arg8[%swap3A_102, %swap3A_103], %swap3A_106 {strides = array<i32>} : memref<2x128xi32, #tpu.memory_space<vmem>>, vector<1x16xi32>,
    %broadcast_in_dim3A_107 = arith.constant 10006 : i32
    %broadcast_in_dim3A_108 = vector.broadcast %broadcast_in_dim3A_107 : i32 to vector<16xi32>
    %swap3A_109 = arith.constant 0 : i32
    %swap3A_110 = arith.index_cast %swap3A_109 : i32 to index
    %swap3A_111 = arith.constant 96 : index
    %swap3A_112 = tpu.vector_load %arg8[%swap3A_110, %swap3A_111] {strides = array<i32>} : memref<2x128xi32, #tpu.memory_space<vmem>>, vector<1x16xi32>,
    %swap3A_113 = vector.shape_cast %swap3A_112 : vector<1x16xi32> to vector<16xi32>
    %swap3A_114 = vector.shape_cast %broadcast_in_dim3A_108 : vector<16xi32> to vector<1x16xi32>
    tpu.vector_store %arg8[%swap3A_110, %swap3A_111], %swap3A_114 {strides = array<i32>} : memref<2x128xi32, #tpu.memory_space<vmem>>, vector<1x16xi32>,
    %broadcast_in_dim3A_115 = arith.constant 10007 : i32
    %broadcast_in_dim3A_116 = vector.broadcast %broadcast_in_dim3A_115 : i32 to vector<16xi32>
    %swap3A_117 = arith.constant 0 : i32
    %swap3A_118 = arith.index_cast %swap3A_117 : i32 to index
    %swap3A_119 = arith.constant 112 : index
    %swap3A_120 = tpu.vector_load %arg8[%swap3A_118, %swap3A_119] {strides = array<i32>} : memref<2x128xi32, #tpu.memory_space<vmem>>, vector<1x16xi32>,
    %swap3A_121 = vector.shape_cast %swap3A_120 : vector<1x16xi32> to vector<16xi32>
    %swap3A_122 = vector.shape_cast %broadcast_in_dim3A_116 : vector<16xi32> to vector<1x16xi32>
    tpu.vector_store %arg8[%swap3A_118, %swap3A_119], %swap3A_122 {strides = array<i32>} : memref<2x128xi32, #tpu.memory_space<vmem>>, vector<1x16xi32>,
    %dma_start3A_123 = arith.constant 0 : i32
    %dma_start3A_124 = arith.constant 0 : i32
    %dma_start3A_125 = arith.constant 0 : i32
    %dma_start3A_126 = arith.constant 0 : i32
    %dma_start3A_127 = arith.constant 0 : i32
    %dma_start3A_128 = tpu.memref_slice %arg9[%dma_start3A_124, %dma_start3A_126, %dma_start3A_127] : memref<2x128x128xf32, #tpu.memory_space<vmem>> -> memref<1x16x128xf32, #tpu.memory_space<vmem>>
    %dma_start3A_129 = tpu.memref_squeeze %dma_start3A_128 : memref<1x16x128xf32, #tpu.memory_space<vmem>> -> memref<16x128xf32, #tpu.memory_space<vmem>>
    %dma_start3A_130 = arith.constant 0 : i32
    %dma_start3A_131 = tpu.memref_slice %arg7[%dma_start3A_123, %dma_start3A_130] : memref<2x128xi32, #tpu.memory_space<vmem>> -> memref<1x16xi32, #tpu.memory_space<vmem>>
    %dma_start3A_132 = tpu.memref_squeeze %dma_start3A_131 : memref<1x16xi32, #tpu.memory_space<vmem>> -> memref<16xi32, #tpu.memory_space<vmem>>
    %dma_start3A_133 = arith.constant 0 : i32
    %dma_start3A_134 = arith.constant 0 : i32
    %dma_start3A_135 = tpu.memref_slice %arg2[%dma_start3A_133, %dma_start3A_134] : memref<10000x128xf32, #tpu.memory_space<hbm>> -> memref<10000x128xf32, #tpu.memory_space<hbm>>
    %dma_start3A_136 = tpu.memref_slice %arg11[%dma_start3A_125] : memref<2x!tpu.dma_semaphore, #tpu.memory_space<semaphore_mem>> -> memref<1x!tpu.dma_semaphore, #tpu.memory_space<semaphore_mem>>
    %dma_start3A_137 = tpu.memref_squeeze %dma_start3A_136 : memref<1x!tpu.dma_semaphore, #tpu.memory_space<semaphore_mem>> -> memref<!tpu.dma_semaphore, #tpu.memory_space<semaphore_mem>>
    tpu.enqueue_indirect_dma source(%dma_start3A_135 : memref<10000x128xf32, #tpu.memory_space<hbm>>) target(%dma_start3A_129 : memref<16x128xf32, #tpu.memory_space<vmem>>) offsets(%dma_start3A_132 : memref<16xi32, #tpu.memory_space<vmem>>) semaphore(%dma_start3A_137 : memref<!tpu.dma_semaphore, #tpu.memory_space<semaphore_mem>>)
    %dma_wait3A_138 = arith.constant 0 : i32
    %dma_wait3A_139 = arith.constant 0 : i32
    %dma_wait3A_140 = arith.constant 0 : i32
    %dma_wait3A_141 = arith.constant 0 : i32
    %dma_wait3A_142 = arith.constant 0 : i32
    %dma_wait3A_143 = tpu.memref_slice %arg9[%dma_wait3A_139, %dma_wait3A_141, %dma_wait3A_142] : memref<2x128x128xf32, #tpu.memory_space<vmem>> -> memref<1x16x128xf32, #tpu.memory_space<vmem>>
    %dma_wait3A_144 = tpu.memref_squeeze %dma_wait3A_143 : memref<1x16x128xf32, #tpu.memory_space<vmem>> -> memref<16x128xf32, #tpu.memory_space<vmem>>
    %dma_wait3A_145 = arith.constant 0 : i32
    %dma_wait3A_146 = tpu.memref_slice %arg7[%dma_wait3A_138, %dma_wait3A_145] : memref<2x128xi32, #tpu.memory_space<vmem>> -> memref<1x16xi32, #tpu.memory_space<vmem>>
    %dma_wait3A_147 = tpu.memref_squeeze %dma_wait3A_146 : memref<1x16xi32, #tpu.memory_space<vmem>> -> memref<16xi32, #tpu.memory_space<vmem>>
    %dma_wait3A_148 = arith.constant 0 : i32
    %dma_wait3A_149 = arith.constant 0 : i32
    %dma_wait3A_150 = tpu.memref_slice %arg2[%dma_wait3A_148, %dma_wait3A_149] : memref<10000x128xf32, #tpu.memory_space<hbm>> -> memref<10000x128xf32, #tpu.memory_space<hbm>>
    %dma_wait3A_151 = tpu.memref_slice %arg11[%dma_wait3A_140] : memref<2x!tpu.dma_semaphore, #tpu.memory_space<semaphore_mem>> -> memref<1x!tpu.dma_semaphore, #tpu.memory_space<semaphore_mem>>
    %dma_wait3A_152 = tpu.memref_squeeze %dma_wait3A_151 : memref<1x!tpu.dma_semaphore, #tpu.memory_space<semaphore_mem>> -> memref<!tpu.dma_semaphore, #tpu.memory_space<semaphore_mem>>
    tpu.wait_indirect_dma semaphore(%dma_wait3A_152 : memref<!tpu.dma_semaphore, #tpu.memory_space<semaphore_mem>>) src(%dma_wait3A_150 : memref<10000x128xf32, #tpu.memory_space<hbm>>) dst(%dma_wait3A_144 : memref<16x128xf32, #tpu.memory_space<vmem>>)
    %run_scoped3A_153 = arith.constant 0 : i32
    %run_scoped3A_154 = arith.constant 0 : i32
    "tpu.region"() ({
      %run_scoped3A_156 = tpu.sem_alloc : memref<!tpu.dma_semaphore, #tpu.memory_space<semaphore_mem>>
      %dma_start3A_157 = arith.constant 0 : i32
      %dma_start3A_158 = arith.constant 0 : i32
      %dma_start3A_159 = tpu.memref_slice %arg9[%run_scoped3A_153, %dma_start3A_157, %dma_start3A_158] : memref<2x128x128xf32, #tpu.memory_space<vmem>> -> memref<1x128x128xf32, #tpu.memory_space<vmem>>
      %dma_start3A_160 = tpu.memref_squeeze %dma_start3A_159 : memref<1x128x128xf32, #tpu.memory_space<vmem>> -> memref<128x128xf32, #tpu.memory_space<vmem>>
      %dma_start3A_161 = arith.constant 0 : i32
      %dma_start3A_162 = tpu.memref_slice %arg8[%run_scoped3A_154, %dma_start3A_161] : memref<2x128xi32, #tpu.memory_space<vmem>> -> memref<1x128xi32, #tpu.memory_space<vmem>>
      %dma_start3A_163 = tpu.memref_squeeze %dma_start3A_162 : memref<1x128xi32, #tpu.memory_space<vmem>> -> memref<128xi32, #tpu.memory_space<vmem>>
      %dma_start3A_164 = arith.constant 0 : i32
      %dma_start3A_165 = arith.constant 0 : i32
      %dma_start3A_166 = tpu.memref_slice %arg10[%dma_start3A_164, %dma_start3A_165] : memref<10112x128xf32, #tpu.memory_space<vmem_shared>> -> memref<10112x128xf32, #tpu.memory_space<vmem_shared>>
      tpu.enqueue_indirect_dma source(%dma_start3A_160 : memref<128x128xf32, #tpu.memory_space<vmem>>) target(%dma_start3A_166 : memref<10112x128xf32, #tpu.memory_space<vmem_shared>>) offsets(%dma_start3A_163 : memref<128xi32, #tpu.memory_space<vmem>>) semaphore(%run_scoped3A_156 : memref<!tpu.dma_semaphore, #tpu.memory_space<semaphore_mem>>) {add = true}
      %dma_wait3A_167 = arith.constant 0 : i32
      %dma_wait3A_168 = arith.constant 0 : i32
      %dma_wait3A_169 = tpu.memref_slice %arg9[%run_scoped3A_153, %dma_wait3A_167, %dma_wait3A_168] : memref<2x128x128xf32, #tpu.memory_space<vmem>> -> memref<1x128x128xf32, #tpu.memory_space<vmem>>
      %dma_wait3A_170 = tpu.memref_squeeze %dma_wait3A_169 : memref<1x128x128xf32, #tpu.memory_space<vmem>> -> memref<128x128xf32, #tpu.memory_space<vmem>>
      %dma_wait3A_171 = arith.constant 0 : i32
      %dma_wait3A_172 = tpu.memref_slice %arg8[%run_scoped3A_154, %dma_wait3A_171] : memref<2x128xi32, #tpu.memory_space<vmem>> -> memref<1x128xi32, #tpu.memory_space<vmem>>
      %dma_wait3A_173 = tpu.memref_squeeze %dma_wait3A_172 : memref<1x128xi32, #tpu.memory_space<vmem>> -> memref<128xi32, #tpu.memory_space<vmem>>
      %dma_wait3A_174 = arith.constant 0 : i32
      %dma_wait3A_175 = arith.constant 0 : i32
      %dma_wait3A_176 = tpu.memref_slice %arg10[%dma_wait3A_174, %dma_wait3A_175] : memref<10112x128xf32, #tpu.memory_space<vmem_shared>> -> memref<10112x128xf32, #tpu.memory_space<vmem_shared>>
      tpu.wait_indirect_dma semaphore(%run_scoped3A_156 : memref<!tpu.dma_semaphore, #tpu.memory_space<semaphore_mem>>) src(%dma_wait3A_170 : memref<128x128xf32, #tpu.memory_space<vmem>>) dst(%dma_wait3A_176 : memref<10112x128xf32, #tpu.memory_space<vmem_shared>>)
      tpu.yield
    }) : () -> ()
    %barrier3A_155 = arith.constant 0 : index
    tpu.barrier barrier_id(%barrier3A_155)
    "tpu.region"() ({
      %run_scoped3A_156 = tpu.sem_alloc : memref<!tpu.dma_semaphore, #tpu.memory_space<semaphore_mem>>
      %dma_start3A_157 = arith.constant 0 : i32
      %dma_start3A_158 = tpu.memref_slice %arg6[%arg0, %mul3A_4, %dma_start3A_157] : memref<2x10112x128xf32, #tpu.memory_space<hbm>> -> memref<1x632x128xf32, #tpu.memory_space<hbm>>
      %dma_start3A_159 = tpu.memref_squeeze %dma_start3A_158 : memref<1x632x128xf32, #tpu.memory_space<hbm>> -> memref<632x128xf32, #tpu.memory_space<hbm>>
      %dma_start3A_160 = arith.constant 0 : i32
      %dma_start3A_161 = tpu.memref_slice %arg10[%mul3A_4, %dma_start3A_160] : memref<10112x128xf32, #tpu.memory_space<vmem_shared>> -> memref<632x128xf32, #tpu.memory_space<vmem_shared>>
      tpu.enqueue_dma source(%dma_start3A_161 : memref<632x128xf32, #tpu.memory_space<vmem_shared>>) target(%dma_start3A_159 : memref<632x128xf32, #tpu.memory_space<hbm>>) target_semaphore(%run_scoped3A_156 : memref<!tpu.dma_semaphore, #tpu.memory_space<semaphore_mem>>)
      %dma_wait3A_162 = arith.constant 0 : i32
      %dma_wait3A_163 = tpu.memref_slice %arg6[%arg0, %mul3A_4, %dma_wait3A_162] : memref<2x10112x128xf32, #tpu.memory_space<hbm>> -> memref<1x632x128xf32, #tpu.memory_space<hbm>>
      %dma_wait3A_164 = tpu.memref_squeeze %dma_wait3A_163 : memref<1x632x128xf32, #tpu.memory_space<hbm>> -> memref<632x128xf32, #tpu.memory_space<hbm>>
      %dma_wait3A_165 = arith.constant 0 : i32
      %dma_wait3A_166 = tpu.memref_slice %arg10[%mul3A_4, %dma_wait3A_165] : memref<10112x128xf32, #tpu.memory_space<vmem_shared>> -> memref<632x128xf32, #tpu.memory_space<vmem_shared>>
      tpu.wait_dma2 semaphore(%run_scoped3A_156 : memref<!tpu.dma_semaphore, #tpu.memory_space<semaphore_mem>>) src(%dma_wait3A_166 : memref<632x128xf32, #tpu.memory_space<vmem_shared>>) dst(%dma_wait3A_164 : memref<632x128xf32, #tpu.memory_space<hbm>>)
      tpu.yield
    }) : () -> ()
    return
  }
}

module attributes {stable_mosaic.version = 14 : i64} {
  func.func @_mid_body(%arg0: memref<2x10112x128xf32, #tpu.memory_space<vmem>>, %arg1: memref<10000x128xf32, #tpu.memory_space<vmem>>, %arg2: memref<10000x16xf32, #tpu.memory_space<vmem>>, %arg3: memref<1x128xf32, #tpu.memory_space<vmem>>, %arg4: memref<128x128xf32, #tpu.memory_space<vmem>>, %arg5: memref<10000x128xf32, #tpu.memory_space<vmem>>) attributes {dimension_semantics = [], scalar_prefetch = 0 : i64, scratch_operands = 0 : i64, tpu.core_type = #tpu.core_type<tc>} {
    %get3A = arith.constant 0 : index
    %get3A_0 = arith.constant 0 : index
    %get3A_1 = arith.constant 0 : index
    %get3A_2 = vector.load %arg0[%get3A, %get3A_0, %get3A_1] : memref<2x10112x128xf32, #tpu.memory_space<vmem>>, vector<1x10000x128xf32>
    %get3A_3 = vector.shape_cast %get3A_2 : vector<1x10000x128xf32> to vector<10000x128xf32>
    %get3A_4 = arith.constant 1 : index
    %get3A_5 = arith.constant 0 : index
    %get3A_6 = arith.constant 0 : index
    %get3A_7 = vector.load %arg0[%get3A_4, %get3A_5, %get3A_6] : memref<2x10112x128xf32, #tpu.memory_space<vmem>>, vector<1x10000x128xf32>
    %get3A_8 = vector.shape_cast %get3A_7 : vector<1x10000x128xf32> to vector<10000x128xf32>
    %add3A = arith.addf %get3A_3, %get3A_8 : vector<10000x128xf32>
    %get3A_9 = arith.constant 0 : index
    %get3A_10 = arith.constant 0 : index
    %get3A_11 = vector.load %arg1[%get3A_9, %get3A_10] : memref<10000x128xf32, #tpu.memory_space<vmem>>, vector<10000x128xf32>
    %add3A_12 = arith.addf %add3A, %get3A_11 : vector<10000x128xf32>
    %get3A_13 = arith.constant 0 : index
    %get3A_14 = arith.constant 0 : index
    %get3A_15 = vector.load %arg2[%get3A_13, %get3A_14] : memref<10000x16xf32, #tpu.memory_space<vmem>>, vector<10000x16xf32>
    %slice3A = vector.extract_strided_slice %get3A_15 {offsets = [0, 0], sizes = [10000, 1], strides = [1, 1]} : vector<10000x16xf32> to vector<10000x1xf32>
    %broadcast_in_dim3A = vector.shape_cast %slice3A : vector<10000x1xf32> to vector<10000x1xf32>
    %broadcast_in_dim3A_16 = vector.broadcast %broadcast_in_dim3A : vector<10000x1xf32> to vector<10000x128xf32>
    %mul3A = arith.mulf %broadcast_in_dim3A_16, %add3A_12 : vector<10000x128xf32>
    %get3A_17 = arith.constant 0 : index
    %get3A_18 = arith.constant 0 : index
    %get3A_19 = vector.load %arg3[%get3A_17, %get3A_18] : memref<1x128xf32, #tpu.memory_space<vmem>>, vector<1x128xf32>
    %add3A_20 = vector.broadcast %get3A_19 : vector<1x128xf32> to vector<10000x128xf32>
    %add3A_21 = arith.addf %mul3A, %add3A_20 : vector<10000x128xf32>
    %max3A = arith.constant 0.000000e+00 : f32
    %max3A_22 = vector.broadcast %max3A : f32 to vector<10000x128xf32>
    %max3A_23 = arith.maximumf %add3A_21, %max3A_22 : vector<10000x128xf32>
    %get3A_24 = arith.constant 0 : index
    %get3A_25 = arith.constant 0 : index
    %get3A_26 = vector.load %arg4[%get3A_24, %get3A_25] : memref<128x128xf32, #tpu.memory_space<vmem>>, vector<128x128xf32>
    %dot_general3A = arith.constant dense<0.000000e+00> : vector<10000x128xf32>
    %dot_general3A_27 = tpu.matmul %max3A_23, %get3A_26, %dot_general3A {dimension_numbers = #tpu.dot_dimension_numbers<[1], [0], [0], [1], [0, 0, 1, 1], [], []>, transpose_lhs_hint = false} : vector<10000x128xf32>, vector<128x128xf32>, vector<10000x128xf32> -> vector<10000x128xf32>
    %mul3A_28 = arith.mulf %dot_general3A_27, %broadcast_in_dim3A_16 : vector<10000x128xf32>
    %swap3A = arith.constant 0 : index
    %swap3A_29 = arith.constant 0 : index
    %swap3A_30 = vector.load %arg5[%swap3A, %swap3A_29] : memref<10000x128xf32, #tpu.memory_space<vmem>>, vector<10000x128xf32>
    tpu.vector_store %arg5[%swap3A, %swap3A_29], %mul3A_28 {strides = array<i32>} : memref<10000x128xf32, #tpu.memory_space<vmem>>, vector<10000x128xf32>,
    return
  }
}

module attributes {stable_mosaic.version = 14 : i64} {
  func.func @_split_body(%arg0: memref<2x320000xi32, #tpu.memory_space<vmem>>, %arg1: memref<320000xi32, #tpu.memory_space<vmem>>, %arg2: memref<320000xi32, #tpu.memory_space<vmem>>, %arg3: memref<10112x128xf32, #tpu.memory_space<vmem>>) attributes {dimension_semantics = [], scalar_prefetch = 0 : i64, scratch_operands = 0 : i64, tpu.core_type = #tpu.core_type<tc>} {
    %get3A = arith.constant 0 : index
    %get3A_0 = arith.constant 0 : index
    %get3A_1 = vector.load %arg0[%get3A, %get3A_0] : memref<2x320000xi32, #tpu.memory_space<vmem>>, vector<1x320000xi32>
    %get3A_2 = vector.shape_cast %get3A_1 : vector<1x320000xi32> to vector<320000xi32>
    %swap3A = arith.constant 0 : index
    %swap3A_3 = vector.load %arg1[%swap3A] : memref<320000xi32, #tpu.memory_space<vmem>>, vector<320000xi32>
    tpu.vector_store %arg1[%swap3A], %get3A_2 {strides = array<i32>} : memref<320000xi32, #tpu.memory_space<vmem>>, vector<320000xi32>,
    %get3A_4 = arith.constant 1 : index
    %get3A_5 = arith.constant 0 : index
    %get3A_6 = vector.load %arg0[%get3A_4, %get3A_5] : memref<2x320000xi32, #tpu.memory_space<vmem>>, vector<1x320000xi32>
    %get3A_7 = vector.shape_cast %get3A_6 : vector<1x320000xi32> to vector<320000xi32>
    %swap3A_8 = arith.constant 0 : index
    %swap3A_9 = vector.load %arg2[%swap3A_8] : memref<320000xi32, #tpu.memory_space<vmem>>, vector<320000xi32>
    tpu.vector_store %arg2[%swap3A_8], %get3A_7 {strides = array<i32>} : memref<320000xi32, #tpu.memory_space<vmem>>, vector<320000xi32>,
    %broadcast_in_dim3A = arith.constant 0.000000e+00 : f32
    %broadcast_in_dim3A_10 = vector.broadcast %broadcast_in_dim3A : f32 to vector<10112x128xf32>
    %swap3A_11 = arith.constant 0 : index
    %swap3A_12 = arith.constant 0 : index
    %swap3A_13 = vector.load %arg3[%swap3A_11, %swap3A_12] : memref<10112x128xf32, #tpu.memory_space<vmem>>, vector<10112x128xf32>
    tpu.vector_store %arg3[%swap3A_11, %swap3A_12], %broadcast_in_dim3A_10 {strides = array<i32>} : memref<10112x128xf32, #tpu.memory_space<vmem>>, vector<10112x128xf32>,
    return
  }
}

module attributes {stable_mosaic.version = 14 : i64} {
  func.func @_mm_body(%arg0: memref<10000x128xf32, #tpu.memory_space<vmem>>, %arg1: memref<128x128xf32, #tpu.memory_space<vmem>>, %arg2: memref<10000x128xf32, #tpu.memory_space<vmem>>) attributes {dimension_semantics = [], scalar_prefetch = 0 : i64, scratch_operands = 0 : i64, tpu.core_type = #tpu.core_type<tc>} {
    %get3A = arith.constant 0 : index
    %get3A_0 = arith.constant 0 : index
    %get3A_1 = vector.load %arg0[%get3A, %get3A_0] : memref<10000x128xf32, #tpu.memory_space<vmem>>, vector<10000x128xf32>
    %get3A_2 = arith.constant 0 : index
    %get3A_3 = arith.constant 0 : index
    %get3A_4 = vector.load %arg1[%get3A_2, %get3A_3] : memref<128x128xf32, #tpu.memory_space<vmem>>, vector<128x128xf32>
    %dot_general3A = arith.constant dense<0.000000e+00> : vector<10000x128xf32>
    %dot_general3A_5 = tpu.matmul %get3A_1, %get3A_4, %dot_general3A {dimension_numbers = #tpu.dot_dimension_numbers<[1], [0], [0], [1], [0, 0, 1, 1], [], []>, transpose_lhs_hint = false} : vector<10000x128xf32>, vector<128x128xf32>, vector<10000x128xf32> -> vector<10000x128xf32>
    %swap3A = arith.constant 0 : index
    %swap3A_6 = arith.constant 0 : index
    %swap3A_7 = vector.load %arg2[%swap3A, %swap3A_6] : memref<10000x128xf32, #tpu.memory_space<vmem>>, vector<10000x128xf32>
    tpu.vector_store %arg2[%swap3A, %swap3A_6], %dot_general3A_5 {strides = array<i32>} : memref<10000x128xf32, #tpu.memory_space<vmem>>, vector<10000x128xf32>,
    return
  }
}

module attributes {stable_mosaic.version = 14 : i64} {
  func.func @_prep_body(%arg0: memref<10000x128xf32, #tpu.memory_space<vmem>>, %arg1: memref<32x10112xf32, #tpu.memory_space<vmem>>, %arg2: memref<10000x16xf32, #tpu.memory_space<vmem>>, %arg3: memref<10000x128xf32, #tpu.memory_space<vmem>>) attributes {dimension_semantics = [], scalar_prefetch = 0 : i64, scratch_operands = 0 : i64, tpu.core_type = #tpu.core_type<tc>} {
    %get3A = arith.constant 0 : index
    %get3A_0 = arith.constant 0 : index
    %get3A_1 = vector.load %arg1[%get3A, %get3A_0] : memref<32x10112xf32, #tpu.memory_space<vmem>>, vector<32x10112xf32>
    %slice3A = vector.extract_strided_slice %get3A_1 {offsets = [0, 0], sizes = [32, 10000], strides = [1, 1]} : vector<32x10112xf32> to vector<32x10000xf32>
    %reduce_sum3A = arith.constant dense<0.000000e+00> : vector<10000xf32>
    %reduce_sum3A_2 = vector.multi_reduction <add>, %slice3A, %reduce_sum3A [0] : vector<32x10000xf32> to vector<10000xf32>
    %add3A = arith.constant 1.000000e+00 : f32
    %add3A_3 = vector.broadcast %add3A : f32 to vector<10000xf32>
    %add3A_4 = arith.addf %add3A_3, %reduce_sum3A_2 : vector<10000xf32>
    %sqrt3A = math.sqrt %add3A_4 : vector<10000xf32>
    %div3A = arith.constant 1.000000e+00 : f32
    %div3A_5 = vector.broadcast %div3A : f32 to vector<10000xf32>
    %div3A_6 = arith.divf %div3A_5, %sqrt3A : vector<10000xf32>
    %broadcast_in_dim3A = vector.shape_cast %div3A_6 : vector<10000xf32> to vector<10000x1xf32>
    %broadcast_in_dim3A_7 = vector.shape_cast %broadcast_in_dim3A : vector<10000x1xf32> to vector<10000x1xf32>
    %broadcast_in_dim3A_8 = vector.broadcast %broadcast_in_dim3A_7 : vector<10000x1xf32> to vector<10000x128xf32>
    %slice3A_9 = vector.extract_strided_slice %broadcast_in_dim3A_8 {offsets = [0, 0], sizes = [10000, 16], strides = [1, 1]} : vector<10000x128xf32> to vector<10000x16xf32>
    %swap3A = arith.constant 0 : index
    %swap3A_10 = arith.constant 0 : index
    %swap3A_11 = vector.load %arg2[%swap3A, %swap3A_10] : memref<10000x16xf32, #tpu.memory_space<vmem>>, vector<10000x16xf32>
    tpu.vector_store %arg2[%swap3A, %swap3A_10], %slice3A_9 {strides = array<i32>} : memref<10000x16xf32, #tpu.memory_space<vmem>>, vector<10000x16xf32>,
    %get3A_12 = arith.constant 0 : index
    %get3A_13 = arith.constant 0 : index
    %get3A_14 = vector.load %arg0[%get3A_12, %get3A_13] : memref<10000x128xf32, #tpu.memory_space<vmem>>, vector<10000x128xf32>
    %mul3A = arith.mulf %get3A_14, %broadcast_in_dim3A_8 : vector<10000x128xf32>
    %swap3A_15 = arith.constant 0 : index
    %swap3A_16 = arith.constant 0 : index
    %swap3A_17 = vector.load %arg3[%swap3A_15, %swap3A_16] : memref<10000x128xf32, #tpu.memory_space<vmem>>, vector<10000x128xf32>
    tpu.vector_store %arg3[%swap3A_15, %swap3A_16], %mul3A {strides = array<i32>} : memref<10000x128xf32, #tpu.memory_space<vmem>>, vector<10000x128xf32>,
    return
  }
}

module attributes {stable_mosaic.version = 14 : i64} {
  func.func @_post_body(%arg0: memref<2x10112x128xf32, #tpu.memory_space<vmem>>, %arg1: memref<10000x128xf32, #tpu.memory_space<vmem>>, %arg2: memref<10000x16xf32, #tpu.memory_space<vmem>>, %arg3: memref<1x128xf32, #tpu.memory_space<vmem>>, %arg4: memref<128x8xf32, #tpu.memory_space<vmem>>, %arg5: memref<1x8xf32, #tpu.memory_space<vmem>>, %arg6: memref<1x8xf32, #tpu.memory_space<vmem>>, %arg7: memref<128x64xf32, #tpu.memory_space<vmem>>, %arg8: memref<1x64xf32, #tpu.memory_space<vmem>>, %arg9: memref<64x1xf32, #tpu.memory_space<vmem>>, %arg10: memref<1x1xf32, #tpu.memory_space<vmem>>, %arg11: memref<10000x1xi32, #tpu.memory_space<vmem>>, %arg12: memref<10000x8xf32, #tpu.memory_space<vmem>>, %arg13: memref<10000x8xf32, #tpu.memory_space<vmem>>, %arg14: memref<64x1xf32, #tpu.memory_space<vmem>>) attributes {dimension_semantics = [], scalar_prefetch = 0 : i64, scratch_operands = 0 : i64, tpu.core_type = #tpu.core_type<tc>} {
    %get3A = arith.constant 0 : index
    %get3A_0 = arith.constant 0 : index
    %get3A_1 = arith.constant 0 : index
    %get3A_2 = vector.load %arg0[%get3A, %get3A_0, %get3A_1] : memref<2x10112x128xf32, #tpu.memory_space<vmem>>, vector<1x10000x128xf32>
    %get3A_3 = vector.shape_cast %get3A_2 : vector<1x10000x128xf32> to vector<10000x128xf32>
    %get3A_4 = arith.constant 1 : index
    %get3A_5 = arith.constant 0 : index
    %get3A_6 = arith.constant 0 : index
    %get3A_7 = vector.load %arg0[%get3A_4, %get3A_5, %get3A_6] : memref<2x10112x128xf32, #tpu.memory_space<vmem>>, vector<1x10000x128xf32>
    %get3A_8 = vector.shape_cast %get3A_7 : vector<1x10000x128xf32> to vector<10000x128xf32>
    %add3A = arith.addf %get3A_3, %get3A_8 : vector<10000x128xf32>
    %get3A_9 = arith.constant 0 : index
    %get3A_10 = arith.constant 0 : index
    %get3A_11 = vector.load %arg1[%get3A_9, %get3A_10] : memref<10000x128xf32, #tpu.memory_space<vmem>>, vector<10000x128xf32>
    %add3A_12 = arith.addf %add3A, %get3A_11 : vector<10000x128xf32>
    %get3A_13 = arith.constant 0 : index
    %get3A_14 = arith.constant 0 : index
    %get3A_15 = vector.load %arg2[%get3A_13, %get3A_14] : memref<10000x16xf32, #tpu.memory_space<vmem>>, vector<10000x16xf32>
    %slice3A = vector.extract_strided_slice %get3A_15 {offsets = [0, 0], sizes = [10000, 1], strides = [1, 1]} : vector<10000x16xf32> to vector<10000x1xf32>
    %broadcast_in_dim3A = vector.shape_cast %slice3A : vector<10000x1xf32> to vector<10000x1xf32>
    %broadcast_in_dim3A_16 = vector.broadcast %broadcast_in_dim3A : vector<10000x1xf32> to vector<10000x128xf32>
    %mul3A = arith.mulf %broadcast_in_dim3A_16, %add3A_12 : vector<10000x128xf32>
    %get3A_17 = arith.constant 0 : index
    %get3A_18 = arith.constant 0 : index
    %get3A_19 = vector.load %arg3[%get3A_17, %get3A_18] : memref<1x128xf32, #tpu.memory_space<vmem>>, vector<1x128xf32>
    %add3A_20 = vector.broadcast %get3A_19 : vector<1x128xf32> to vector<10000x128xf32>
    %add3A_21 = arith.addf %mul3A, %add3A_20 : vector<10000x128xf32>
    %max3A = arith.constant 0.000000e+00 : f32
    %max3A_22 = vector.broadcast %max3A : f32 to vector<10000x128xf32>
    %max3A_23 = arith.maximumf %add3A_21, %max3A_22 : vector<10000x128xf32>
    %get3A_24 = arith.constant 0 : index
    %get3A_25 = arith.constant 0 : index
    %get3A_26 = vector.load %arg4[%get3A_24, %get3A_25] : memref<128x8xf32, #tpu.memory_space<vmem>>, vector<128x8xf32>
    %dot_general3A = arith.constant dense<0.000000e+00> : vector<10000x8xf32>
    %dot_general3A_27 = tpu.matmul %max3A_23, %get3A_26, %dot_general3A {dimension_numbers = #tpu.dot_dimension_numbers<[1], [0], [0], [1], [0, 0, 1, 1], [], []>, transpose_lhs_hint = false} : vector<10000x128xf32>, vector<128x8xf32>, vector<10000x8xf32> -> vector<10000x8xf32>
    %get3A_28 = arith.constant 0 : index
    %get3A_29 = arith.constant 0 : index
    %get3A_30 = vector.load %arg5[%get3A_28, %get3A_29] : memref<1x8xf32, #tpu.memory_space<vmem>>, vector<1x8xf32>
    %add3A_31 = vector.broadcast %get3A_30 : vector<1x8xf32> to vector<10000x8xf32>
    %add3A_32 = arith.addf %dot_general3A_27, %add3A_31 : vector<10000x8xf32>
    %tanh3A = math.tanh %add3A_32 : vector<10000x8xf32>
    %swap3A = arith.constant 0 : index
    %swap3A_33 = arith.constant 0 : index
    %swap3A_34 = vector.load %arg12[%swap3A, %swap3A_33] : memref<10000x8xf32, #tpu.memory_space<vmem>>, vector<10000x8xf32>
    tpu.vector_store %arg12[%swap3A, %swap3A_33], %tanh3A {strides = array<i32>} : memref<10000x8xf32, #tpu.memory_space<vmem>>, vector<10000x8xf32>,
    %get3A_35 = arith.constant 0 : index
    %get3A_36 = arith.constant 0 : index
    %get3A_37 = vector.load %arg6[%get3A_35, %get3A_36] : memref<1x8xf32, #tpu.memory_space<vmem>>, vector<1x8xf32>
    %broadcast_in_dim3A_38 = vector.shape_cast %get3A_37 : vector<1x8xf32> to vector<1x8xf32>
    %broadcast_in_dim3A_39 = vector.broadcast %broadcast_in_dim3A_38 : vector<1x8xf32> to vector<10000x8xf32>
    %exp3A = math.exp %broadcast_in_dim3A_39 : vector<10000x8xf32>
    %swap3A_40 = arith.constant 0 : index
    %swap3A_41 = arith.constant 0 : index
    %swap3A_42 = vector.load %arg13[%swap3A_40, %swap3A_41] : memref<10000x8xf32, #tpu.memory_space<vmem>>, vector<10000x8xf32>
    tpu.vector_store %arg13[%swap3A_40, %swap3A_41], %exp3A {strides = array<i32>} : memref<10000x8xf32, #tpu.memory_space<vmem>>, vector<10000x8xf32>,
    %iota3A = tpu.iota {dimensions = array<i32: 1>} : vector<1x64xi32>
    %get3A_43 = arith.constant 0 : index
    %get3A_44 = arith.constant 0 : index
    %get3A_45 = vector.load %arg11[%get3A_43, %get3A_44] : memref<10000x1xi32, #tpu.memory_space<vmem>>, vector<10000x1xi32>
    %eq3A = vector.broadcast %get3A_45 : vector<10000x1xi32> to vector<10000x64xi32>
    %eq3A_46 = vector.broadcast %iota3A : vector<1x64xi32> to vector<10000x64xi32>
    %eq3A_47 = arith.cmpi eq, %eq3A, %eq3A_46 : vector<10000x64xi32>
    %convert_element_type3A = arith.extui %eq3A_47 : vector<10000x64xi1> to vector<10000x64xi32>
    %convert_element_type3A_48 = arith.sitofp %convert_element_type3A : vector<10000x64xi32> to vector<10000x64xf32>
    %dot_general3A_49 = arith.constant dense<0.000000e+00> : vector<64x128xf32>
    %dot_general3A_50 = tpu.matmul %convert_element_type3A_48, %max3A_23, %dot_general3A_49 {dimension_numbers = #tpu.dot_dimension_numbers<[0], [0], [1], [1], [0, 1, 1, 1], [], []>, transpose_lhs_hint = false} : vector<10000x64xf32>, vector<10000x128xf32>, vector<64x128xf32> -> vector<64x128xf32>
    %broadcast_in_dim3A_51 = arith.constant 1.000000e+00 : f32
    %broadcast_in_dim3A_52 = vector.broadcast %broadcast_in_dim3A_51 : f32 to vector<10000x1xf32>
    %dot_general3A_53 = arith.constant dense<0.000000e+00> : vector<64x1xf32>
    %dot_general3A_54 = tpu.matmul %convert_element_type3A_48, %broadcast_in_dim3A_52, %dot_general3A_53 {dimension_numbers = #tpu.dot_dimension_numbers<[0], [0], [1], [1], [0, 1, 1, 1], [], []>, transpose_lhs_hint = false} : vector<10000x64xf32>, vector<10000x1xf32>, vector<64x1xf32> -> vector<64x1xf32>
    %max3A_55 = arith.constant 1.000000e+00 : f32
    %max3A_56 = vector.broadcast %max3A_55 : f32 to vector<64x1xf32>
    %max3A_57 = arith.maximumf %dot_general3A_54, %max3A_56 : vector<64x1xf32>
    %div3A = vector.broadcast %max3A_57 : vector<64x1xf32> to vector<64x128xf32>
    %div3A_58 = arith.divf %dot_general3A_50, %div3A : vector<64x128xf32>
    %get3A_59 = arith.constant 0 : index
    %get3A_60 = arith.constant 0 : index
    %get3A_61 = vector.load %arg7[%get3A_59, %get3A_60] : memref<128x64xf32, #tpu.memory_space<vmem>>, vector<128x64xf32>
    %dot_general3A_62 = arith.constant dense<0.000000e+00> : vector<64x64xf32>
    %dot_general3A_63 = tpu.matmul %div3A_58, %get3A_61, %dot_general3A_62 {dimension_numbers = #tpu.dot_dimension_numbers<[1], [0], [0], [1], [0, 0, 1, 1], [], []>, transpose_lhs_hint = false} : vector<64x128xf32>, vector<128x64xf32>, vector<64x64xf32> -> vector<64x64xf32>
    %get3A_64 = arith.constant 0 : index
    %get3A_65 = arith.constant 0 : index
    %get3A_66 = vector.load %arg8[%get3A_64, %get3A_65] : memref<1x64xf32, #tpu.memory_space<vmem>>, vector<1x64xf32>
    %add3A_67 = vector.broadcast %get3A_66 : vector<1x64xf32> to vector<64x64xf32>
    %add3A_68 = arith.addf %dot_general3A_63, %add3A_67 : vector<64x64xf32>
    %max3A_69 = arith.constant 0.000000e+00 : f32
    %max3A_70 = vector.broadcast %max3A_69 : f32 to vector<64x64xf32>
    %max3A_71 = arith.maximumf %add3A_68, %max3A_70 : vector<64x64xf32>
    %get3A_72 = arith.constant 0 : index
    %get3A_73 = arith.constant 0 : index
    %get3A_74 = vector.load %arg9[%get3A_72, %get3A_73] : memref<64x1xf32, #tpu.memory_space<vmem>>, vector<64x1xf32>
    %dot_general3A_75 = arith.constant dense<0.000000e+00> : vector<64x1xf32>
    %dot_general3A_76 = tpu.matmul %max3A_71, %get3A_74, %dot_general3A_75 {dimension_numbers = #tpu.dot_dimension_numbers<[1], [0], [0], [1], [0, 0, 1, 1], [], []>, transpose_lhs_hint = false} : vector<64x64xf32>, vector<64x1xf32>, vector<64x1xf32> -> vector<64x1xf32>
    %get3A_77 = arith.constant 0 : index
    %get3A_78 = arith.constant 0 : index
    %get3A_79 = vector.load %arg10[%get3A_77, %get3A_78] : memref<1x1xf32, #tpu.memory_space<vmem>>, vector<1x1xf32>
    %add3A_80 = vector.broadcast %get3A_79 : vector<1x1xf32> to vector<64x1xf32>
    %add3A_81 = arith.addf %dot_general3A_76, %add3A_80 : vector<64x1xf32>
    %swap3A_82 = arith.constant 0 : index
    %swap3A_83 = arith.constant 0 : index
    %swap3A_84 = vector.load %arg14[%swap3A_82, %swap3A_83] : memref<64x1xf32, #tpu.memory_space<vmem>>, vector<64x1xf32>
    tpu.vector_store %arg14[%swap3A_82, %swap3A_83], %add3A_81 {strides = array<i32>} : memref<64x1xf32, #tpu.memory_space<vmem>>, vector<64x1xf32>,
    return
  }
}

</mosaic_0001>

<sc_bundles>
// kernel: kernel.10.cloned.1.call-start
scs
__scs_entry_jumppad:
0x0: {  	(pc) =	sbr.rel $0x88, $3  }
0x1: {  	(tag) =	ssettag $0x0;
	lr =	simm.s32 $0x1  }
0x2: {  	[smem:$0x3F93] =	sst lr;
	_ =	strace $0xD0000000  }
0x3: {  	_ = 	snop  }
0x4: {  	_ = 	snop  }
0x5: {  	_ = 	snop  }
0x6: {  	_ = 	snop  }
0x7: {  	_ = 	snop  }
__scs_overlays_trampoline_lowered:
0x8: {  	[smem:$0x3FA2] =	sst s0  }
0x9: {  	[smem:$0x3FA3] =	sst s1  }
0xa: {  	[smem:$0x3FA4] =	sst s2  }
0xb: {  	[smem:$0x3FA5] =	sst s3  }
0xc: {  	[smem:$0x3FA6] =	sst s4  }
0xd: {  	[smem:$0x3FA7] =	sst s5  }
0xe: {  	[smem:$0x3FA8] =	sst s6  }
0xf: {  	[smem:$0x3FA9] =	sst s7  }
0x10: {  	[smem:$0x3FAA] =	sst s8  }
0x11: {  	[smem:$0x3FAB] =	sst s9;
	s0 =	simm.s32 @!p0 $0x0  }
0x12: {  	s1 =	sld [smem:$0x3F91];
	s0 =	simm.s32 @p0 $0x1  }
0x13: {  	[smem:$0x3FAC] =	sst s0;
	s0 =	simm.s32 @!p1 $0x0  }
0x14: {  	s2 =	sld [smem:$0x3F90];
	s0 =	simm.s32 @p1 $0x1  }
0x15: {  	[smem:$0x3FAD] =	sst s0;
	s0 =	simm.s32 @!p2 $0x0  }
0x16: {  	s3 =	sld [smem:$0x3FDB];
	s0 =	simm.s32 @p2 $0x1  }
0x17: {  	s4 =	simm.s32 $0x1BF5;
	[smem:$0x3FAF] =	sst s0  }
0x18: {  	s0 =	sld [smem:$0x3F92];
	_ =	swait.ge [sflag:s4], $0x0  }
0x19: {  	s7 =	sld [smem:$0x3F93]  }
0x1a: {  	s8 =	sadd.s32 $0xFFFFE003, lr  }
0x1b: {  	s9 =	sadd.s32 $0xFFFFFEF7, lr;
	s5 =	simm.s32 $0xFFFFFFFF;
	p2 =	slt.u32 s8, $0xFFFFF086  }
0x1c: {  	p1 =	slt.u32 s9, $0xF7A;
	s5 =	simm.s32 @!p2 $0x0  }
0x1d: {  	s5 =	simm.s32 @p1 $0x1;
	p0 =	seq.s32 s7, s2  }
0x1e: {  	s7 =	smul.u32 @!p0 $0xF7A, s2;
	p2 =	seq.s32 @!p0 s5, $0x0  }
0x1f: {  	s9 =	smul.u32 $0xF7A, s1;
	s8 =	simm.s32 @!p0 $0x1BF5;
	p2 =	por !p2, p0  }
0x20: {  	[sflag:s8] =	ssyncset.s32 @!p0 $0xFFFFF086;
	s6 =	sadd.s32 @!p0 s3, s7;
	s7 =	simm.s32 @!p0 $0x108  }
0x21: {  	s3 =	sadd.s32 s3, s9;
	s6 =	sadd.s32 @!p0 $0x88, s6;
	s7 =	simm.s32 @p2 $0x1082  }
0x22: {  	[simem:s7], [sflag:s8] =	dma.local @!p0 [hbm:s6], $0xF7A  }
0x23: {  	s9 =	sor.u32 $0xD0000000, s2;
	s6 =	simm.s32 $0x108;
	_ =	swait.ge @!p0 [sflag:s8], $0x0  }
0x24: {  	s3 =	sadd.s32 $0x88, s3;
	s6 =	simm.s32 @!p1 $0x1082;
	[sflag:s4] =	ssyncset.s32 $0xFFFFF086  }
0x25: {  	[simem:s6], [sflag:s4] =	dma.local [hbm:s3], $0xF7A  }
0x26: {  	[smem:$0x3F93] =	sst s1;
	(tag) =	ssettag s2;
	_ =	strace s9  }
0x27: {  	s1 =	sld [smem:$0x3FA3]  }
0x28: {  	s2 =	sld [smem:$0x3FA4]  }
0x29: {  	s4 =	sld [smem:$0x3FA6]  }
0x2a: {  	p0 =	seq.s32 s5, $0x0;
	s5 =	sld [smem:$0x3FA7]  }
0x2b: {  	s6 =	sld [smem:$0x3FA8]  }
0x2c: {  	s7 =	sld [smem:$0x3FA9]  }
0x2d: {  	s3 =	simm.s32 $0x108;
	s8 =	sld [smem:$0x3FAA]  }
0x2e: {  	s3 =	simm.s32 @!p0 $0x1082;
	s9 =	sld [smem:$0x3FAB]  }
0x2f: {  	lr =	sadd.s32 s0, s3;
	s0 =	sld [smem:$0x3FA2]  }
0x30: {  	s3 =	sld [smem:$0x3FA5]  }
0x31: {  	[smem:$0x3FAE] =	sst s10  }
0x32: {  	s10 =	sld [smem:$0x3FAC];
	_ =	sdelay $0x3  }
0x33: {  	p0 =	seq.s32 s10, $0x1;
	s10 =	sld [smem:$0x3FAE];
	_ =	sdelay $0x3  }
0x34: {  	[smem:$0x3FAE] =	sst s10  }
0x35: {  	s10 =	sld [smem:$0x3FAD];
	_ =	sdelay $0x3  }
0x36: {  	p1 =	seq.s32 s10, $0x1;
	s10 =	sld [smem:$0x3FAE];
	_ =	sdelay $0x3  }
0x37: {  	[smem:$0x3FAE] =	sst s10  }
0x38: {  	s10 =	sld [smem:$0x3FAF]  }
0x39: {  	_ = 	snop;
	(pc) =	sbr.ind lr, $3  }
0x3a: {  	_ = 	snop  }
0x3b: {  	_ = 	snop  }
0x3c: {  	p2 =	seq.s32 s10, $0x1;
	s10 =	sld [smem:$0x3FAE]  }
0x3d: {  	_ =	shalt  }
0x3e: {  	_ =	shalt  }
0x3f: {  	_ =	shalt  }
0x40: {  	_ =	shalt  }
0x41: {  	_ =	shalt  }
0x42: {  	_ =	shalt  }
0x43: {  	_ =	shalt  }
0x44: {  	_ =	shalt  }
0x45: {  	_ =	shalt  }
0x46: {  	_ =	shalt  }
0x47: {  	_ =	shalt  }
0x48: {  	_ =	shalt  }
0x49: {  	_ =	shalt  }
0x4a: {  	_ =	shalt  }
0x4b: {  	_ =	shalt  }
0x4c: {  	_ =	shalt  }
0x4d: {  	_ =	shalt  }
0x4e: {  	_ =	shalt  }
0x4f: {  	_ =	shalt  }
0x50: {  	_ =	shalt  }
0x51: {  	_ =	shalt  }
0x52: {  	_ =	shalt  }
0x53: {  	_ =	shalt  }
0x54: {  	_ =	shalt  }
0x55: {  	_ =	shalt  }
0x56: {  	_ =	shalt  }
0x57: {  	_ =	shalt  }
0x58: {  	_ =	shalt  }
0x59: {  	_ =	shalt  }
0x5a: {  	_ =	shalt  }
0x5b: {  	_ =	shalt  }
0x5c: {  	_ =	shalt  }
0x5d: {  	_ =	shalt  }
0x5e: {  	_ =	shalt  }
0x5f: {  	_ =	shalt  }
0x60: {  	_ =	shalt  }
0x61: {  	_ =	shalt  }
0x62: {  	_ =	shalt  }
0x63: {  	_ =	shalt  }
0x64: {  	_ =	shalt  }
0x65: {  	_ =	shalt  }
0x66: {  	_ =	shalt  }
0x67: {  	_ =	shalt  }
0x68: {  	_ =	shalt  }
0x69: {  	_ =	shalt  }
0x6a: {  	_ =	shalt  }
0x6b: {  	_ =	shalt  }
0x6c: {  	_ =	shalt  }
0x6d: {  	_ =	shalt  }
0x6e: {  	_ =	shalt  }
0x6f: {  	_ =	shalt  }
0x70: {  	_ =	shalt  }
0x71: {  	_ =	shalt  }
0x72: {  	_ =	shalt  }
0x73: {  	_ =	shalt  }
0x74: {  	_ =	shalt  }
0x75: {  	_ =	shalt  }
0x76: {  	_ =	shalt  }
0x77: {  	_ =	shalt  }
0x78: {  	_ =	shalt  }
0x79: {  	_ =	shalt  }
0x7a: {  	_ =	shalt  }
0x7b: {  	_ =	shalt  }
0x7c: {  	_ =	shalt  }
0x7d: {  	_ =	shalt  }
0x7e: {  	_ =	shalt  }
0x7f: {  	_ =	shalt  }
0x80: {  	_ =	shalt  }
0x81: {  	_ =	shalt  }
0x82: {  	_ =	shalt  }
0x83: {  	_ =	shalt  }
0x84: {  	_ =	shalt  }
0x85: {  	_ =	shalt  }
0x86: {  	_ =	shalt  }
0x87: {  	_ =	shalt  }
.Lfunc_end0:
.L_simem_size_0:
called_computation_lowered:
.L_overlay_start_0:
0x88: {  	s2 =	sld [smem:$0x3FD9]  }
0x89: {  	s3 =	sld [smem:$0x3FFE];
	_ =	sdelay $0x1  }
0x8a: {  	s1 =	srdreg.scid  }
0x8b: {  	s0 =	sand.u32 $0x1, s1  }
0x8c: {  	s16 =	sshll.u32 s0, $0xA;
	s2 =	sadd.s32 s3, s2  }
0x8d: {  	s2 =	sadd.s32 s2, s16  }
0x8e: {  	[smem:$0x3FBA] =	sst s2  }
0x8f: {  	_ = 	snop  }
0x90: {  	(tm) =	ssettm $0x1  }
0x91: {  	s17 =	sld [smem:$0x3FFB];
	_ =	sdelay $0x3  }
0x92: {  	_ =	strace s17  }
0x93: {  	s2 =	sld [smem:$0x3FFC];
	_ =	sdelay $0x3  }
0x94: {  	_ =	strace s2  }
0x95: {  	s2 =	sld [smem:$0x3FFD];
	_ =	sdelay $0x3  }
0x96: {  	_ =	strace s2  }
0x97: {  	_ =	strace $0x8FFFFFFF  }
0x98: {  	s18 =	sld [smem:$0x3FDB];
	_ =	sdelay $0x1  }
0x99: {  	s19 =	simm.s32 $_scs_section_size  }
0x9a: {  	s4 =	simm.s32 $_size__tile_overlayer_lowered;
	s5 =	simm.s32 $_tile_overlayer_lowered  }
0x9b: {  	s22 =	simm.s32 $0x1BFF;
	s21 =	sshll.u32 s5, $0x1;
	s2 =	sadd.s32 s19, s18  }
0x9c: {  	s6 =	simm.s32 $0x0;
	s20 =	sshll.u32 s4, $0x1;
	s4 =	sadd.s32 s21, s2  }
0x9d: {  	[timem:s6], [sflag:s22] =	dma.local [hbm:s4], s20  }
0x9e: {  	_ =	swait.ge [sflag:s22], s20  }
0x9f: {  	s3 =	ssub.s32 $0x0, s20;
	[sflag:s22] =	ssyncset.done $0x0  }
0xa0: {  	[sflag:s22] =	ssyncadd.s32 s3;
	_ =	sdelay $0x1  }
0xa1: {  	s23 =	simm.s32 $0x1B8B  }
0xa2: {  	_ =	swait.ge [sflag:s23], $0x1  }
0xa3: {  	[sflag:s23] =	ssyncset.done $0x0  }
0xa4: {  	s25 =	simm.s32 $0x1B8E;
	s24 =	sld [smem:$0x3FFE];
	[sflag:s23] =	ssyncadd.s32 $0xFFFFFFFF  }
0xa5: {  	s26 =	simm.s32 $execute0_lowered;
	[smem:$0x3FD2] =	sst s25  }
0xa6: {  	s4 =	sshll.u32 s26, $0x1;
	_ =	strace $0x80000046;
	[dreg:$0x1] =	wrdreg $0xFFFFFFFF  }
0xa7: {  	s28 =	simm.s32 $_size_execute0_lowered;
	s2 =	sadd.s32 s2, s4;
	[dreg:$0x0] =	wrdreg $0x0  }
0xa8: {  	s4 =	sshll.u32 s28, $0x1;
	[dreg:$0x2] =	wrdreg s2  }
0xa9: {  	[dreg:$0x3] =	wrdreg s4  }
0xaa: {  	[dreg:$0x4] =	wrdreg $0xC0  }
0xab: {  	_ =	task [dreg:s6], $0x5FFFF  }
0xac: {  	[dreg:$0x1] =	wrdreg $0xFFFFFFFF  }
0xad: {  	[dreg:$0x0] =	wrdreg $0x60  }
0xae: {  	[dreg:$0x2] =	wrdreg s24  }
0xaf: {  	[dreg:$0x3] =	wrdreg $0x9  }
0xb0: {  	_ =	task.clear_ibuf [dreg:s6], $0x4FFFF;
	_ =	strace $0x90000046  }
0xb1: {  	s29 =	simm.s32 $0x9;
	_ =	strace $0x80000048  }
0xb2: {  	_ =	swait.ge [sflag:s29], $0x1  }
0xb3: {  	[sflag:s29] =	ssyncadd.s32 $0xFFFFFFFF  }
0xb4: {  	_ =	strace $0x90000048  }
0xb5: {  	_ =	sfence  }
0xb6: {  	s30 =	sld [smem:$0x0];
	_ =	sdelay $0x2  }
0xb7: {  	s31 =	sshll.u32 s1, $0xD;
	s1 =	sshrl.u32 s1, $0x2  }
0xb8: {  	s3 =	sand.u32 $0x4000, s31;
	s1 =	sadd.s32 s1, s30  }
0xb9: {  	s0 =	sor.u32 s3, s0;
	s1 =	sshll.u32 s1, $0x11  }
0xba: {  	s0 =	sor.u32 s1, s0  }
0xbb: {  	s0 =	sadd.s32 $0x8F2B, s0  }
0xbc: {  	[sflag:s0] =	ssyncadd.remote.s32 $0x1  }
0xbd: {  	_ =	sfence.sel $0xFFFF  }
0xbe: {  	[dreg:$0x0] =	wrdreg $0xFFFFFFFF;
	(pc) =	sbr.abs _section_cstart, $3  }
0xbf: {  	[dreg:$0x1] =	wrdreg $0xFFFFFFFF  }
0xc0: {  	_ =	task.clear_ibuf [dreg:s6], $0x2FFFF;
	_ =	strace $0x9FFFFFFF  }
0xc1: {  	(tm) =	ssettm $0x7FFFFFFF  }
tec
execute0_lowered:
.L_overlay_start_1:
0x0: {  	(tag) =	ssettag $0x1  }
0x1: {  	s0 =	srdreg.scid  }
0x2: {  	s3 =	sand.u32 $0x1, s0  }
0x3: {  	s4 =	rddreg [dreg:$0x0];
	s0 =	stileid.u32;
	s1 =	sshll.u32 s3, $0x4  }
0x4: {  	s2 =	simm.s32 $0x0;
	s8 =	simm.s32 $0x80;
	s5 =	sor.u32 s0, s1  }
0x5: {  	s9 =	simm.s32 $0x400;
	[smem:$0x7FF] =	sst s2;
	s6 =	sshrl.u32 s5, $0x3  }
0x6: {  	s7 =	sshll.u32 s0, $0x7;
	s3 =	ssub.s32 $0x2, s3;
	s6 =	smul.u32 $0x13C00, s6  }
0x7: {  	s1 =	rddreg [dreg:$0x1];
	s7 =	sand.u32 $0x380, s7;
	s5 =	smul.u32 $0x4E2, s5  }
0x8: {  	_ =	strace $0x80000047;
	s30 =	sshrl.u32 s3, $0x1;
	s6 =	sor.u32 s7, s6  }
0x9: {  	s31 =	ssub.s32 s3, s30;
	s5 =	sadd.s32 s5, s4;
	s6 =	sshrl.u32 s6, $0x3  }
0xa: {  	s3 =	sadd.s32 $0x2BA00, s5;
	s5 =	smax.u32 s31, $0x1;
	s4 =	sadd.s32 s6, s4  }
0xb: {  	v0 =	vimm.f32 $0.0e+00;
	v1 =	vimm.f32 $1.000000000e+00;
	s7 =	simm.s32 $0x2780;
	s6 =	simm.s32 $0x1;
	s4 =	sadd.s32 $0x3F600, s4  }
.LBB2_1:
0xc: {  	s10 =	simm.s32 $0x40;
	s11 =	simm.s32 $0x0  }
.LBB2_2:
0xd: {  	p0 =	sne.s32 s10, $0x9DC0;
	[tilespmem:s11+$0x2780] =	vst v0;
	s11 =	smov.u32 s10;
	s10 =	sadd.s32 $0x40, s10  }
.Ltmp0:
0xe: {  	(pc) =	sbr.rel @p0 .LBB2_2-.Ltmp0, $2  }
0xf: {  	_ =	sdelay $0x2  }
0x10: {  	s11 =	sshra.s32 s11, $0x2  }
0x11: {  	[tilespmem:s11+$0x2780] =	vst v0;
	s10 =	simm.s32 $0x0  }
0x12: {  	[tilespmem:s10], [sflag:$0x1] =	stream.linear.gather [hbm4b:s3+s10], $0x2710, $0x38;
	[tilespmem:$0x4F00] =	vst v63  }
0x13: {  	_ =	swait.ge [sflag:s6], $0x2710  }
0x14: {  	[sflag:s6] =	ssyncset.done $0x0  }
0x15: {  	s11 =	simm.s32 $0x0;
	s10 =	simm.s32 $0x40;
	[sflag:s6] =	ssyncadd.s32 $0xFFFFD8F0  }
.LBB2_4:
0x16: {  	p0 =	sne.s32 s10, $0x9C00;
	v2 =	vld [tilespmem:s11+$0x0];
	_ =	sdelay $0x3  }
.Ltmp1:
0x17: {  	(pc) =	sbr.rel @p0 .LBB2_4-.Ltmp1, $2  }
0x18: {  	_ =	sdelay $0x2  }
0x19: {  	s11 =	sshra.s32 s10, $0x2;
	s10 =	sadd.s32 $0x40, s10;
	[tilespmem:v2+s7+$0x0] =	vst.idx.add.f32.msk $0xffff, v1  }
0x1a: {  	v2 =	vld [tilespmem:s11+$0x0];
	_ =	sdelay $0x5  }
0x1b: {  	s2 =	sadd.s32 $0x1, s2  }
0x1c: {  	p0 =	sne.s32 s2, s5  }
.Ltmp2:
0x1d: {  	[tilespmem:v2+s7+$0x0] =	vst.idx.add.f32.msk $0xffff, v1;
	(pc) =	sbr.rel @p0 .LBB2_1-.Ltmp2, $4  }
0x1e: {  	[hbm4b:s4+s8] =	stream.strided.scatter [tilespmem:s7], [sflag:$0x1], $0x2780, s9, s8, $0x38;
	[tilespmem:$0x4F00] =	vst v63  }
0x1f: {  	_ =	swait.ge [sflag:s6], $0x2780  }
0x20: {  	[sflag:s6] =	ssyncset.done $0x0  }
0x21: {  	[sflag:s6] =	ssyncadd.s32 $0xFFFFD880  }
0x22: {  	_ =	sfence.sel $0x180000  }
0x23: {  	[bflag:$0x0] =	sbarrier.arrive $0xFFFF  }
0x24: {  	p0 =	sne.s32 s0, $0x0;
	_ =	strace $0x90000047  }
0x25: {  	s0 =	sadd.s32 @!p0 $0x100000, s1;
	[bflag:$0x2] =	sbarrier.arrive $0xFFFF  }
0x26: {  	[sflag:s0] =	ssyncadd.tile.s32 @!p0 $0x1;
	_ =	shalt  }
.Lfunc_end2:
_tile_overlayer_lowered:
.L_overlay_start_2:
0x27: {  	(tag) =	ssettag $0x2  }
0x28: {  	s0 =	rddreg [dreg:$0x0];
	s2 =	stileid.u32  }
0x29: {  	s1 =	rddreg [dreg:$0x1];
	p0 =	sne.s32 s2, $0x0  }
0x2a: {  	s3 =	rddreg [dreg:$0x2];
	[bflag:$0x3] =	sbarrier.arrive $0xFFFF;
	s2 =	simm.s32 @!p0 $0x1C01  }
0x2b: {  	[timem:s3], [sflag:s2] =	dma.local @!p0 [hbm:s0], s1  }
0x2c: {  	s0 =	simm.s32 @!p0 $0x1  }
0x2d: {  	_ =	swait.ge @!p0 [sflag:s0], s1  }
0x2e: {  	s1 =	ssub.s32 @!p0 $0x0, s1;
	[sflag:s0] =	ssyncset.done @!p0 $0x0  }
0x2f: {  	[sflag:s0] =	ssyncadd.s32 @!p0 s1  }
0x30: {  	[bflag:$0x3] =	sbarrier.arrive $0xFFFF  }
0x31: {  	_ =	shalt  }

// kernel: kernel.13.cloned.1.call-start
scs
__scs_entry_jumppad:
0x0: {  	(pc) =	sbr.rel $0x88, $3  }
0x1: {  	(tag) =	ssettag $0x0;
	lr =	simm.s32 $0x1  }
0x2: {  	[smem:$0x3F93] =	sst lr;
	_ =	strace $0xD0000000  }
0x3: {  	_ = 	snop  }
0x4: {  	_ = 	snop  }
0x5: {  	_ = 	snop  }
0x6: {  	_ = 	snop  }
0x7: {  	_ = 	snop  }
__scs_overlays_trampoline_lowered:
0x8: {  	[smem:$0x3FA2] =	sst s0  }
0x9: {  	[smem:$0x3FA3] =	sst s1  }
0xa: {  	[smem:$0x3FA4] =	sst s2  }
0xb: {  	[smem:$0x3FA5] =	sst s3  }
0xc: {  	[smem:$0x3FA6] =	sst s4  }
0xd: {  	[smem:$0x3FA7] =	sst s5  }
0xe: {  	[smem:$0x3FA8] =	sst s6  }
0xf: {  	[smem:$0x3FA9] =	sst s7  }
0x10: {  	[smem:$0x3FAA] =	sst s8  }
0x11: {  	[smem:$0x3FAB] =	sst s9;
	s0 =	simm.s32 @!p0 $0x0  }
0x12: {  	s1 =	sld [smem:$0x3F91];
	s0 =	simm.s32 @p0 $0x1  }
0x13: {  	[smem:$0x3FAC] =	sst s0;
	s0 =	simm.s32 @!p1 $0x0  }
0x14: {  	s2 =	sld [smem:$0x3F90];
	s0 =	simm.s32 @p1 $0x1  }
0x15: {  	[smem:$0x3FAD] =	sst s0;
	s0 =	simm.s32 @!p2 $0x0  }
0x16: {  	s3 =	sld [smem:$0x3FDB];
	s0 =	simm.s32 @p2 $0x1  }
0x17: {  	s4 =	simm.s32 $0x1BF5;
	[smem:$0x3FAF] =	sst s0  }
0x18: {  	s0 =	sld [smem:$0x3F92];
	_ =	swait.ge [sflag:s4], $0x0  }
0x19: {  	s7 =	sld [smem:$0x3F93]  }
0x1a: {  	s8 =	sadd.s32 $0xFFFFE003, lr  }
0x1b: {  	s9 =	sadd.s32 $0xFFFFFEF7, lr;
	s5 =	simm.s32 $0xFFFFFFFF;
	p2 =	slt.u32 s8, $0xFFFFF086  }
0x1c: {  	p1 =	slt.u32 s9, $0xF7A;
	s5 =	simm.s32 @!p2 $0x0  }
0x1d: {  	s5 =	simm.s32 @p1 $0x1;
	p0 =	seq.s32 s7, s2  }
0x1e: {  	s7 =	smul.u32 @!p0 $0xF7A, s2;
	p2 =	seq.s32 @!p0 s5, $0x0  }
0x1f: {  	s9 =	smul.u32 $0xF7A, s1;
	s8 =	simm.s32 @!p0 $0x1BF5;
	p2 =	por !p2, p0  }
0x20: {  	[sflag:s8] =	ssyncset.s32 @!p0 $0xFFFFF086;
	s6 =	sadd.s32 @!p0 s3, s7;
	s7 =	simm.s32 @!p0 $0x108  }
0x21: {  	s3 =	sadd.s32 s3, s9;
	s6 =	sadd.s32 @!p0 $0x88, s6;
	s7 =	simm.s32 @p2 $0x1082  }
0x22: {  	[simem:s7], [sflag:s8] =	dma.local @!p0 [hbm:s6], $0xF7A  }
0x23: {  	s9 =	sor.u32 $0xD0000000, s2;
	s6 =	simm.s32 $0x108;
	_ =	swait.ge @!p0 [sflag:s8], $0x0  }
0x24: {  	s3 =	sadd.s32 $0x88, s3;
	s6 =	simm.s32 @!p1 $0x1082;
	[sflag:s4] =	ssyncset.s32 $0xFFFFF086  }
0x25: {  	[simem:s6], [sflag:s4] =	dma.local [hbm:s3], $0xF7A  }
0x26: {  	[smem:$0x3F93] =	sst s1;
	(tag) =	ssettag s2;
	_ =	strace s9  }
0x27: {  	s1 =	sld [smem:$0x3FA3]  }
0x28: {  	s2 =	sld [smem:$0x3FA4]  }
0x29: {  	s4 =	sld [smem:$0x3FA6]  }
0x2a: {  	p0 =	seq.s32 s5, $0x0;
	s5 =	sld [smem:$0x3FA7]  }
0x2b: {  	s6 =	sld [smem:$0x3FA8]  }
0x2c: {  	s7 =	sld [smem:$0x3FA9]  }
0x2d: {  	s3 =	simm.s32 $0x108;
	s8 =	sld [smem:$0x3FAA]  }
0x2e: {  	s3 =	simm.s32 @!p0 $0x1082;
	s9 =	sld [smem:$0x3FAB]  }
0x2f: {  	lr =	sadd.s32 s0, s3;
	s0 =	sld [smem:$0x3FA2]  }
0x30: {  	s3 =	sld [smem:$0x3FA5]  }
0x31: {  	[smem:$0x3FAE] =	sst s10  }
0x32: {  	s10 =	sld [smem:$0x3FAC];
	_ =	sdelay $0x3  }
0x33: {  	p0 =	seq.s32 s10, $0x1;
	s10 =	sld [smem:$0x3FAE];
	_ =	sdelay $0x3  }
0x34: {  	[smem:$0x3FAE] =	sst s10  }
0x35: {  	s10 =	sld [smem:$0x3FAD];
	_ =	sdelay $0x3  }
0x36: {  	p1 =	seq.s32 s10, $0x1;
	s10 =	sld [smem:$0x3FAE];
	_ =	sdelay $0x3  }
0x37: {  	[smem:$0x3FAE] =	sst s10  }
0x38: {  	s10 =	sld [smem:$0x3FAF]  }
0x39: {  	_ = 	snop;
	(pc) =	sbr.ind lr, $3  }
0x3a: {  	_ = 	snop  }
0x3b: {  	_ = 	snop  }
0x3c: {  	p2 =	seq.s32 s10, $0x1;
	s10 =	sld [smem:$0x3FAE]  }
0x3d: {  	_ =	shalt  }
0x3e: {  	_ =	shalt  }
0x3f: {  	_ =	shalt  }
0x40: {  	_ =	shalt  }
0x41: {  	_ =	shalt  }
0x42: {  	_ =	shalt  }
0x43: {  	_ =	shalt  }
0x44: {  	_ =	shalt  }
0x45: {  	_ =	shalt  }
0x46: {  	_ =	shalt  }
0x47: {  	_ =	shalt  }
0x48: {  	_ =	shalt  }
0x49: {  	_ =	shalt  }
0x4a: {  	_ =	shalt  }
0x4b: {  	_ =	shalt  }
0x4c: {  	_ =	shalt  }
0x4d: {  	_ =	shalt  }
0x4e: {  	_ =	shalt  }
0x4f: {  	_ =	shalt  }
0x50: {  	_ =	shalt  }
0x51: {  	_ =	shalt  }
0x52: {  	_ =	shalt  }
0x53: {  	_ =	shalt  }
0x54: {  	_ =	shalt  }
0x55: {  	_ =	shalt  }
0x56: {  	_ =	shalt  }
0x57: {  	_ =	shalt  }
0x58: {  	_ =	shalt  }
0x59: {  	_ =	shalt  }
0x5a: {  	_ =	shalt  }
0x5b: {  	_ =	shalt  }
0x5c: {  	_ =	shalt  }
0x5d: {  	_ =	shalt  }
0x5e: {  	_ =	shalt  }
0x5f: {  	_ =	shalt  }
0x60: {  	_ =	shalt  }
0x61: {  	_ =	shalt  }
0x62: {  	_ =	shalt  }
0x63: {  	_ =	shalt  }
0x64: {  	_ =	shalt  }
0x65: {  	_ =	shalt  }
0x66: {  	_ =	shalt  }
0x67: {  	_ =	shalt  }
0x68: {  	_ =	shalt  }
0x69: {  	_ =	shalt  }
0x6a: {  	_ =	shalt  }
0x6b: {  	_ =	shalt  }
0x6c: {  	_ =	shalt  }
0x6d: {  	_ =	shalt  }
0x6e: {  	_ =	shalt  }
0x6f: {  	_ =	shalt  }
0x70: {  	_ =	shalt  }
0x71: {  	_ =	shalt  }
0x72: {  	_ =	shalt  }
0x73: {  	_ =	shalt  }
0x74: {  	_ =	shalt  }
0x75: {  	_ =	shalt  }
0x76: {  	_ =	shalt  }
0x77: {  	_ =	shalt  }
0x78: {  	_ =	shalt  }
0x79: {  	_ =	shalt  }
0x7a: {  	_ =	shalt  }
0x7b: {  	_ =	shalt  }
0x7c: {  	_ =	shalt  }
0x7d: {  	_ =	shalt  }
0x7e: {  	_ =	shalt  }
0x7f: {  	_ =	shalt  }
0x80: {  	_ =	shalt  }
0x81: {  	_ =	shalt  }
0x82: {  	_ =	shalt  }
0x83: {  	_ =	shalt  }
0x84: {  	_ =	shalt  }
0x85: {  	_ =	shalt  }
0x86: {  	_ =	shalt  }
0x87: {  	_ =	shalt  }
.Lfunc_end0:
.L_simem_size_0:
called_computation.1_lowered:
.L_overlay_start_0:
0x88: {  	s2 =	sld [smem:$0x3FD9]  }
0x89: {  	s3 =	sld [smem:$0x3FFE];
	_ =	sdelay $0x1  }
0x8a: {  	s1 =	srdreg.scid  }
0x8b: {  	s0 =	sand.u32 $0x1, s1  }
0x8c: {  	s16 =	sshll.u32 s0, $0xA;
	s2 =	sadd.s32 s3, s2  }
0x8d: {  	s2 =	sadd.s32 s2, s16  }
0x8e: {  	[smem:$0x3FBA] =	sst s2  }
0x8f: {  	_ = 	snop  }
0x90: {  	(tm) =	ssettm $0x1  }
0x91: {  	s17 =	sld [smem:$0x3FFB];
	_ =	sdelay $0x3  }
0x92: {  	_ =	strace s17  }
0x93: {  	s2 =	sld [smem:$0x3FFC];
	_ =	sdelay $0x3  }
0x94: {  	_ =	strace s2  }
0x95: {  	s2 =	sld [smem:$0x3FFD];
	_ =	sdelay $0x3  }
0x96: {  	_ =	strace s2  }
0x97: {  	_ =	strace $0x8FFFFFFF  }
0x98: {  	s18 =	sld [smem:$0x3FDB];
	_ =	sdelay $0x1  }
0x99: {  	s19 =	simm.s32 $_scs_section_size  }
0x9a: {  	s4 =	simm.s32 $_size__tile_overlayer_lowered;
	s5 =	simm.s32 $_tile_overlayer_lowered  }
0x9b: {  	s22 =	simm.s32 $0x1BFF;
	s21 =	sshll.u32 s5, $0x1;
	s2 =	sadd.s32 s19, s18  }
0x9c: {  	s6 =	simm.s32 $0x0;
	s20 =	sshll.u32 s4, $0x1;
	s4 =	sadd.s32 s21, s2  }
0x9d: {  	[timem:s6], [sflag:s22] =	dma.local [hbm:s4], s20  }
0x9e: {  	_ =	swait.ge [sflag:s22], s20  }
0x9f: {  	s3 =	ssub.s32 $0x0, s20;
	[sflag:s22] =	ssyncset.done $0x0  }
0xa0: {  	[sflag:s22] =	ssyncadd.s32 s3;
	_ =	sdelay $0x1  }
0xa1: {  	s23 =	simm.s32 $0x1B8B  }
0xa2: {  	_ =	swait.ge [sflag:s23], $0x1  }
0xa3: {  	[sflag:s23] =	ssyncset.done $0x0  }
0xa4: {  	s25 =	simm.s32 $0x1B8E;
	s24 =	sld [smem:$0x3FFE];
	[sflag:s23] =	ssyncadd.s32 $0xFFFFFFFF  }
0xa5: {  	s26 =	simm.s32 $execute0_lowered;
	[smem:$0x3FD2] =	sst s25  }
0xa6: {  	s4 =	sshll.u32 s26, $0x1;
	_ =	strace $0x80000049;
	[dreg:$0x1] =	wrdreg $0xFFFFFFFF  }
0xa7: {  	s28 =	simm.s32 $_size_execute0_lowered;
	s2 =	sadd.s32 s2, s4;
	[dreg:$0x0] =	wrdreg $0x0  }
0xa8: {  	s4 =	sshll.u32 s28, $0x1;
	[dreg:$0x2] =	wrdreg s2  }
0xa9: {  	[dreg:$0x3] =	wrdreg s4  }
0xaa: {  	[dreg:$0x4] =	wrdreg $0xC0  }
0xab: {  	_ =	task [dreg:s6], $0x5FFFF  }
0xac: {  	[dreg:$0x1] =	wrdreg $0xFFFFFFFF  }
0xad: {  	[dreg:$0x0] =	wrdreg $0x60  }
0xae: {  	[dreg:$0x2] =	wrdreg s24  }
0xaf: {  	[dreg:$0x3] =	wrdreg $0x82000  }
0xb0: {  	[dreg:$0x4] =	wrdreg $0x9  }
0xb1: {  	_ =	task.clear_ibuf [dreg:s6], $0x5FFFF;
	_ =	strace $0x90000049  }
0xb2: {  	s29 =	simm.s32 $0x9;
	_ =	strace $0x8000004B  }
0xb3: {  	_ =	swait.ge [sflag:s29], $0x1  }
0xb4: {  	[sflag:s29] =	ssyncadd.s32 $0xFFFFFFFF  }
0xb5: {  	_ =	strace $0x9000004B  }
0xb6: {  	_ =	sfence  }
0xb7: {  	s30 =	sld [smem:$0x0];
	_ =	sdelay $0x2  }
0xb8: {  	s31 =	sshll.u32 s1, $0xD;
	s1 =	sshrl.u32 s1, $0x2  }
0xb9: {  	s3 =	sand.u32 $0x4000, s31;
	s1 =	sadd.s32 s1, s30  }
0xba: {  	s0 =	sor.u32 s3, s0;
	s1 =	sshll.u32 s1, $0x11  }
0xbb: {  	s0 =	sor.u32 s1, s0  }
0xbc: {  	s0 =	sadd.s32 $0x8F2B, s0  }
0xbd: {  	[sflag:s0] =	ssyncadd.remote.s32 $0x1  }
0xbe: {  	_ =	sfence.sel $0xFFFF  }
0xbf: {  	[dreg:$0x0] =	wrdreg $0xFFFFFFFF;
	(pc) =	sbr.abs _section_cstart, $3  }
0xc0: {  	[dreg:$0x1] =	wrdreg $0xFFFFFFFF  }
0xc1: {  	_ =	task.clear_ibuf [dreg:s6], $0x2FFFF;
	_ =	strace $0x9FFFFFFF  }
0xc2: {  	(tm) =	ssettm $0x7FFFFFFF  }
0xc3: {  	_ =	shalt  }
tec
execute0_lowered:
.L_overlay_start_1:
0x0: {  	(tag) =	ssettag $0x1  }
0x1: {  	s0 =	rddreg [dreg:$0x0]  }
0x2: {  	s2 =	rddreg [dreg:$0x1];
	s3 =	simm.s32 $0x0  }
0x3: {  	s14 =	stileid.u32;
	s4 =	srdreg.scid;
	s28 =	simm.s32 $0x2  }
0x4: {  	s29 =	simm.s32 $0x6;
	s30 =	simm.s32 $0x4;
	s31 =	simm.s32 $0x3  }
0x5: {  	[smem:$0x7FF] =	sst s3;
	s1 =	smul.u32 $0x13C00, s14;
	s5 =	sand.u32 $0x1, s4  }
0x6: {  	s4 =	sadd.s32 $0x3F600, s0;
	s9 =	sadd.s32 $0x35800, s0;
	s10 =	sadd.s32 $0x2BA00, s0  }
0x7: {  	s8 =	smul.u32 $0x4F000, s14;
	s17 =	sshll.u32 s14, $0x6;
	_ =	strace $0x8000004A  }
0x8: {  	s7 =	smul.u32 $0x13C000, s5;
	s13 =	sshll.u32 s5, $0x4;
	s11 =	ssub.s32 $0x2, s5  }
0x9: {  	s5 =	smul.u32 $0x27100, s5;
	s6 =	sshrl.u32 s1, $0x3;
	s12 =	sshrl.u32 s11, $0x1  }
0xa: {  	s8 =	sshrl.u32 s8, $0x2;
	s6 =	sadd.s32 s6, s0;
	s1 =	sadd.s32 s1, s7  }
0xb: {  	s7 =	sor.u32 s14, s13;
	s15 =	ssub.s32 s11, s12;
	s16 =	sadd.s32 s8, s2  }
0xc: {  	s14 =	smul.u32 $0x2710, s14;
	s1 =	sshrl.u32 s1, $0x3;
	s6 =	sadd.s32 $0x4200, s6  }
0xd: {  	s7 =	smul.u32 $0x2710, s7;
	s0 =	sadd.s32 s1, s0;
	[dreg:$0x3] =	wrdreg s6  }
0xe: {  	s6 =	sor.u32 $0x1C08, s17;
	s23 =	sadd.s32 s14, s5;
	s1 =	smax.u32 s15, $0x1  }
0xf: {  	s7 =	sshrl.u32 s7, $0x3;
	s0 =	sadd.s32 $0x66800, s0;
	[dreg:$0x9] =	wrdreg s1  }
0x10: {  	s24 =	sadd.s32 $0x180, s23;
	s18 =	sadd.s32 s10, s7;
	s19 =	sadd.s32 $0x10, s7  }
0x11: {  	s13 =	sadd.s32 $0x4E0, s7;
	s7 =	sadd.s32 s9, s7;
	[dreg:$0x8] =	wrdreg s0  }
0x12: {  	s0 =	sadd.s32 $0x100, s23;
	s1 =	sshrl.u32 s24, $0x3;
	s23 =	simm.s32 $0x7  }
0x13: {  	s24 =	simm.s32 $0x4200;
	[dreg:$0x4] =	wrdreg s18;
	s20 =	sadd.s32 s9, s19  }
0x14: {  	s21 =	sadd.s32 s9, s13;
	s22 =	sadd.s32 s10, s13;
	[dreg:$0x5] =	wrdreg s20  }
0x15: {  	s25 =	sadd.s32 s10, s19;
	s0 =	sshrl.u32 s0, $0x3;
	[dreg:$0x6] =	wrdreg s21  }
0x16: {  	s15 =	smov.u32 s7;
	s26 =	sadd.s32 $0x20, s7;
	[dreg:$0x7] =	wrdreg s22  }
0x17: {  	s7 =	sadd.s32 s1, s9;
	s18 =	sshrl.u32 s16, $0x3;
	[dreg:$0xa] =	wrdreg s25  }
0x18: {  	v0 =	vimm.s32 $0x2711;
	s19 =	simm.s32 $0x8;
	s1 =	simm.s32 $0x0;
	[dreg:$0xb] =	wrdreg s26  }
0x19: {  	v1 =	vimm.s32 $0x2712;
	v2 =	vimm.s32 $0x2713;
	v3 =	vimm.s32 $0x2714;
	s17 =	sadd.s32 s0, s10;
	s20 =	simm.s32 $0x100;
	s21 =	simm.s32 $0x80  }
0x1a: {  	v4 =	vimm.s32 $0x2715;
	v5 =	vimm.s32 $0x2716;
	v6 =	vimm.s32 $0x2717;
	s22 =	simm.s32 $0x200;
	s25 =	simm.s32 $0x180;
	s26 =	simm.s32 $0x1  }
.LBB2_1:
0x1b: {  	s0 =	rddreg [dreg:$0x3]  }
0x1c: {  	[spmem:s18], [sflag:s6] =	dma.local [hbm:s0], $0x2780  }
0x1d: {  	_ =	swait.ge [sflag:s19], $0x2780  }
0x1e: {  	[sflag:s19] =	ssyncset.done $0x0  }
0x1f: {  	s9 =	rddreg [dreg:$0x4];
	[sflag:s19] =	ssyncadd.s32 $0xFFFFD880  }
0x20: {  	[tilespmem:s20], [sflag:$0x8] =	stream.linear.gather [hbm4b:s9+s3], $0x80, $0x38;
	[tilespmem:$0x1BE00] =	vst v63  }
0x21: {  	_ =	swait.ge [sflag:s19], $0x80  }
0x22: {  	[sflag:s19] =	ssyncset.done $0x0  }
0x23: {  	[sflag:s19] =	ssyncadd.s32 $0xFFFFFF80  }
0x24: {  	[tilespmem:s3], [sflag:$0x8] =	stream.linear.gather [hbm4b:s15+s3], $0x80, $0x38;
	[tilespmem:$0x1BE00] =	vst v63  }
0x25: {  	_ =	swait.ge [sflag:s19], $0x80  }
0x26: {  	[sflag:s19] =	ssyncset.done $0x0  }
0x27: {  	s10 =	rddreg [dreg:$0x5];
	[sflag:s19] =	ssyncadd.s32 $0xFFFFFF80  }
0x28: {  	[tilespmem:s21], [sflag:$0x7] =	stream.linear.gather [hbm4b:s10+s3], $0x80, $0x38;
	[tilespmem:$0x1BE00] =	vst v63  }
0x29: {  	_ = 	snop  }
0x2a: {  	[tilespmem:s22], [sflag:$0x1] =	stream.indirect.gather [hbm4b:s4+s21], $0x80, s3, s21, $0xb8;
	[tilespmem:$0x1BE00] =	vst v63  }
0x2b: {  	[bflag:$0x0] =	sbarrier.arrive $0xFFFF  }
0x2c: {  	_ =	swait.ge [sflag:s23], $0x80  }
0x2d: {  	[sflag:s23] =	ssyncset.done $0x0  }
0x2e: {  	[sflag:s23] =	ssyncadd.s32 $0xFFFFFF80  }
0x2f: {  	[tilespmem:s24], [sflag:$0x2] =	stream.indirect.gather [hbm4b:s4+s21], $0x80, s21, s21, $0xb8;
	[tilespmem:$0x1BE00] =	vst v63  }
0x30: {  	s11 =	rddreg [dreg:$0xa]  }
0x31: {  	[tilespmem:s25], [sflag:$0x6] =	stream.linear.gather [hbm4b:s11+s3], $0x80, $0x38;
	[tilespmem:$0x1BE00] =	vst v63  }
0x32: {  	_ =	swait.ge [sflag:s26], $0x4000  }
0x33: {  	[sflag:s26] =	ssyncset.done $0x0  }
0x34: {  	s12 =	rddreg [dreg:$0xb];
	[sflag:s26] =	ssyncadd.s32 $0xFFFFC000  }
0x35: {  	[tilespmem:s3], [sflag:$0x7] =	stream.linear.gather [hbm4b:s12+s3], $0x80, $0x38;
	[tilespmem:$0x1BE00] =	vst v63  }
0x36: {  	_ = 	snop  }
0x37: {  	[spmem:s2] =	stream.indirect.scatter.add.f32 [tilespmem:s22], [sflag:$0x3], $0x80, s20, s21, $0xb8;
	[tilespmem:$0x1BE00] =	vst v63  }
0x38: {  	s13 =	sand.u32 $0x1, s28;
	_ =	swait.ge [sflag:s23], $0x80  }
0x39: {  	p0 =	por $0x0, $0x0;
	s5 =	sadd.s32 $0x3, s13;
	[sflag:s23] =	ssyncset.done $0x0  }
0x3a: {  	s0 =	sadd.s32 $0x5, s13;
	s10 =	simm.s32 $0x1;
	[sflag:s23] =	ssyncadd.s32 $0xFFFFFF80  }
0x3b: {  	s9 =	sshll.u32 s13, $0xE;
	s10 =	sand.u32 $0x1, s10;
	_ =	swait.ge [sflag:s5], $0x4000  }
0x3c: {  	s14 =	sor.u32 $0x200, s9;
	s8 =	sshll.u32 s10, $0xE;
	[sflag:s5] =	ssyncset.done $0x0  }
0x3d: {  	s11 =	sadd.s32 $0x1, s13;
	s12 =	sshll.u32 s13, $0x7;
	[sflag:s5] =	ssyncadd.s32 $0xFFFFC000  }
0x3e: {  	[tilespmem:s14], [sflag:s11] =	stream.indirect.gather [hbm4b:s4+s21], $0x80, s12, s21, $0xb8;
	[tilespmem:$0x1BE00] =	vst v63  }
0x3f: {  	s9 =	sshll.u32 s10, $0x9;
	s16 =	sor.u32 $0x100, s12;
	s12 =	sadd.s32 $0x1, s10  }
0x40: {  	[tilespmem:s16], [sflag:s0] =	stream.linear.gather [hbm4b:s17+s3], $0x80, $0x38;
	[tilespmem:$0x1BE00] =	vst v63  }
0x41: {  	s13 =	simm.s32 @!p0 $0x0;
	s5 =	sadd.s32 $0x10, s17;
	_ =	swait.ge [sflag:s12], $0x4000  }
0x42: {  	s14 =	sshrl.u32 s9, $0x2;
	s11 =	sor.u32 $0x200, s8;
	[sflag:s12] =	ssyncset.done $0x0  }
0x43: {  	s16 =	sshrl.u32 @!p0 s9, $0x2;
	s9 =	sadd.s32 $0x5, s10;
	[sflag:s12] =	ssyncadd.s32 $0xFFFFC000  }
0x44: {  	[tilespmem:s16], [sflag:$0x7] =	stream.linear.gather @!p0 [hbm4b:s7+s13], $0x80, $0x38;
	[tilespmem:$0x1BE00] =	vst v63  }
0x45: {  	s0 =	simm.s32 $0x3;
	s10 =	sadd.s32 $0x3, s10;
	_ =	swait.ge [sflag:s9], $0x80  }
0x46: {  	s12 =	sor.u32 $0x100, s14;
	s16 =	smov.u32 s7;
	[sflag:s9] =	ssyncset.done $0x0  }
.LBB2_2:
0x47: {  	[sflag:s9] =	ssyncadd.s32 $0xFFFFFF80  }
0x48: {  	s16 =	sadd.s32 $0x10, s16;
	s9 =	smov.u32 s0;
	s0 =	sadd.s32 $0x1, s0  }
0x49: {  	[spmem:s2] =	stream.indirect.scatter.add.f32 [tilespmem:s11], [sflag:s10], $0x80, s12, s21, $0xb8;
	[tilespmem:$0x1BE00] =	vst v63  }
0x4a: {  	p0 =	sne.s32 s0, $0x4E;
	_ =	swait.ge [sflag:s23], $0x80  }
0x4b: {  	s10 =	sand.u32 $0x1, s9;
	[sflag:s23] =	ssyncset.done $0x0  }
0x4c: {  	s11 =	sadd.s32 $0x3, s10;
	s12 =	sshll.u32 s10, $0xE;
	[sflag:s23] =	ssyncadd.s32 $0xFFFFFF80  }
0x4d: {  	s9 =	sadd.s32 $0xFFFFFFFF, s9;
	_ =	swait.ge [sflag:s11], $0x4000  }
0x4e: {  	s13 =	sadd.s32 $0x1, s10;
	s8 =	sshll.u32 s10, $0x7;
	[sflag:s11] =	ssyncset.done $0x0  }
0x4f: {  	s10 =	sadd.s32 $0x5, s10;
	[sflag:s11] =	ssyncadd.s32 $0xFFFFC000;
	s11 =	sor.u32 $0x200, s12  }
0x50: {  	[tilespmem:s11], [sflag:s13] =	stream.indirect.gather [hbm4b:s4+s21], $0x80, s8, s21, $0xb8;
	[tilespmem:$0x1BE00] =	vst v63  }
0x51: {  	p1 =	sgt.u32 s9, $0x4B;
	s8 =	sor.u32 $0x100, s8;
	s11 =	sand.u32 $0x1, s9  }
0x52: {  	[tilespmem:s8], [sflag:s10] =	stream.linear.gather [hbm4b:s5+s3], $0x80, $0x38;
	[tilespmem:$0x1BE00] =	vst v63  }
0x53: {  	s12 =	sshll.u32 s11, $0x9;
	s8 =	sshll.u32 s11, $0xE;
	s10 =	sadd.s32 $0x1, s11  }
0x54: {  	s14 =	simm.s32 @!p1 $0x0;
	s13 =	sshrl.u32 s12, $0x2;
	_ =	swait.ge [sflag:s10], $0x4000  }
.Ltmp0:
0x55: {  	s12 =	sshrl.u32 @!p1 s12, $0x2;
	[sflag:s10] =	ssyncset.done $0x0;
	(pc) =	sbr.rel @p0 .LBB2_2-.Ltmp0, $4  }
0x56: {  	s9 =	sadd.s32 $0x5, s11;
	[sflag:s10] =	ssyncadd.s32 $0xFFFFC000  }
0x57: {  	[tilespmem:s12], [sflag:$0x7] =	stream.linear.gather @!p1 [hbm4b:s16+s14], $0x80, $0x38;
	[tilespmem:$0x1BE00] =	vst v63  }
0x58: {  	s5 =	sadd.s32 $0x10, s5;
	s10 =	sadd.s32 $0x3, s11;
	_ =	swait.ge [sflag:s9], $0x80  }
0x59: {  	s11 =	sor.u32 $0x200, s8;
	s12 =	sor.u32 $0x100, s13;
	[sflag:s9] =	ssyncset.done $0x0  }
0x5a: {  	[sflag:s9] =	ssyncadd.s32 $0xFFFFFF80  }
0x5b: {  	[spmem:s2] =	stream.indirect.scatter.add.f32 [tilespmem:s11], [sflag:s10], $0x80, s12, s21, $0xb8;
	[tilespmem:$0x1BE00] =	vst v63  }
0x5c: {  	_ =	swait.ge [sflag:s28], $0x4000  }
0x5d: {  	[sflag:s28] =	ssyncset.done $0x0  }
0x5e: {  	[sflag:s28] =	ssyncadd.s32 $0xFFFFC000  }
0x5f: {  	_ =	swait.ge [sflag:s29], $0x80  }
0x60: {  	[sflag:s29] =	ssyncset.done $0x0  }
0x61: {  	[sflag:s29] =	ssyncadd.s32 $0xFFFFFF80  }
0x62: {  	[spmem:s2] =	stream.indirect.scatter.add.f32 [tilespmem:s24], [sflag:$0x4], $0x80, s25, s21, $0xb8;
	[tilespmem:$0x1BE00] =	vst v63  }
0x63: {  	_ =	swait.ge [sflag:s30], $0x4000  }
0x64: {  	[sflag:s30] =	ssyncset.done $0x0  }
0x65: {  	[sflag:s30] =	ssyncadd.s32 $0xFFFFC000  }
0x66: {  	_ =	swait.ge [sflag:s31], $0x4000  }
0x67: {  	[sflag:s31] =	ssyncset.done $0x0  }
0x68: {  	s0 =	rddreg [dreg:$0x6];
	[sflag:s31] =	ssyncadd.s32 $0xFFFFC000  }
0x69: {  	[tilespmem:s3], [sflag:$0x8] =	stream.linear.gather [hbm4b:s0+s3], $0x10, $0x38;
	[tilespmem:$0x1BE00] =	vst v63  }
0x6a: {  	_ =	swait.ge [sflag:s19], $0x10  }
0x6b: {  	[sflag:s19] =	ssyncset.done $0x0  }
0x6c: {  	s12 =	rddreg [dreg:$0x7];
	[sflag:s19] =	ssyncadd.s32 $0xFFFFFFF0  }
0x6d: {  	[tilespmem:s20], [sflag:$0x8] =	stream.linear.gather [hbm4b:s12+s3], $0x10, $0x38;
	[tilespmem:$0x1BE00] =	vst v63  }
0x6e: {  	_ =	swait.ge [sflag:s19], $0x10  }
0x6f: {  	[sflag:s19] =	ssyncset.done $0x0  }
0x70: {  	[sflag:s19] =	ssyncadd.s32 $0xFFFFFFF0  }
0x71: {  	[tilespmem:$0x110] =	vst v0  }
0x72: {  	[tilespmem:$0x120] =	vst v1  }
0x73: {  	[tilespmem:$0x130] =	vst v2  }
0x74: {  	[tilespmem:$0x140] =	vst v3  }
0x75: {  	[tilespmem:$0x150] =	vst v4  }
0x76: {  	[tilespmem:$0x160] =	vst v5  }
0x77: {  	s13 =	simm.s32 $0x10;
	[tilespmem:$0x170] =	vst v6  }
0x78: {  	[tilespmem:s22], [sflag:$0x1] =	stream.indirect.gather [hbm4b:s4+s13], $0x80, s3, s13, $0xb8;
	[tilespmem:$0x1BE00] =	vst v63  }
0x79: {  	_ =	swait.ge [sflag:s26], $0x800  }
0x7a: {  	[sflag:s26] =	ssyncset.done $0x0  }
0x7b: {  	[sflag:s26] =	ssyncadd.s32 $0xFFFFF800  }
0x7c: {  	[spmem:s2] =	stream.indirect.scatter.add.f32 [tilespmem:s22], [sflag:$0x8], $0x80, s20, s21, $0xb8;
	[tilespmem:$0x1BE00] =	vst v63  }
0x7d: {  	_ =	swait.ge [sflag:s19], $0x4000  }
0x7e: {  	[sflag:s19] =	ssyncset.done $0x0  }
0x7f: {  	[sflag:s19] =	ssyncadd.s32 $0xFFFFC000  }
0x80: {  	[bflag:$0x0] =	sbarrier.arrive $0xFFFF  }
0x81: {  	s14 =	rddreg [dreg:$0x8]  }
0x82: {  	[hbm:s14], [sflag:s6] =	dma.local [spmem:s18], $0x2780  }
0x83: {  	_ =	swait.ge [sflag:s19], $0x2780  }
0x84: {  	s1 =	sadd.s32 $0x1, s1;
	s16 =	rddreg [dreg:$0x9]  }
0x85: {  	p0 =	sne.s32 s1, s16  }
.Ltmp1:
0x86: {  	_ = 	snop;
	(pc) =	sbr.rel @p0 .LBB2_1-.Ltmp1, $3  }
0x87: {  	_ =	sdelay $0x1  }
0x88: {  	[sflag:s19] =	ssyncset.done $0x0  }
0x89: {  	[sflag:s19] =	ssyncadd.s32 $0xFFFFD880  }
0x8a: {  	_ =	sfence.sel $0x180000  }
0x8b: {  	[bflag:$0x0] =	sbarrier.arrive $0xFFFF  }
0x8c: {  	_ =	strace $0x9000004A  }
0x8d: {  	s0 =	stileid.u32;
	[bflag:$0x2] =	sbarrier.arrive $0xFFFF  }
0x8e: {  	p0 =	sne.s32 s0, $0x0;
	s0 =	rddreg [dreg:$0x2]  }
0x8f: {  	s0 =	sadd.s32 @!p0 $0x100000, s0  }
0x90: {  	[sflag:s0] =	ssyncadd.tile.s32 @!p0 $0x1;
	_ =	shalt  }
.Lfunc_end2:
_tile_overlayer_lowered:
.L_overlay_start_2:
0x91: {  	(tag) =	ssettag $0x2  }
0x92: {  	s0 =	rddreg [dreg:$0x0];
	s2 =	stileid.u32  }
0x93: {  	s1 =	rddreg [dreg:$0x1];
	p0 =	sne.s32 s2, $0x0  }
0x94: {  	s3 =	rddreg [dreg:$0x2];
	[bflag:$0x3] =	sbarrier.arrive $0xFFFF;
	s2 =	simm.s32 @!p0 $0x1C08  }
0x95: {  	[timem:s3], [sflag:s2] =	dma.local @!p0 [hbm:s0], s1  }
0x96: {  	s0 =	simm.s32 @!p0 $0x8  }
0x97: {  	_ =	swait.ge @!p0 [sflag:s0], s1  }
0x98: {  	s1 =	ssub.s32 @!p0 $0x0, s1;
	[sflag:s0] =	ssyncset.done @!p0 $0x0  }
0x99: {  	[sflag:s0] =	ssyncadd.s32 @!p0 s1  }
0x9a: {  	[bflag:$0x3] =	sbarrier.arrive $0xFFFF  }
0x9b: {  	_ =	shalt  }

// kernel: kernel.16.cloned.1.call-start
scs
__scs_entry_jumppad:
0x0: {  	(pc) =	sbr.rel $0x88, $3  }
0x1: {  	(tag) =	ssettag $0x0;
	lr =	simm.s32 $0x1  }
0x2: {  	[smem:$0x3F93] =	sst lr;
	_ =	strace $0xD0000000  }
0x3: {  	_ = 	snop  }
0x4: {  	_ = 	snop  }
0x5: {  	_ = 	snop  }
0x6: {  	_ = 	snop  }
0x7: {  	_ = 	snop  }
__scs_overlays_trampoline_lowered:
0x8: {  	[smem:$0x3FA2] =	sst s0  }
0x9: {  	[smem:$0x3FA3] =	sst s1  }
0xa: {  	[smem:$0x3FA4] =	sst s2  }
0xb: {  	[smem:$0x3FA5] =	sst s3  }
0xc: {  	[smem:$0x3FA6] =	sst s4  }
0xd: {  	[smem:$0x3FA7] =	sst s5  }
0xe: {  	[smem:$0x3FA8] =	sst s6  }
0xf: {  	[smem:$0x3FA9] =	sst s7  }
0x10: {  	[smem:$0x3FAA] =	sst s8  }
0x11: {  	[smem:$0x3FAB] =	sst s9;
	s0 =	simm.s32 @!p0 $0x0  }
0x12: {  	s1 =	sld [smem:$0x3F91];
	s0 =	simm.s32 @p0 $0x1  }
0x13: {  	[smem:$0x3FAC] =	sst s0;
	s0 =	simm.s32 @!p1 $0x0  }
0x14: {  	s2 =	sld [smem:$0x3F90];
	s0 =	simm.s32 @p1 $0x1  }
0x15: {  	[smem:$0x3FAD] =	sst s0;
	s0 =	simm.s32 @!p2 $0x0  }
0x16: {  	s3 =	sld [smem:$0x3FDB];
	s0 =	simm.s32 @p2 $0x1  }
0x17: {  	s4 =	simm.s32 $0x1BF5;
	[smem:$0x3FAF] =	sst s0  }
0x18: {  	s0 =	sld [smem:$0x3F92];
	_ =	swait.ge [sflag:s4], $0x0  }
0x19: {  	s7 =	sld [smem:$0x3F93]  }
0x1a: {  	s8 =	sadd.s32 $0xFFFFE003, lr  }
0x1b: {  	s9 =	sadd.s32 $0xFFFFFEF7, lr;
	s5 =	simm.s32 $0xFFFFFFFF;
	p2 =	slt.u32 s8, $0xFFFFF086  }
0x1c: {  	p1 =	slt.u32 s9, $0xF7A;
	s5 =	simm.s32 @!p2 $0x0  }
0x1d: {  	s5 =	simm.s32 @p1 $0x1;
	p0 =	seq.s32 s7, s2  }
0x1e: {  	s7 =	smul.u32 @!p0 $0xF7A, s2;
	p2 =	seq.s32 @!p0 s5, $0x0  }
0x1f: {  	s9 =	smul.u32 $0xF7A, s1;
	s8 =	simm.s32 @!p0 $0x1BF5;
	p2 =	por !p2, p0  }
0x20: {  	[sflag:s8] =	ssyncset.s32 @!p0 $0xFFFFF086;
	s6 =	sadd.s32 @!p0 s3, s7;
	s7 =	simm.s32 @!p0 $0x108  }
0x21: {  	s3 =	sadd.s32 s3, s9;
	s6 =	sadd.s32 @!p0 $0x88, s6;
	s7 =	simm.s32 @p2 $0x1082  }
0x22: {  	[simem:s7], [sflag:s8] =	dma.local @!p0 [hbm:s6], $0xF7A  }
0x23: {  	s9 =	sor.u32 $0xD0000000, s2;
	s6 =	simm.s32 $0x108;
	_ =	swait.ge @!p0 [sflag:s8], $0x0  }
0x24: {  	s3 =	sadd.s32 $0x88, s3;
	s6 =	simm.s32 @!p1 $0x1082;
	[sflag:s4] =	ssyncset.s32 $0xFFFFF086  }
0x25: {  	[simem:s6], [sflag:s4] =	dma.local [hbm:s3], $0xF7A  }
0x26: {  	[smem:$0x3F93] =	sst s1;
	(tag) =	ssettag s2;
	_ =	strace s9  }
0x27: {  	s1 =	sld [smem:$0x3FA3]  }
0x28: {  	s2 =	sld [smem:$0x3FA4]  }
0x29: {  	s4 =	sld [smem:$0x3FA6]  }
0x2a: {  	p0 =	seq.s32 s5, $0x0;
	s5 =	sld [smem:$0x3FA7]  }
0x2b: {  	s6 =	sld [smem:$0x3FA8]  }
0x2c: {  	s7 =	sld [smem:$0x3FA9]  }
0x2d: {  	s3 =	simm.s32 $0x108;
	s8 =	sld [smem:$0x3FAA]  }
0x2e: {  	s3 =	simm.s32 @!p0 $0x1082;
	s9 =	sld [smem:$0x3FAB]  }
0x2f: {  	lr =	sadd.s32 s0, s3;
	s0 =	sld [smem:$0x3FA2]  }
0x30: {  	s3 =	sld [smem:$0x3FA5]  }
0x31: {  	[smem:$0x3FAE] =	sst s10  }
0x32: {  	s10 =	sld [smem:$0x3FAC];
	_ =	sdelay $0x3  }
0x33: {  	p0 =	seq.s32 s10, $0x1;
	s10 =	sld [smem:$0x3FAE];
	_ =	sdelay $0x3  }
0x34: {  	[smem:$0x3FAE] =	sst s10  }
0x35: {  	s10 =	sld [smem:$0x3FAD];
	_ =	sdelay $0x3  }
0x36: {  	p1 =	seq.s32 s10, $0x1;
	s10 =	sld [smem:$0x3FAE];
	_ =	sdelay $0x3  }
0x37: {  	[smem:$0x3FAE] =	sst s10  }
0x38: {  	s10 =	sld [smem:$0x3FAF]  }
0x39: {  	_ = 	snop;
	(pc) =	sbr.ind lr, $3  }
0x3a: {  	_ = 	snop  }
0x3b: {  	_ = 	snop  }
0x3c: {  	p2 =	seq.s32 s10, $0x1;
	s10 =	sld [smem:$0x3FAE]  }
0x3d: {  	_ =	shalt  }
0x3e: {  	_ =	shalt  }
0x3f: {  	_ =	shalt  }
0x40: {  	_ =	shalt  }
0x41: {  	_ =	shalt  }
0x42: {  	_ =	shalt  }
0x43: {  	_ =	shalt  }
0x44: {  	_ =	shalt  }
0x45: {  	_ =	shalt  }
0x46: {  	_ =	shalt  }
0x47: {  	_ =	shalt  }
0x48: {  	_ =	shalt  }
0x49: {  	_ =	shalt  }
0x4a: {  	_ =	shalt  }
0x4b: {  	_ =	shalt  }
0x4c: {  	_ =	shalt  }
0x4d: {  	_ =	shalt  }
0x4e: {  	_ =	shalt  }
0x4f: {  	_ =	shalt  }
0x50: {  	_ =	shalt  }
0x51: {  	_ =	shalt  }
0x52: {  	_ =	shalt  }
0x53: {  	_ =	shalt  }
0x54: {  	_ =	shalt  }
0x55: {  	_ =	shalt  }
0x56: {  	_ =	shalt  }
0x57: {  	_ =	shalt  }
0x58: {  	_ =	shalt  }
0x59: {  	_ =	shalt  }
0x5a: {  	_ =	shalt  }
0x5b: {  	_ =	shalt  }
0x5c: {  	_ =	shalt  }
0x5d: {  	_ =	shalt  }
0x5e: {  	_ =	shalt  }
0x5f: {  	_ =	shalt  }
0x60: {  	_ =	shalt  }
0x61: {  	_ =	shalt  }
0x62: {  	_ =	shalt  }
0x63: {  	_ =	shalt  }
0x64: {  	_ =	shalt  }
0x65: {  	_ =	shalt  }
0x66: {  	_ =	shalt  }
0x67: {  	_ =	shalt  }
0x68: {  	_ =	shalt  }
0x69: {  	_ =	shalt  }
0x6a: {  	_ =	shalt  }
0x6b: {  	_ =	shalt  }
0x6c: {  	_ =	shalt  }
0x6d: {  	_ =	shalt  }
0x6e: {  	_ =	shalt  }
0x6f: {  	_ =	shalt  }
0x70: {  	_ =	shalt  }
0x71: {  	_ =	shalt  }
0x72: {  	_ =	shalt  }
0x73: {  	_ =	shalt  }
0x74: {  	_ =	shalt  }
0x75: {  	_ =	shalt  }
0x76: {  	_ =	shalt  }
0x77: {  	_ =	shalt  }
0x78: {  	_ =	shalt  }
0x79: {  	_ =	shalt  }
0x7a: {  	_ =	shalt  }
0x7b: {  	_ =	shalt  }
0x7c: {  	_ =	shalt  }
0x7d: {  	_ =	shalt  }
0x7e: {  	_ =	shalt  }
0x7f: {  	_ =	shalt  }
0x80: {  	_ =	shalt  }
0x81: {  	_ =	shalt  }
0x82: {  	_ =	shalt  }
0x83: {  	_ =	shalt  }
0x84: {  	_ =	shalt  }
0x85: {  	_ =	shalt  }
0x86: {  	_ =	shalt  }
0x87: {  	_ =	shalt  }
.Lfunc_end0:
.L_simem_size_0:
called_computation.2_lowered:
.L_overlay_start_0:
0x88: {  	s2 =	sld [smem:$0x3FD9]  }
0x89: {  	s3 =	sld [smem:$0x3FFE];
	_ =	sdelay $0x1  }
0x8a: {  	s1 =	srdreg.scid  }
0x8b: {  	s0 =	sand.u32 $0x1, s1  }
0x8c: {  	s16 =	sshll.u32 s0, $0xA;
	s2 =	sadd.s32 s3, s2  }
0x8d: {  	s2 =	sadd.s32 s2, s16  }
0x8e: {  	[smem:$0x3FBA] =	sst s2  }
0x8f: {  	_ = 	snop  }
0x90: {  	(tm) =	ssettm $0x1  }
0x91: {  	s17 =	sld [smem:$0x3FFB];
	_ =	sdelay $0x3  }
0x92: {  	_ =	strace s17  }
0x93: {  	s2 =	sld [smem:$0x3FFC];
	_ =	sdelay $0x3  }
0x94: {  	_ =	strace s2  }
0x95: {  	s2 =	sld [smem:$0x3FFD];
	_ =	sdelay $0x3  }
0x96: {  	_ =	strace s2  }
0x97: {  	_ =	strace $0x8FFFFFFF  }
0x98: {  	s18 =	sld [smem:$0x3FDB];
	_ =	sdelay $0x1  }
0x99: {  	s19 =	simm.s32 $_scs_section_size  }
0x9a: {  	s4 =	simm.s32 $_size__tile_overlayer_lowered;
	s5 =	simm.s32 $_tile_overlayer_lowered  }
0x9b: {  	s22 =	simm.s32 $0x1BFF;
	s21 =	sshll.u32 s5, $0x1;
	s2 =	sadd.s32 s19, s18  }
0x9c: {  	s6 =	simm.s32 $0x0;
	s20 =	sshll.u32 s4, $0x1;
	s4 =	sadd.s32 s21, s2  }
0x9d: {  	[timem:s6], [sflag:s22] =	dma.local [hbm:s4], s20  }
0x9e: {  	_ =	swait.ge [sflag:s22], s20  }
0x9f: {  	s3 =	ssub.s32 $0x0, s20;
	[sflag:s22] =	ssyncset.done $0x0  }
0xa0: {  	[sflag:s22] =	ssyncadd.s32 s3;
	_ =	sdelay $0x1  }
0xa1: {  	s23 =	simm.s32 $0x1B8B  }
0xa2: {  	_ =	swait.ge [sflag:s23], $0x1  }
0xa3: {  	[sflag:s23] =	ssyncset.done $0x0  }
0xa4: {  	s25 =	simm.s32 $0x1B8E;
	s24 =	sld [smem:$0x3FFE];
	[sflag:s23] =	ssyncadd.s32 $0xFFFFFFFF  }
0xa5: {  	s26 =	simm.s32 $execute0_lowered;
	[smem:$0x3FD2] =	sst s25  }
0xa6: {  	s4 =	sshll.u32 s26, $0x1;
	_ =	strace $0x8000004C;
	[dreg:$0x1] =	wrdreg $0xFFFFFFFF  }
0xa7: {  	s28 =	simm.s32 $_size_execute0_lowered;
	s2 =	sadd.s32 s2, s4;
	[dreg:$0x0] =	wrdreg $0x0  }
0xa8: {  	s4 =	sshll.u32 s28, $0x1;
	[dreg:$0x2] =	wrdreg s2  }
0xa9: {  	[dreg:$0x3] =	wrdreg s4  }
0xaa: {  	[dreg:$0x4] =	wrdreg $0xC0  }
0xab: {  	_ =	task [dreg:s6], $0x5FFFF  }
0xac: {  	[dreg:$0x1] =	wrdreg $0xFFFFFFFF  }
0xad: {  	[dreg:$0x0] =	wrdreg $0x60  }
0xae: {  	[dreg:$0x2] =	wrdreg s24  }
0xaf: {  	[dreg:$0x3] =	wrdreg $0x82000  }
0xb0: {  	[dreg:$0x4] =	wrdreg $0x9  }
0xb1: {  	_ =	task.clear_ibuf [dreg:s6], $0x5FFFF;
	_ =	strace $0x9000004C  }
0xb2: {  	s29 =	simm.s32 $0x9;
	_ =	strace $0x8000004E  }
0xb3: {  	_ =	swait.ge [sflag:s29], $0x1  }
0xb4: {  	[sflag:s29] =	ssyncadd.s32 $0xFFFFFFFF  }
0xb5: {  	_ =	strace $0x9000004E  }
0xb6: {  	_ =	sfence  }
0xb7: {  	s30 =	sld [smem:$0x0];
	_ =	sdelay $0x2  }
0xb8: {  	s31 =	sshll.u32 s1, $0xD;
	s1 =	sshrl.u32 s1, $0x2  }
0xb9: {  	s3 =	sand.u32 $0x4000, s31;
	s1 =	sadd.s32 s1, s30  }
0xba: {  	s0 =	sor.u32 s3, s0;
	s1 =	sshll.u32 s1, $0x11  }
0xbb: {  	s0 =	sor.u32 s1, s0  }
0xbc: {  	s0 =	sadd.s32 $0x8F2B, s0  }
0xbd: {  	[sflag:s0] =	ssyncadd.remote.s32 $0x1  }
0xbe: {  	_ =	sfence.sel $0xFFFF  }
0xbf: {  	[dreg:$0x0] =	wrdreg $0xFFFFFFFF;
	(pc) =	sbr.abs _section_cstart, $3  }
0xc0: {  	[dreg:$0x1] =	wrdreg $0xFFFFFFFF  }
0xc1: {  	_ =	task.clear_ibuf [dreg:s6], $0x2FFFF;
	_ =	strace $0x9FFFFFFF  }
0xc2: {  	(tm) =	ssettm $0x7FFFFFFF  }
0xc3: {  	_ =	shalt  }
tec
execute0_lowered:
.L_overlay_start_1:
0x0: {  	(tag) =	ssettag $0x1  }
0x1: {  	s0 =	rddreg [dreg:$0x0]  }
0x2: {  	s2 =	rddreg [dreg:$0x1];
	s3 =	simm.s32 $0x0  }
0x3: {  	s14 =	stileid.u32;
	s4 =	srdreg.scid;
	s28 =	simm.s32 $0x2  }
0x4: {  	s29 =	simm.s32 $0x6;
	s30 =	simm.s32 $0x4;
	s31 =	simm.s32 $0x3  }
0x5: {  	[smem:$0x7FF] =	sst s3;
	s1 =	smul.u32 $0x13C00, s14;
	s5 =	sand.u32 $0x1, s4  }
0x6: {  	s4 =	sadd.s32 $0x3F600, s0;
	s9 =	sadd.s32 $0x35800, s0;
	s10 =	sadd.s32 $0x2BA00, s0  }
0x7: {  	s8 =	smul.u32 $0x4F000, s14;
	s17 =	sshll.u32 s14, $0x6;
	_ =	strace $0x8000004D  }
0x8: {  	s7 =	smul.u32 $0x13C000, s5;
	s13 =	sshll.u32 s5, $0x4;
	s11 =	ssub.s32 $0x2, s5  }
0x9: {  	s5 =	smul.u32 $0x27100, s5;
	s6 =	sshrl.u32 s1, $0x3;
	s12 =	sshrl.u32 s11, $0x1  }
0xa: {  	s8 =	sshrl.u32 s8, $0x2;
	s6 =	sadd.s32 s6, s0;
	s1 =	sadd.s32 s1, s7  }
0xb: {  	s7 =	sor.u32 s14, s13;
	s15 =	ssub.s32 s11, s12;
	s16 =	sadd.s32 s8, s2  }
0xc: {  	s14 =	smul.u32 $0x2710, s14;
	s1 =	sshrl.u32 s1, $0x3;
	s6 =	sadd.s32 $0x4200, s6  }
0xd: {  	s7 =	smul.u32 $0x2710, s7;
	s0 =	sadd.s32 s1, s0;
	[dreg:$0x3] =	wrdreg s6  }
0xe: {  	s6 =	sor.u32 $0x1C08, s17;
	s23 =	sadd.s32 s14, s5;
	s1 =	smax.u32 s15, $0x1  }
0xf: {  	s7 =	sshrl.u32 s7, $0x3;
	s0 =	sadd.s32 $0x66800, s0;
	[dreg:$0x9] =	wrdreg s1  }
0x10: {  	s24 =	sadd.s32 $0x180, s23;
	s18 =	sadd.s32 s10, s7;
	s19 =	sadd.s32 $0x10, s7  }
0x11: {  	s13 =	sadd.s32 $0x4E0, s7;
	s7 =	sadd.s32 s9, s7;
	[dreg:$0x8] =	wrdreg s0  }
0x12: {  	s0 =	sadd.s32 $0x100, s23;
	s1 =	sshrl.u32 s24, $0x3;
	s23 =	simm.s32 $0x7  }
0x13: {  	s24 =	simm.s32 $0x4200;
	[dreg:$0x4] =	wrdreg s18;
	s20 =	sadd.s32 s9, s19  }
0x14: {  	s21 =	sadd.s32 s9, s13;
	s22 =	sadd.s32 s10, s13;
	[dreg:$0x5] =	wrdreg s20  }
0x15: {  	s25 =	sadd.s32 s10, s19;
	s0 =	sshrl.u32 s0, $0x3;
	[dreg:$0x6] =	wrdreg s21  }
0x16: {  	s15 =	smov.u32 s7;
	s26 =	sadd.s32 $0x20, s7;
	[dreg:$0x7] =	wrdreg s22  }
0x17: {  	s7 =	sadd.s32 s1, s9;
	s18 =	sshrl.u32 s16, $0x3;
	[dreg:$0xa] =	wrdreg s25  }
0x18: {  	v0 =	vimm.s32 $0x2711;
	s19 =	simm.s32 $0x8;
	s1 =	simm.s32 $0x0;
	[dreg:$0xb] =	wrdreg s26  }
0x19: {  	v1 =	vimm.s32 $0x2712;
	v2 =	vimm.s32 $0x2713;
	v3 =	vimm.s32 $0x2714;
	s17 =	sadd.s32 s0, s10;
	s20 =	simm.s32 $0x100;
	s21 =	simm.s32 $0x80  }
0x1a: {  	v4 =	vimm.s32 $0x2715;
	v5 =	vimm.s32 $0x2716;
	v6 =	vimm.s32 $0x2717;
	s22 =	simm.s32 $0x200;
	s25 =	simm.s32 $0x180;
	s26 =	simm.s32 $0x1  }
.LBB2_1:
0x1b: {  	s0 =	rddreg [dreg:$0x3]  }
0x1c: {  	[spmem:s18], [sflag:s6] =	dma.local [hbm:s0], $0x2780  }
0x1d: {  	_ =	swait.ge [sflag:s19], $0x2780  }
0x1e: {  	[sflag:s19] =	ssyncset.done $0x0  }
0x1f: {  	s9 =	rddreg [dreg:$0x4];
	[sflag:s19] =	ssyncadd.s32 $0xFFFFD880  }
0x20: {  	[tilespmem:s20], [sflag:$0x8] =	stream.linear.gather [hbm4b:s9+s3], $0x80, $0x38;
	[tilespmem:$0x1BE00] =	vst v63  }
0x21: {  	_ =	swait.ge [sflag:s19], $0x80  }
0x22: {  	[sflag:s19] =	ssyncset.done $0x0  }
0x23: {  	[sflag:s19] =	ssyncadd.s32 $0xFFFFFF80  }
0x24: {  	[tilespmem:s3], [sflag:$0x8] =	stream.linear.gather [hbm4b:s15+s3], $0x80, $0x38;
	[tilespmem:$0x1BE00] =	vst v63  }
0x25: {  	_ =	swait.ge [sflag:s19], $0x80  }
0x26: {  	[sflag:s19] =	ssyncset.done $0x0  }
0x27: {  	s10 =	rddreg [dreg:$0x5];
	[sflag:s19] =	ssyncadd.s32 $0xFFFFFF80  }
0x28: {  	[tilespmem:s21], [sflag:$0x7] =	stream.linear.gather [hbm4b:s10+s3], $0x80, $0x38;
	[tilespmem:$0x1BE00] =	vst v63  }
0x29: {  	_ = 	snop  }
0x2a: {  	[tilespmem:s22], [sflag:$0x1] =	stream.indirect.gather [hbm4b:s4+s21], $0x80, s3, s21, $0xb8;
	[tilespmem:$0x1BE00] =	vst v63  }
0x2b: {  	[bflag:$0x0] =	sbarrier.arrive $0xFFFF  }
0x2c: {  	_ =	swait.ge [sflag:s23], $0x80  }
0x2d: {  	[sflag:s23] =	ssyncset.done $0x0  }
0x2e: {  	[sflag:s23] =	ssyncadd.s32 $0xFFFFFF80  }
0x2f: {  	[tilespmem:s24], [sflag:$0x2] =	stream.indirect.gather [hbm4b:s4+s21], $0x80, s21, s21, $0xb8;
	[tilespmem:$0x1BE00] =	vst v63  }
0x30: {  	s11 =	rddreg [dreg:$0xa]  }
0x31: {  	[tilespmem:s25], [sflag:$0x6] =	stream.linear.gather [hbm4b:s11+s3], $0x80, $0x38;
	[tilespmem:$0x1BE00] =	vst v63  }
0x32: {  	_ =	swait.ge [sflag:s26], $0x4000  }
0x33: {  	[sflag:s26] =	ssyncset.done $0x0  }
0x34: {  	s12 =	rddreg [dreg:$0xb];
	[sflag:s26] =	ssyncadd.s32 $0xFFFFC000  }
0x35: {  	[tilespmem:s3], [sflag:$0x7] =	stream.linear.gather [hbm4b:s12+s3], $0x80, $0x38;
	[tilespmem:$0x1BE00] =	vst v63  }
0x36: {  	_ = 	snop  }
0x37: {  	[spmem:s2] =	stream.indirect.scatter.add.f32 [tilespmem:s22], [sflag:$0x3], $0x80, s20, s21, $0xb8;
	[tilespmem:$0x1BE00] =	vst v63  }
0x38: {  	s13 =	sand.u32 $0x1, s28;
	_ =	swait.ge [sflag:s23], $0x80  }
0x39: {  	p0 =	por $0x0, $0x0;
	s5 =	sadd.s32 $0x3, s13;
	[sflag:s23] =	ssyncset.done $0x0  }
0x3a: {  	s0 =	sadd.s32 $0x5, s13;
	s10 =	simm.s32 $0x1;
	[sflag:s23] =	ssyncadd.s32 $0xFFFFFF80  }
0x3b: {  	s9 =	sshll.u32 s13, $0xE;
	s10 =	sand.u32 $0x1, s10;
	_ =	swait.ge [sflag:s5], $0x4000  }
0x3c: {  	s14 =	sor.u32 $0x200, s9;
	s8 =	sshll.u32 s10, $0xE;
	[sflag:s5] =	ssyncset.done $0x0  }
0x3d: {  	s11 =	sadd.s32 $0x1, s13;
	s12 =	sshll.u32 s13, $0x7;
	[sflag:s5] =	ssyncadd.s32 $0xFFFFC000  }
0x3e: {  	[tilespmem:s14], [sflag:s11] =	stream.indirect.gather [hbm4b:s4+s21], $0x80, s12, s21, $0xb8;
	[tilespmem:$0x1BE00] =	vst v63  }
0x3f: {  	s9 =	sshll.u32 s10, $0x9;
	s16 =	sor.u32 $0x100, s12;
	s12 =	sadd.s32 $0x1, s10  }
0x40: {  	[tilespmem:s16], [sflag:s0] =	stream.linear.gather [hbm4b:s17+s3], $0x80, $0x38;
	[tilespmem:$0x1BE00] =	vst v63  }
0x41: {  	s13 =	simm.s32 @!p0 $0x0;
	s5 =	sadd.s32 $0x10, s17;
	_ =	swait.ge [sflag:s12], $0x4000  }
0x42: {  	s14 =	sshrl.u32 s9, $0x2;
	s11 =	sor.u32 $0x200, s8;
	[sflag:s12] =	ssyncset.done $0x0  }
0x43: {  	s16 =	sshrl.u32 @!p0 s9, $0x2;
	s9 =	sadd.s32 $0x5, s10;
	[sflag:s12] =	ssyncadd.s32 $0xFFFFC000  }
0x44: {  	[tilespmem:s16], [sflag:$0x7] =	stream.linear.gather @!p0 [hbm4b:s7+s13], $0x80, $0x38;
	[tilespmem:$0x1BE00] =	vst v63  }
0x45: {  	s0 =	simm.s32 $0x3;
	s10 =	sadd.s32 $0x3, s10;
	_ =	swait.ge [sflag:s9], $0x80  }
0x46: {  	s12 =	sor.u32 $0x100, s14;
	s16 =	smov.u32 s7;
	[sflag:s9] =	ssyncset.done $0x0  }
.LBB2_2:
0x47: {  	[sflag:s9] =	ssyncadd.s32 $0xFFFFFF80  }
0x48: {  	s16 =	sadd.s32 $0x10, s16;
	s9 =	smov.u32 s0;
	s0 =	sadd.s32 $0x1, s0  }
0x49: {  	[spmem:s2] =	stream.indirect.scatter.add.f32 [tilespmem:s11], [sflag:s10], $0x80, s12, s21, $0xb8;
	[tilespmem:$0x1BE00] =	vst v63  }
0x4a: {  	p0 =	sne.s32 s0, $0x4E;
	_ =	swait.ge [sflag:s23], $0x80  }
0x4b: {  	s10 =	sand.u32 $0x1, s9;
	[sflag:s23] =	ssyncset.done $0x0  }
0x4c: {  	s11 =	sadd.s32 $0x3, s10;
	s12 =	sshll.u32 s10, $0xE;
	[sflag:s23] =	ssyncadd.s32 $0xFFFFFF80  }
0x4d: {  	s9 =	sadd.s32 $0xFFFFFFFF, s9;
	_ =	swait.ge [sflag:s11], $0x4000  }
0x4e: {  	s13 =	sadd.s32 $0x1, s10;
	s8 =	sshll.u32 s10, $0x7;
	[sflag:s11] =	ssyncset.done $0x0  }
0x4f: {  	s10 =	sadd.s32 $0x5, s10;
	[sflag:s11] =	ssyncadd.s32 $0xFFFFC000;
	s11 =	sor.u32 $0x200, s12  }
0x50: {  	[tilespmem:s11], [sflag:s13] =	stream.indirect.gather [hbm4b:s4+s21], $0x80, s8, s21, $0xb8;
	[tilespmem:$0x1BE00] =	vst v63  }
0x51: {  	p1 =	sgt.u32 s9, $0x4B;
	s8 =	sor.u32 $0x100, s8;
	s11 =	sand.u32 $0x1, s9  }
0x52: {  	[tilespmem:s8], [sflag:s10] =	stream.linear.gather [hbm4b:s5+s3], $0x80, $0x38;
	[tilespmem:$0x1BE00] =	vst v63  }
0x53: {  	s12 =	sshll.u32 s11, $0x9;
	s8 =	sshll.u32 s11, $0xE;
	s10 =	sadd.s32 $0x1, s11  }
0x54: {  	s14 =	simm.s32 @!p1 $0x0;
	s13 =	sshrl.u32 s12, $0x2;
	_ =	swait.ge [sflag:s10], $0x4000  }
.Ltmp0:
0x55: {  	s12 =	sshrl.u32 @!p1 s12, $0x2;
	[sflag:s10] =	ssyncset.done $0x0;
	(pc) =	sbr.rel @p0 .LBB2_2-.Ltmp0, $4  }
0x56: {  	s9 =	sadd.s32 $0x5, s11;
	[sflag:s10] =	ssyncadd.s32 $0xFFFFC000  }
0x57: {  	[tilespmem:s12], [sflag:$0x7] =	stream.linear.gather @!p1 [hbm4b:s16+s14], $0x80, $0x38;
	[tilespmem:$0x1BE00] =	vst v63  }
0x58: {  	s5 =	sadd.s32 $0x10, s5;
	s10 =	sadd.s32 $0x3, s11;
	_ =	swait.ge [sflag:s9], $0x80  }
0x59: {  	s11 =	sor.u32 $0x200, s8;
	s12 =	sor.u32 $0x100, s13;
	[sflag:s9] =	ssyncset.done $0x0  }
0x5a: {  	[sflag:s9] =	ssyncadd.s32 $0xFFFFFF80  }
0x5b: {  	[spmem:s2] =	stream.indirect.scatter.add.f32 [tilespmem:s11], [sflag:s10], $0x80, s12, s21, $0xb8;
	[tilespmem:$0x1BE00] =	vst v63  }
0x5c: {  	_ =	swait.ge [sflag:s28], $0x4000  }
0x5d: {  	[sflag:s28] =	ssyncset.done $0x0  }
0x5e: {  	[sflag:s28] =	ssyncadd.s32 $0xFFFFC000  }
0x5f: {  	_ =	swait.ge [sflag:s29], $0x80  }
0x60: {  	[sflag:s29] =	ssyncset.done $0x0  }
0x61: {  	[sflag:s29] =	ssyncadd.s32 $0xFFFFFF80  }
0x62: {  	[spmem:s2] =	stream.indirect.scatter.add.f32 [tilespmem:s24], [sflag:$0x4], $0x80, s25, s21, $0xb8;
	[tilespmem:$0x1BE00] =	vst v63  }
0x63: {  	_ =	swait.ge [sflag:s30], $0x4000  }
0x64: {  	[sflag:s30] =	ssyncset.done $0x0  }
0x65: {  	[sflag:s30] =	ssyncadd.s32 $0xFFFFC000  }
0x66: {  	_ =	swait.ge [sflag:s31], $0x4000  }
0x67: {  	[sflag:s31] =	ssyncset.done $0x0  }
0x68: {  	s0 =	rddreg [dreg:$0x6];
	[sflag:s31] =	ssyncadd.s32 $0xFFFFC000  }
0x69: {  	[tilespmem:s3], [sflag:$0x8] =	stream.linear.gather [hbm4b:s0+s3], $0x10, $0x38;
	[tilespmem:$0x1BE00] =	vst v63  }
0x6a: {  	_ =	swait.ge [sflag:s19], $0x10  }
0x6b: {  	[sflag:s19] =	ssyncset.done $0x0  }
0x6c: {  	s12 =	rddreg [dreg:$0x7];
	[sflag:s19] =	ssyncadd.s32 $0xFFFFFFF0  }
0x6d: {  	[tilespmem:s20], [sflag:$0x8] =	stream.linear.gather [hbm4b:s12+s3], $0x10, $0x38;
	[tilespmem:$0x1BE00] =	vst v63  }
0x6e: {  	_ =	swait.ge [sflag:s19], $0x10  }
0x6f: {  	[sflag:s19] =	ssyncset.done $0x0  }
0x70: {  	[sflag:s19] =	ssyncadd.s32 $0xFFFFFFF0  }
0x71: {  	[tilespmem:$0x110] =	vst v0  }
0x72: {  	[tilespmem:$0x120] =	vst v1  }
0x73: {  	[tilespmem:$0x130] =	vst v2  }
0x74: {  	[tilespmem:$0x140] =	vst v3  }
0x75: {  	[tilespmem:$0x150] =	vst v4  }
0x76: {  	[tilespmem:$0x160] =	vst v5  }
0x77: {  	s13 =	simm.s32 $0x10;
	[tilespmem:$0x170] =	vst v6  }
0x78: {  	[tilespmem:s22], [sflag:$0x1] =	stream.indirect.gather [hbm4b:s4+s13], $0x80, s3, s13, $0xb8;
	[tilespmem:$0x1BE00] =	vst v63  }
0x79: {  	_ =	swait.ge [sflag:s26], $0x800  }
0x7a: {  	[sflag:s26] =	ssyncset.done $0x0  }
0x7b: {  	[sflag:s26] =	ssyncadd.s32 $0xFFFFF800  }
0x7c: {  	[spmem:s2] =	stream.indirect.scatter.add.f32 [tilespmem:s22], [sflag:$0x8], $0x80, s20, s21, $0xb8;
	[tilespmem:$0x1BE00] =	vst v63  }
0x7d: {  	_ =	swait.ge [sflag:s19], $0x4000  }
0x7e: {  	[sflag:s19] =	ssyncset.done $0x0  }
0x7f: {  	[sflag:s19] =	ssyncadd.s32 $0xFFFFC000  }
0x80: {  	[bflag:$0x0] =	sbarrier.arrive $0xFFFF  }
0x81: {  	s14 =	rddreg [dreg:$0x8]  }
0x82: {  	[hbm:s14], [sflag:s6] =	dma.local [spmem:s18], $0x2780  }
0x83: {  	_ =	swait.ge [sflag:s19], $0x2780  }
0x84: {  	s1 =	sadd.s32 $0x1, s1;
	s16 =	rddreg [dreg:$0x9]  }
0x85: {  	p0 =	sne.s32 s1, s16  }
.Ltmp1:
0x86: {  	_ = 	snop;
	(pc) =	sbr.rel @p0 .LBB2_1-.Ltmp1, $3  }
0x87: {  	_ =	sdelay $0x1  }
0x88: {  	[sflag:s19] =	ssyncset.done $0x0  }
0x89: {  	[sflag:s19] =	ssyncadd.s32 $0xFFFFD880  }
0x8a: {  	_ =	sfence.sel $0x180000  }
0x8b: {  	[bflag:$0x0] =	sbarrier.arrive $0xFFFF  }
0x8c: {  	_ =	strace $0x9000004D  }
0x8d: {  	s0 =	stileid.u32;
	[bflag:$0x2] =	sbarrier.arrive $0xFFFF  }
0x8e: {  	p0 =	sne.s32 s0, $0x0;
	s0 =	rddreg [dreg:$0x2]  }
0x8f: {  	s0 =	sadd.s32 @!p0 $0x100000, s0  }
0x90: {  	[sflag:s0] =	ssyncadd.tile.s32 @!p0 $0x1;
	_ =	shalt  }
.Lfunc_end2:
_tile_overlayer_lowered:
.L_overlay_start_2:
0x91: {  	(tag) =	ssettag $0x2  }
0x92: {  	s0 =	rddreg [dreg:$0x0];
	s2 =	stileid.u32  }
0x93: {  	s1 =	rddreg [dreg:$0x1];
	p0 =	sne.s32 s2, $0x0  }
0x94: {  	s3 =	rddreg [dreg:$0x2];
	[bflag:$0x3] =	sbarrier.arrive $0xFFFF;
	s2 =	simm.s32 @!p0 $0x1C08  }
0x95: {  	[timem:s3], [sflag:s2] =	dma.local @!p0 [hbm:s0], s1  }
0x96: {  	s0 =	simm.s32 @!p0 $0x8  }
0x97: {  	_ =	swait.ge @!p0 [sflag:s0], s1  }
0x98: {  	s1 =	ssub.s32 @!p0 $0x0, s1;
	[sflag:s0] =	ssyncset.done @!p0 $0x0  }
0x99: {  	[sflag:s0] =	ssyncadd.s32 @!p0 s1  }
0x9a: {  	[bflag:$0x3] =	sbarrier.arrive $0xFFFF  }
0x9b: {  	_ =	shalt  }

</sc_bundles>
